<compile_context>
chip_gen: v7x
topology: tpu7x:2x2x1
jax: 0.10.2.dev20260603
libtpu: 0.0.44.dev20260713+nightly
codegen_flags: <defaults>
</compile_context>

<pallas_src>
import functools

import jax
import jax.numpy as jnp
from jax import lax
from jax.experimental import pallas as pl
from jax.experimental.pallas import tpu as pltpu
from jax.experimental.pallas import tpu_sc as plsc

NC = 2
NS = 16
NW = NC * NS
CH = 128

_HI = lax.Precision.HIGHEST


def _sc_mesh():
    return plsc.VectorSubcoreMesh(
        core_axis_name="c", subcore_axis_name="s", num_cores=NC, num_subcores=NS
    )



def _degree_call(src2d, dst2d, ones_v, zeros_r, n_pad, n_chunk):
    rt = n_pad // NS

    @functools.partial(
        pl.kernel,
        out_type=jax.ShapeDtypeStruct((NC, 2, n_pad), jnp.float32),
        mesh=_sc_mesh(),
        scratch_types=[
            pltpu.VMEM((n_chunk, CH), jnp.int32),
            pltpu.VMEM((n_chunk, CH), jnp.int32),
            pltpu.VMEM((CH,), jnp.float32),
            pltpu.VMEM((rt,), jnp.float32),
            pltpu.VMEM_SHARED((n_pad,), jnp.float32),
            pltpu.VMEM_SHARED((n_pad,), jnp.float32),
        ],
    )
    def k(src_h, dst_h, ones_h, zer_h, out_h, idx_s, idx_d, one_v, buf,
          deg_s, deg_d):
        c = lax.axis_index("c")
        s = lax.axis_index("s")
        wid = c * NS + s
        pltpu.sync_copy(src_h.at[pl.ds(wid * n_chunk, n_chunk)], idx_s)
        pltpu.sync_copy(dst_h.at[pl.ds(wid * n_chunk, n_chunk)], idx_d)
        pltpu.sync_copy(ones_h, one_v)
        pltpu.sync_copy(zer_h, buf)
        pltpu.sync_copy(buf, deg_s.at[pl.ds(s * rt, rt)])
        pltpu.sync_copy(buf, deg_d.at[pl.ds(s * rt, rt)])
        plsc.subcore_barrier()

        def body(j, carry):
            pltpu.sync_copy(one_v, deg_s.at[idx_s.at[j]], add=True)
            pltpu.sync_copy(one_v, deg_d.at[idx_d.at[j]], add=True)
            return carry

        lax.fori_loop(0, n_chunk, body, 0)
        plsc.subcore_barrier()
        pltpu.sync_copy(deg_s.at[pl.ds(s * rt, rt)], buf)
        pltpu.sync_copy(buf, out_h.at[c, 0, pl.ds(s * rt, rt)])
        pltpu.sync_copy(deg_d.at[pl.ds(s * rt, rt)], buf)
        pltpu.sync_copy(buf, out_h.at[c, 1, pl.ds(s * rt, rt)])

    return k(src2d, dst2d, ones_v, zeros_r)


def _scatter_call(p, src2d, dst2d, zeros_ch, n_pad, n_chunk, h):
    rt = n_pad // NS
    nz = rt // CH

    nslot = 2
    ngrp = n_chunk // nslot

    @functools.partial(
        pl.kernel,
        out_type=jax.ShapeDtypeStruct((NC, n_pad, h), jnp.float32),
        mesh=_sc_mesh(),
        scratch_types=[
            pltpu.VMEM((n_chunk, CH), jnp.int32),
            pltpu.VMEM((n_chunk, CH), jnp.int32),
        ]
        + [pltpu.VMEM((CH, h), jnp.float32) for _ in range(nslot)]
        + [pltpu.VMEM_SHARED((n_pad, h), jnp.float32)]
        + [pltpu.VMEM_SHARED((n_pad, h), jnp.float32)]
        + [pltpu.SemaphoreType.DMA for _ in range(nslot)],
        compiler_params=pltpu.CompilerParams(use_tc_tiling_on_sc=False),
    )
    def k(p_h, src_h, dst_h, zer_h, out_h, idx_s, idx_d, *rest):
        rows = rest[:nslot]
        buf = rows[0]
        agg = rest[nslot]
        pspm = rest[nslot + 1]
        sems = rest[nslot + 2:]
        c = lax.axis_index("c")
        s = lax.axis_index("s")
        wid = c * NS + s
        pltpu.sync_copy(p_h.at[pl.ds(s * rt, rt)], pspm.at[pl.ds(s * rt, rt)])
        pltpu.sync_copy(zer_h, buf)
        for t in range(nz):
            pltpu.sync_copy(buf, agg.at[pl.ds(s * rt + t * CH, CH)])
        plsc.subcore_barrier()

        pltpu.sync_copy(src_h.at[pl.ds(wid * n_chunk, n_chunk)], idx_s)
        pltpu.sync_copy(dst_h.at[pl.ds(wid * n_chunk, n_chunk)], idx_d)
        for kk in range(nslot):
            pltpu.async_copy(pspm.at[idx_s.at[kk]], rows[kk], sems[kk])

        def body(g, carry):
            for kk in range(nslot):
                j = g * nslot + kk
                pltpu.make_async_copy(pspm.at[idx_s.at[j]], rows[kk],
                                      sems[kk]).wait()
                pltpu.sync_copy(rows[kk], agg.at[idx_d.at[j]], add=True)

                @pl.when(g < ngrp - 1)
                def _():
                    pltpu.async_copy(pspm.at[idx_s.at[j + nslot]],
                                     rows[kk], sems[kk])

            return carry

        lax.fori_loop(0, ngrp, body, 0)
        plsc.subcore_barrier()
        pltpu.sync_copy(agg.at[pl.ds(s * rt, rt)],
                        out_h.at[c, pl.ds(s * rt, rt)])

    return k(p, src2d, dst2d, zeros_ch)



def _proj_kernel(f_ref, w_ref, o_ref):
    o_ref[...] = lax.dot_general(f_ref[...], w_ref[...],
                                 (((1,), (0,)), ((), ())),
                                 preferred_element_type=jnp.float32)


def _proj_call(f_pad, w1, n_pad, bm):
    d_in, h = w1.shape
    return pl.pallas_call(
        _proj_kernel,
        grid=(n_pad // bm,),
        in_specs=[
            pl.BlockSpec((bm, d_in), lambda i: (i, 0)),
            pl.BlockSpec((d_in, h), lambda i: (0, 0)),
        ],
        out_specs=pl.BlockSpec((bm, h), lambda i: (i, 0)),
        out_shape=jax.ShapeDtypeStruct((n_pad, h), jnp.float32),
    )(f_pad, w1)


def _normscale_kernel(deg_ref, q_ref, p_ref, ns_ref, nd_ref):
    d = deg_ref[...]
    ns = lax.rsqrt(jnp.maximum(d[0, 0] + d[1, 0], 1.0))[:, None]
    nd = lax.rsqrt(jnp.maximum(d[0, 1] + d[1, 1], 1.0))[:, None]
    ns_ref[...] = ns
    nd_ref[...] = nd
    p_ref[...] = q_ref[...] * ns


def _normscale_call(deg, q1, n_pad, bm):
    h = q1.shape[-1]
    return pl.pallas_call(
        _normscale_kernel,
        grid=(n_pad // bm,),
        in_specs=[
            pl.BlockSpec((NC, 2, bm), lambda i: (0, 0, i)),
            pl.BlockSpec((bm, h), lambda i: (i, 0)),
        ],
        out_specs=[
            pl.BlockSpec((bm, h), lambda i: (i, 0)),
            pl.BlockSpec((bm, 1), lambda i: (i, 0)),
            pl.BlockSpec((bm, 1), lambda i: (i, 0)),
        ],
        out_shape=[
            jax.ShapeDtypeStruct((n_pad, h), jnp.float32),
            jax.ShapeDtypeStruct((n_pad, 1), jnp.float32),
            jax.ShapeDtypeStruct((n_pad, 1), jnp.float32),
        ],
    )(deg, q1)


def _combine_kernel(a_ref, nd_ref, ns_ref, b_ref, w_ref, o_ref):
    a = a_ref[0] + a_ref[1]
    hval = jnp.maximum(a * nd_ref[...] + b_ref[...], 0.0)
    o_ref[...] = lax.dot_general(hval * ns_ref[...], w_ref[...],
                                 (((1,), (0,)), ((), ())),
                                 preferred_element_type=jnp.float32)


def _combine_call(agg, nd_col, ns_col, b, w, n_pad, bm):
    h_in, h_out = w.shape
    grid = (n_pad // bm,)
    return pl.pallas_call(
        _combine_kernel,
        grid=grid,
        in_specs=[
            pl.BlockSpec((NC, bm, h_in), lambda i: (0, i, 0)),
            pl.BlockSpec((bm, 1), lambda i: (i, 0)),
            pl.BlockSpec((bm, 1), lambda i: (i, 0)),
            pl.BlockSpec((h_in,), lambda i: (0,)),
            pl.BlockSpec((h_in, h_out), lambda i: (0, 0)),
        ],
        out_specs=pl.BlockSpec((bm, h_out), lambda i: (i, 0)),
        out_shape=jax.ShapeDtypeStruct((n_pad, h_out), jnp.float32),
    )(agg, nd_col, ns_col, b, w)


def _zcombine_kernel(a_ref, nd_ref, b_ref, z_ref):
    z_ref[...] = (a_ref[0] + a_ref[1]) * nd_ref[...] + b_ref[...]


def _zcombine_call(agg, nd_col, b3, n, bm):
    h = agg.shape[-1]
    return pl.pallas_call(
        _zcombine_kernel,
        grid=(n // bm,),
        in_specs=[
            pl.BlockSpec((NC, bm, h), lambda i: (0, i, 0)),
            pl.BlockSpec((bm, 1), lambda i: (i, 0)),
            pl.BlockSpec((h,), lambda i: (0,)),
        ],
        out_specs=pl.BlockSpec((bm, h), lambda i: (i, 0)),
        out_shape=jax.ShapeDtypeStruct((n, h), jnp.float32),
    )(agg, nd_col, b3)


def _decoder_kernel(zi_ref, zall_ref, adj_ref):
    t = lax.dot_general(zi_ref[...], zall_ref[...], (((1,), (1,)), ((), ())),
                        preferred_element_type=jnp.float32)
    adj_ref[...] = 0.5 * jnp.tanh(0.5 * t) + 0.5


def _decoder_call(z, n, bd):
    h = z.shape[-1]
    return pl.pallas_call(
        _decoder_kernel,
        grid=(n // bd,),
        in_specs=[
            pl.BlockSpec((bd, h), lambda i: (i, 0)),
            pl.BlockSpec((n, h), lambda i: (0, 0)),
        ],
        out_specs=pl.BlockSpec((bd, n), lambda i: (i, 0)),
        out_shape=jax.ShapeDtypeStruct((n, n), jnp.float32),
    )(z, z)



def kernel(features, edge_index, W1, b1, W2, b2, W3, b3):
    n, _ = features.shape
    e = edge_index.shape[1]
    h1 = W1.shape[1]
    h2 = W3.shape[1]

    n_pad = ((n + 1 + NS * CH - 1) // (NS * CH)) * (NS * CH)
    ept = ((e + NW * CH * 8 - 1) // (NW * CH * 8)) * CH * 8
    ep = ept * NW
    n_chunk = ept // CH
    pad_row = n

    src = edge_index[0]
    dst = edge_index[1]
    pad = jnp.full((ep - e,), pad_row, jnp.int32)
    src2d = jnp.concatenate([src, pad]).reshape(ep // CH, CH)
    dst2d = jnp.concatenate([dst, pad]).reshape(ep // CH, CH)

    f_pad = jnp.pad(features, ((0, n_pad - n), (0, 0)))
    ones_v = jnp.ones((CH,), jnp.float32)
    zeros_r = jnp.zeros((n_pad // NS,), jnp.float32)
    zeros_h1 = jnp.zeros((CH, h1), jnp.float32)
    zeros_h2 = jnp.zeros((CH, h2), jnp.float32)

    bm = 2048
    deg = _degree_call(src2d, dst2d, ones_v, zeros_r, n_pad, n_chunk)
    q1 = _proj_call(f_pad, W1, n_pad, bm)
    p1, ns_col, nd_col = _normscale_call(deg, q1, n_pad, bm)
    agg1 = _scatter_call(p1, src2d, dst2d, zeros_h1, n_pad, n_chunk, h1)
    p2 = _combine_call(agg1, nd_col, ns_col, b1, W2, n_pad, bm)
    agg2 = _scatter_call(p2, src2d, dst2d, zeros_h1, n_pad, n_chunk, h1)
    p3 = _combine_call(agg2, nd_col, ns_col, b2, W3, n_pad, bm)
    agg3 = _scatter_call(p3, src2d, dst2d, zeros_h2, n_pad, n_chunk, h2)

    z = _zcombine_call(agg3, nd_col, b3, n, 1000)
    adj = _decoder_call(z, n, 200)
    return (adj, z)

# --- scband reference (transcript-rebuilt; emitter-appended) ---
"""Pipeline reference for scband-gaemodel-23356032156257 (READ-ONLY COPY).

The authoritative reference and input builder live on the scoring server;
editing this copy changes nothing except your own understanding.
"""

import jax, jax.numpy as jnp
import numpy as np

N = 10000
E = 320000
D_IN = 128
H1 = 64
H2 = 32


def _xavier(key, fan_in, fan_out):
    a = float(np.sqrt(6.0 / (fan_in + fan_out)))
    return jax.random.uniform(key, (fan_in, fan_out), minval=-a, maxval=a, dtype=jnp.float32)


def setup_inputs(seed: int = 0) -> dict:
    key = jax.random.key(seed)
    ks = jax.random.split(key, 6)
    features = jax.random.normal(ks[0], (N, D_IN), dtype=jnp.float32)
    edge_index = jax.random.randint(ks[1], (2, E), 0, N, dtype=jnp.int32)
    W1 = _xavier(ks[2], D_IN, H1)
    b1 = jnp.zeros((H1,), dtype=jnp.float32)
    W2 = _xavier(ks[3], H1, H1)
    b2 = jnp.zeros((H1,), dtype=jnp.float32)
    W3 = _xavier(ks[4], H1, H2)
    b3 = jnp.zeros((H2,), dtype=jnp.float32)
    return {"features": features, "edge_index": edge_index,
            "W1": W1, "b1": b1, "W2": W2, "b2": b2, "W3": W3, "b3": b3}


def _graph_conv(h, W, b, src, dst, norm_src, norm_dst, activation):
    # DGL GraphConv with norm='both', allow_zero_in_degree=True:
    # h_src = h * out_deg^{-1/2}; project; sum-aggregate to dst; * in_deg^{-1/2}; + bias; act
    h = h * norm_src[:, None]
    h = h @ W
    agg = jnp.zeros((N, W.shape[1]), dtype=h.dtype).at[dst].add(h[src])
    agg = agg * norm_dst[:, None] + b
    return activation(agg)


def reference(features, edge_index, W1, b1, W2, b2, W3, b3):
    src = edge_index[0]
    dst = edge_index[1]
    ones = jnp.ones((E,), dtype=jnp.float32)
    out_deg = jnp.clip(jax.ops.segment_sum(ones, src, num_segments=N), 1.0, None)
    in_deg = jnp.clip(jax.ops.segment_sum(ones, dst, num_segments=N), 1.0, None)
    norm_src = out_deg ** -0.5
    norm_dst = in_deg ** -0.5
    h = _graph_conv(features, W1, b1, src, dst, norm_src, norm_dst, jax.nn.relu)
    h = _graph_conv(h, W2, b2, src, dst, norm_src, norm_dst, jax.nn.relu)
    z = _graph_conv(h, W3, b3, src, dst, norm_src, norm_dst, lambda x: x)
    adj_rec = jax.nn.sigmoid(z @ z.T)
    return (adj_rec, z)

if __name__ == "__main__":
    import jax
    _d = setup_inputs()
    print(jax.jit(kernel)(*tuple(_d.values())))

</pallas_src>

<mosaic_0001>
#map = affine_map<(d0, d1) -> (0, 0)>
#map1 = affine_map<(d0, d1) -> (0, 0, 0)>
module attributes {stable_mosaic.version = 14 : i64} {
  func.func @k(%arg0: i32, %arg1: i32, %arg2: memref<10240x64xf32, #tpu.memory_space<hbm>>, %arg3: memref<2560x128xi32, #tpu.memory_space<hbm>>, %arg4: memref<2560x128xi32, #tpu.memory_space<hbm>>, %arg5: memref<128x64xf32, #tpu.memory_space<hbm>>, %arg6: memref<2x10240x64xf32, #tpu.memory_space<hbm>>, %arg7: memref<80x128xi32, #tpu.memory_space<vmem>>, %arg8: memref<80x128xi32, #tpu.memory_space<vmem>>, %arg9: memref<128x64xf32, #tpu.memory_space<vmem>>, %arg10: memref<128x64xf32, #tpu.memory_space<vmem>>, %arg11: memref<10240x64xf32, #tpu.memory_space<vmem_shared>>, %arg12: memref<10240x64xf32, #tpu.memory_space<vmem_shared>>, %arg13: memref<!tpu.dma_semaphore, #tpu.memory_space<semaphore_mem>>, %arg14: memref<!tpu.dma_semaphore, #tpu.memory_space<semaphore_mem>>) attributes {dimension_semantics = [#tpu.dimension_semantics<core_parallel>, #tpu.dimension_semantics<subcore_parallel>], iteration_bounds = array<i64: 2, 16>, scalar_prefetch = 0 : i64, scratch_operands = 8 : i64, tpu.core_type = #tpu.core_type<sc_vector_subcore>, window_params = [{transform_indices = #map}, {transform_indices = #map}, {transform_indices = #map}, {transform_indices = #map}, {transform_indices = #map1}]} {
    %mul3A = arith.constant 16 : i32
    %mul3A_0 = arith.muli %arg0, %mul3A : i32
    %add3A = arith.addi %mul3A_0, %arg1 : i32
    %mul3A_1 = arith.constant 640 : i32
    %mul3A_2 = arith.muli %arg1, %mul3A_1 : i32
    %mul3A_3 = arith.constant 640 : i32
    %mul3A_4 = arith.muli %arg1, %mul3A_3 : i32
    "tpu.region"() ({
      %run_scoped3A = tpu.sem_alloc : memref<!tpu.dma_semaphore, #tpu.memory_space<semaphore_mem>>
      %dma_start3A_52 = arith.constant 0 : i32
      %dma_start3A_53 = tpu.memref_slice %arg12[%mul3A_4, %dma_start3A_52] : memref<10240x64xf32, #tpu.memory_space<vmem_shared>> -> memref<640x64xf32, #tpu.memory_space<vmem_shared>>
      %dma_start3A_54 = arith.constant 0 : i32
      %dma_start3A_55 = tpu.memref_slice %arg2[%mul3A_2, %dma_start3A_54] : memref<10240x64xf32, #tpu.memory_space<hbm>> -> memref<640x64xf32, #tpu.memory_space<hbm>>
      tpu.enqueue_dma source(%dma_start3A_55 : memref<640x64xf32, #tpu.memory_space<hbm>>) target(%dma_start3A_53 : memref<640x64xf32, #tpu.memory_space<vmem_shared>>) target_semaphore(%run_scoped3A : memref<!tpu.dma_semaphore, #tpu.memory_space<semaphore_mem>>)
      %dma_wait3A = arith.constant 0 : i32
      %dma_wait3A_56 = tpu.memref_slice %arg12[%mul3A_4, %dma_wait3A] : memref<10240x64xf32, #tpu.memory_space<vmem_shared>> -> memref<640x64xf32, #tpu.memory_space<vmem_shared>>
      %dma_wait3A_57 = arith.constant 0 : i32
      %dma_wait3A_58 = tpu.memref_slice %arg2[%mul3A_2, %dma_wait3A_57] : memref<10240x64xf32, #tpu.memory_space<hbm>> -> memref<640x64xf32, #tpu.memory_space<hbm>>
      tpu.wait_dma2 semaphore(%run_scoped3A : memref<!tpu.dma_semaphore, #tpu.memory_space<semaphore_mem>>) src(%dma_wait3A_58 : memref<640x64xf32, #tpu.memory_space<hbm>>) dst(%dma_wait3A_56 : memref<640x64xf32, #tpu.memory_space<vmem_shared>>)
      tpu.yield
    }) : () -> ()
    "tpu.region"() ({
      %run_scoped3A = tpu.sem_alloc : memref<!tpu.dma_semaphore, #tpu.memory_space<semaphore_mem>>
      tpu.enqueue_dma source(%arg5 : memref<128x64xf32, #tpu.memory_space<hbm>>) target(%arg9 : memref<128x64xf32, #tpu.memory_space<vmem>>) target_semaphore(%run_scoped3A : memref<!tpu.dma_semaphore, #tpu.memory_space<semaphore_mem>>)
      tpu.wait_dma2 semaphore(%run_scoped3A : memref<!tpu.dma_semaphore, #tpu.memory_space<semaphore_mem>>) src(%arg5 : memref<128x64xf32, #tpu.memory_space<hbm>>) dst(%arg9 : memref<128x64xf32, #tpu.memory_space<vmem>>)
      tpu.yield
    }) : () -> ()
    %mul3A_5 = arith.constant 640 : i32
    %mul3A_6 = arith.muli %arg1, %mul3A_5 : i32
    %add3A_7 = arith.constant 0 : i32
    %add3A_8 = arith.addi %mul3A_6, %add3A_7 : i32
    "tpu.region"() ({
      %run_scoped3A = tpu.sem_alloc : memref<!tpu.dma_semaphore, #tpu.memory_space<semaphore_mem>>
      %dma_start3A_52 = arith.constant 0 : i32
      %dma_start3A_53 = tpu.memref_slice %arg11[%add3A_8, %dma_start3A_52] : memref<10240x64xf32, #tpu.memory_space<vmem_shared>> -> memref<128x64xf32, #tpu.memory_space<vmem_shared>>
      %dma_start3A_54 = arith.constant 0 : i32
      %dma_start3A_55 = tpu.memref_slice %arg11[%add3A_8, %dma_start3A_54] : memref<10240x64xf32, #tpu.memory_space<vmem_shared>> -> memref<128x64xf32, #tpu.memory_space<vmem_shared>>
      tpu.enqueue_dma source(%arg9 : memref<128x64xf32, #tpu.memory_space<vmem>>) target(%dma_start3A_55 : memref<128x64xf32, #tpu.memory_space<vmem_shared>>) target_semaphore(%run_scoped3A : memref<!tpu.dma_semaphore, #tpu.memory_space<semaphore_mem>>)
      %dma_wait3A = arith.constant 0 : i32
      %dma_wait3A_56 = tpu.memref_slice %arg11[%add3A_8, %dma_wait3A] : memref<10240x64xf32, #tpu.memory_space<vmem_shared>> -> memref<128x64xf32, #tpu.memory_space<vmem_shared>>
      %dma_wait3A_57 = arith.constant 0 : i32
      %dma_wait3A_58 = tpu.memref_slice %arg11[%add3A_8, %dma_wait3A_57] : memref<10240x64xf32, #tpu.memory_space<vmem_shared>> -> memref<128x64xf32, #tpu.memory_space<vmem_shared>>
      tpu.wait_dma2 semaphore(%run_scoped3A : memref<!tpu.dma_semaphore, #tpu.memory_space<semaphore_mem>>) src(%arg9 : memref<128x64xf32, #tpu.memory_space<vmem>>) dst(%dma_wait3A_58 : memref<128x64xf32, #tpu.memory_space<vmem_shared>>)
      tpu.yield
    }) : () -> ()
    %mul3A_9 = arith.constant 640 : i32
    %mul3A_10 = arith.muli %arg1, %mul3A_9 : i32
    %add3A_11 = arith.constant 128 : i32
    %add3A_12 = arith.addi %mul3A_10, %add3A_11 : i32
    "tpu.region"() ({
      %run_scoped3A = tpu.sem_alloc : memref<!tpu.dma_semaphore, #tpu.memory_space<semaphore_mem>>
      %dma_start3A_52 = arith.constant 0 : i32
      %dma_start3A_53 = tpu.memref_slice %arg11[%add3A_12, %dma_start3A_52] : memref<10240x64xf32, #tpu.memory_space<vmem_shared>> -> memref<128x64xf32, #tpu.memory_space<vmem_shared>>
      %dma_start3A_54 = arith.constant 0 : i32
      %dma_start3A_55 = tpu.memref_slice %arg11[%add3A_12, %dma_start3A_54] : memref<10240x64xf32, #tpu.memory_space<vmem_shared>> -> memref<128x64xf32, #tpu.memory_space<vmem_shared>>
      tpu.enqueue_dma source(%arg9 : memref<128x64xf32, #tpu.memory_space<vmem>>) target(%dma_start3A_55 : memref<128x64xf32, #tpu.memory_space<vmem_shared>>) target_semaphore(%run_scoped3A : memref<!tpu.dma_semaphore, #tpu.memory_space<semaphore_mem>>)
      %dma_wait3A = arith.constant 0 : i32
      %dma_wait3A_56 = tpu.memref_slice %arg11[%add3A_12, %dma_wait3A] : memref<10240x64xf32, #tpu.memory_space<vmem_shared>> -> memref<128x64xf32, #tpu.memory_space<vmem_shared>>
      %dma_wait3A_57 = arith.constant 0 : i32
      %dma_wait3A_58 = tpu.memref_slice %arg11[%add3A_12, %dma_wait3A_57] : memref<10240x64xf32, #tpu.memory_space<vmem_shared>> -> memref<128x64xf32, #tpu.memory_space<vmem_shared>>
      tpu.wait_dma2 semaphore(%run_scoped3A : memref<!tpu.dma_semaphore, #tpu.memory_space<semaphore_mem>>) src(%arg9 : memref<128x64xf32, #tpu.memory_space<vmem>>) dst(%dma_wait3A_58 : memref<128x64xf32, #tpu.memory_space<vmem_shared>>)
      tpu.yield
    }) : () -> ()
    %mul3A_13 = arith.constant 640 : i32
    %mul3A_14 = arith.muli %arg1, %mul3A_13 : i32
    %add3A_15 = arith.constant 256 : i32
    %add3A_16 = arith.addi %mul3A_14, %add3A_15 : i32
    "tpu.region"() ({
      %run_scoped3A = tpu.sem_alloc : memref<!tpu.dma_semaphore, #tpu.memory_space<semaphore_mem>>
      %dma_start3A_52 = arith.constant 0 : i32
      %dma_start3A_53 = tpu.memref_slice %arg11[%add3A_16, %dma_start3A_52] : memref<10240x64xf32, #tpu.memory_space<vmem_shared>> -> memref<128x64xf32, #tpu.memory_space<vmem_shared>>
      %dma_start3A_54 = arith.constant 0 : i32
      %dma_start3A_55 = tpu.memref_slice %arg11[%add3A_16, %dma_start3A_54] : memref<10240x64xf32, #tpu.memory_space<vmem_shared>> -> memref<128x64xf32, #tpu.memory_space<vmem_shared>>
      tpu.enqueue_dma source(%arg9 : memref<128x64xf32, #tpu.memory_space<vmem>>) target(%dma_start3A_55 : memref<128x64xf32, #tpu.memory_space<vmem_shared>>) target_semaphore(%run_scoped3A : memref<!tpu.dma_semaphore, #tpu.memory_space<semaphore_mem>>)
      %dma_wait3A = arith.constant 0 : i32
      %dma_wait3A_56 = tpu.memref_slice %arg11[%add3A_16, %dma_wait3A] : memref<10240x64xf32, #tpu.memory_space<vmem_shared>> -> memref<128x64xf32, #tpu.memory_space<vmem_shared>>
      %dma_wait3A_57 = arith.constant 0 : i32
      %dma_wait3A_58 = tpu.memref_slice %arg11[%add3A_16, %dma_wait3A_57] : memref<10240x64xf32, #tpu.memory_space<vmem_shared>> -> memref<128x64xf32, #tpu.memory_space<vmem_shared>>
      tpu.wait_dma2 semaphore(%run_scoped3A : memref<!tpu.dma_semaphore, #tpu.memory_space<semaphore_mem>>) src(%arg9 : memref<128x64xf32, #tpu.memory_space<vmem>>) dst(%dma_wait3A_58 : memref<128x64xf32, #tpu.memory_space<vmem_shared>>)
      tpu.yield
    }) : () -> ()
    %mul3A_17 = arith.constant 640 : i32
    %mul3A_18 = arith.muli %arg1, %mul3A_17 : i32
    %add3A_19 = arith.constant 384 : i32
    %add3A_20 = arith.addi %mul3A_18, %add3A_19 : i32
    "tpu.region"() ({
      %run_scoped3A = tpu.sem_alloc : memref<!tpu.dma_semaphore, #tpu.memory_space<semaphore_mem>>
      %dma_start3A_52 = arith.constant 0 : i32
      %dma_start3A_53 = tpu.memref_slice %arg11[%add3A_20, %dma_start3A_52] : memref<10240x64xf32, #tpu.memory_space<vmem_shared>> -> memref<128x64xf32, #tpu.memory_space<vmem_shared>>
      %dma_start3A_54 = arith.constant 0 : i32
      %dma_start3A_55 = tpu.memref_slice %arg11[%add3A_20, %dma_start3A_54] : memref<10240x64xf32, #tpu.memory_space<vmem_shared>> -> memref<128x64xf32, #tpu.memory_space<vmem_shared>>
      tpu.enqueue_dma source(%arg9 : memref<128x64xf32, #tpu.memory_space<vmem>>) target(%dma_start3A_55 : memref<128x64xf32, #tpu.memory_space<vmem_shared>>) target_semaphore(%run_scoped3A : memref<!tpu.dma_semaphore, #tpu.memory_space<semaphore_mem>>)
      %dma_wait3A = arith.constant 0 : i32
      %dma_wait3A_56 = tpu.memref_slice %arg11[%add3A_20, %dma_wait3A] : memref<10240x64xf32, #tpu.memory_space<vmem_shared>> -> memref<128x64xf32, #tpu.memory_space<vmem_shared>>
      %dma_wait3A_57 = arith.constant 0 : i32
      %dma_wait3A_58 = tpu.memref_slice %arg11[%add3A_20, %dma_wait3A_57] : memref<10240x64xf32, #tpu.memory_space<vmem_shared>> -> memref<128x64xf32, #tpu.memory_space<vmem_shared>>
      tpu.wait_dma2 semaphore(%run_scoped3A : memref<!tpu.dma_semaphore, #tpu.memory_space<semaphore_mem>>) src(%arg9 : memref<128x64xf32, #tpu.memory_space<vmem>>) dst(%dma_wait3A_58 : memref<128x64xf32, #tpu.memory_space<vmem_shared>>)
      tpu.yield
    }) : () -> ()
    %mul3A_21 = arith.constant 640 : i32
    %mul3A_22 = arith.muli %arg1, %mul3A_21 : i32
    %add3A_23 = arith.constant 512 : i32
    %add3A_24 = arith.addi %mul3A_22, %add3A_23 : i32
    "tpu.region"() ({
      %run_scoped3A = tpu.sem_alloc : memref<!tpu.dma_semaphore, #tpu.memory_space<semaphore_mem>>
      %dma_start3A_52 = arith.constant 0 : i32
      %dma_start3A_53 = tpu.memref_slice %arg11[%add3A_24, %dma_start3A_52] : memref<10240x64xf32, #tpu.memory_space<vmem_shared>> -> memref<128x64xf32, #tpu.memory_space<vmem_shared>>
      %dma_start3A_54 = arith.constant 0 : i32
      %dma_start3A_55 = tpu.memref_slice %arg11[%add3A_24, %dma_start3A_54] : memref<10240x64xf32, #tpu.memory_space<vmem_shared>> -> memref<128x64xf32, #tpu.memory_space<vmem_shared>>
      tpu.enqueue_dma source(%arg9 : memref<128x64xf32, #tpu.memory_space<vmem>>) target(%dma_start3A_55 : memref<128x64xf32, #tpu.memory_space<vmem_shared>>) target_semaphore(%run_scoped3A : memref<!tpu.dma_semaphore, #tpu.memory_space<semaphore_mem>>)
      %dma_wait3A = arith.constant 0 : i32
      %dma_wait3A_56 = tpu.memref_slice %arg11[%add3A_24, %dma_wait3A] : memref<10240x64xf32, #tpu.memory_space<vmem_shared>> -> memref<128x64xf32, #tpu.memory_space<vmem_shared>>
      %dma_wait3A_57 = arith.constant 0 : i32
      %dma_wait3A_58 = tpu.memref_slice %arg11[%add3A_24, %dma_wait3A_57] : memref<10240x64xf32, #tpu.memory_space<vmem_shared>> -> memref<128x64xf32, #tpu.memory_space<vmem_shared>>
      tpu.wait_dma2 semaphore(%run_scoped3A : memref<!tpu.dma_semaphore, #tpu.memory_space<semaphore_mem>>) src(%arg9 : memref<128x64xf32, #tpu.memory_space<vmem>>) dst(%dma_wait3A_58 : memref<128x64xf32, #tpu.memory_space<vmem_shared>>)
      tpu.yield
    }) : () -> ()
    %barrier3A = arith.constant 0 : index
    tpu.barrier barrier_id(%barrier3A)
    %mul3A_25 = arith.constant 80 : i32
    %mul3A_26 = arith.muli %add3A, %mul3A_25 : i32
    "tpu.region"() ({
      %run_scoped3A = tpu.sem_alloc : memref<!tpu.dma_semaphore, #tpu.memory_space<semaphore_mem>>
      %dma_start3A_52 = arith.constant 0 : i32
      %dma_start3A_53 = tpu.memref_slice %arg3[%mul3A_26, %dma_start3A_52] : memref<2560x128xi32, #tpu.memory_space<hbm>> -> memref<80x128xi32, #tpu.memory_space<hbm>>
      %dma_start3A_54 = arith.constant 0 : i32
      %dma_start3A_55 = tpu.memref_slice %arg3[%mul3A_26, %dma_start3A_54] : memref<2560x128xi32, #tpu.memory_space<hbm>> -> memref<80x128xi32, #tpu.memory_space<hbm>>
      tpu.enqueue_dma source(%dma_start3A_55 : memref<80x128xi32, #tpu.memory_space<hbm>>) target(%arg7 : memref<80x128xi32, #tpu.memory_space<vmem>>) target_semaphore(%run_scoped3A : memref<!tpu.dma_semaphore, #tpu.memory_space<semaphore_mem>>)
      %dma_wait3A = arith.constant 0 : i32
      %dma_wait3A_56 = tpu.memref_slice %arg3[%mul3A_26, %dma_wait3A] : memref<2560x128xi32, #tpu.memory_space<hbm>> -> memref<80x128xi32, #tpu.memory_space<hbm>>
      %dma_wait3A_57 = arith.constant 0 : i32
      %dma_wait3A_58 = tpu.memref_slice %arg3[%mul3A_26, %dma_wait3A_57] : memref<2560x128xi32, #tpu.memory_space<hbm>> -> memref<80x128xi32, #tpu.memory_space<hbm>>
      tpu.wait_dma2 semaphore(%run_scoped3A : memref<!tpu.dma_semaphore, #tpu.memory_space<semaphore_mem>>) src(%dma_wait3A_58 : memref<80x128xi32, #tpu.memory_space<hbm>>) dst(%arg7 : memref<80x128xi32, #tpu.memory_space<vmem>>)
      tpu.yield
    }) : () -> ()
    %mul3A_27 = arith.constant 80 : i32
    %mul3A_28 = arith.muli %add3A, %mul3A_27 : i32
    "tpu.region"() ({
      %run_scoped3A = tpu.sem_alloc : memref<!tpu.dma_semaphore, #tpu.memory_space<semaphore_mem>>
      %dma_start3A_52 = arith.constant 0 : i32
      %dma_start3A_53 = tpu.memref_slice %arg4[%mul3A_28, %dma_start3A_52] : memref<2560x128xi32, #tpu.memory_space<hbm>> -> memref<80x128xi32, #tpu.memory_space<hbm>>
      %dma_start3A_54 = arith.constant 0 : i32
      %dma_start3A_55 = tpu.memref_slice %arg4[%mul3A_28, %dma_start3A_54] : memref<2560x128xi32, #tpu.memory_space<hbm>> -> memref<80x128xi32, #tpu.memory_space<hbm>>
      tpu.enqueue_dma source(%dma_start3A_55 : memref<80x128xi32, #tpu.memory_space<hbm>>) target(%arg8 : memref<80x128xi32, #tpu.memory_space<vmem>>) target_semaphore(%run_scoped3A : memref<!tpu.dma_semaphore, #tpu.memory_space<semaphore_mem>>)
      %dma_wait3A = arith.constant 0 : i32
      %dma_wait3A_56 = tpu.memref_slice %arg4[%mul3A_28, %dma_wait3A] : memref<2560x128xi32, #tpu.memory_space<hbm>> -> memref<80x128xi32, #tpu.memory_space<hbm>>
      %dma_wait3A_57 = arith.constant 0 : i32
      %dma_wait3A_58 = tpu.memref_slice %arg4[%mul3A_28, %dma_wait3A_57] : memref<2560x128xi32, #tpu.memory_space<hbm>> -> memref<80x128xi32, #tpu.memory_space<hbm>>
      tpu.wait_dma2 semaphore(%run_scoped3A : memref<!tpu.dma_semaphore, #tpu.memory_space<semaphore_mem>>) src(%dma_wait3A_58 : memref<80x128xi32, #tpu.memory_space<hbm>>) dst(%arg8 : memref<80x128xi32, #tpu.memory_space<vmem>>)
      tpu.yield
    }) : () -> ()
    %dma_start3A = arith.constant 0 : i32
    %dma_start3A_29 = arith.constant 0 : i32
    %dma_start3A_30 = tpu.memref_slice %arg7[%dma_start3A, %dma_start3A_29] : memref<80x128xi32, #tpu.memory_space<vmem>> -> memref<1x128xi32, #tpu.memory_space<vmem>>
    %dma_start3A_31 = tpu.memref_squeeze %dma_start3A_30 : memref<1x128xi32, #tpu.memory_space<vmem>> -> memref<128xi32, #tpu.memory_space<vmem>>
    %dma_start3A_32 = arith.constant 0 : i32
    %dma_start3A_33 = arith.constant 0 : i32
    %dma_start3A_34 = tpu.memref_slice %arg12[%dma_start3A_32, %dma_start3A_33] : memref<10240x64xf32, #tpu.memory_space<vmem_shared>> -> memref<10240x64xf32, #tpu.memory_space<vmem_shared>>
    tpu.enqueue_indirect_dma source(%dma_start3A_34 : memref<10240x64xf32, #tpu.memory_space<vmem_shared>>) target(%arg9 : memref<128x64xf32, #tpu.memory_space<vmem>>) offsets(%dma_start3A_31 : memref<128xi32, #tpu.memory_space<vmem>>) semaphore(%arg13 : memref<!tpu.dma_semaphore, #tpu.memory_space<semaphore_mem>>)
    %dma_start3A_35 = arith.constant 1 : i32
    %dma_start3A_36 = arith.constant 0 : i32
    %dma_start3A_37 = tpu.memref_slice %arg7[%dma_start3A_35, %dma_start3A_36] : memref<80x128xi32, #tpu.memory_space<vmem>> -> memref<1x128xi32, #tpu.memory_space<vmem>>
    %dma_start3A_38 = tpu.memref_squeeze %dma_start3A_37 : memref<1x128xi32, #tpu.memory_space<vmem>> -> memref<128xi32, #tpu.memory_space<vmem>>
    %dma_start3A_39 = arith.constant 0 : i32
    %dma_start3A_40 = arith.constant 0 : i32
    %dma_start3A_41 = tpu.memref_slice %arg12[%dma_start3A_39, %dma_start3A_40] : memref<10240x64xf32, #tpu.memory_space<vmem_shared>> -> memref<10240x64xf32, #tpu.memory_space<vmem_shared>>
    tpu.enqueue_indirect_dma source(%dma_start3A_41 : memref<10240x64xf32, #tpu.memory_space<vmem_shared>>) target(%arg10 : memref<128x64xf32, #tpu.memory_space<vmem>>) offsets(%dma_start3A_38 : memref<128xi32, #tpu.memory_space<vmem>>) semaphore(%arg14 : memref<!tpu.dma_semaphore, #tpu.memory_space<semaphore_mem>>)
    %scan3A = arith.constant 0 : i32
    %scan3A_42 = arith.constant 0 : i32
    %scan3A_43 = arith.constant 40 : i32
    %scan3A_44 = arith.addi %scan3A_42, %scan3A_43 : i32
    %scan3A_45 = arith.constant 1 : i32
    scf.for %scan3A_52 = %scan3A_42 to %scan3A_44 step %scan3A_45  : i32 {
      %mul3A_53 = arith.constant 2 : i32
      %mul3A_54 = arith.muli %scan3A_52, %mul3A_53 : i32
      %add3A_55 = arith.constant 0 : i32
      %add3A_56 = arith.addi %mul3A_54, %add3A_55 : i32
      %dma_wait3A = arith.constant 0 : i32
      %dma_wait3A_57 = tpu.memref_slice %arg7[%add3A_56, %dma_wait3A] : memref<80x128xi32, #tpu.memory_space<vmem>> -> memref<1x128xi32, #tpu.memory_space<vmem>>
      %dma_wait3A_58 = tpu.memref_squeeze %dma_wait3A_57 : memref<1x128xi32, #tpu.memory_space<vmem>> -> memref<128xi32, #tpu.memory_space<vmem>>
      %dma_wait3A_59 = arith.constant 0 : i32
      %dma_wait3A_60 = arith.constant 0 : i32
      %dma_wait3A_61 = tpu.memref_slice %arg12[%dma_wait3A_59, %dma_wait3A_60] : memref<10240x64xf32, #tpu.memory_space<vmem_shared>> -> memref<10240x64xf32, #tpu.memory_space<vmem_shared>>
      tpu.wait_indirect_dma semaphore(%arg13 : memref<!tpu.dma_semaphore, #tpu.memory_space<semaphore_mem>>) src(%dma_wait3A_61 : memref<10240x64xf32, #tpu.memory_space<vmem_shared>>) dst(%arg9 : memref<128x64xf32, #tpu.memory_space<vmem>>)
      "tpu.region"() ({
        %run_scoped3A = tpu.sem_alloc : memref<!tpu.dma_semaphore, #tpu.memory_space<semaphore_mem>>
        %dma_start3A_79 = arith.constant 0 : i32
        %dma_start3A_80 = tpu.memref_slice %arg8[%add3A_56, %dma_start3A_79] : memref<80x128xi32, #tpu.memory_space<vmem>> -> memref<1x128xi32, #tpu.memory_space<vmem>>
        %dma_start3A_81 = tpu.memref_squeeze %dma_start3A_80 : memref<1x128xi32, #tpu.memory_space<vmem>> -> memref<128xi32, #tpu.memory_space<vmem>>
        %dma_start3A_82 = arith.constant 0 : i32
        %dma_start3A_83 = arith.constant 0 : i32
        %dma_start3A_84 = tpu.memref_slice %arg11[%dma_start3A_82, %dma_start3A_83] : memref<10240x64xf32, #tpu.memory_space<vmem_shared>> -> memref<10240x64xf32, #tpu.memory_space<vmem_shared>>
        tpu.enqueue_indirect_dma source(%arg9 : memref<128x64xf32, #tpu.memory_space<vmem>>) target(%dma_start3A_84 : memref<10240x64xf32, #tpu.memory_space<vmem_shared>>) offsets(%dma_start3A_81 : memref<128xi32, #tpu.memory_space<vmem>>) semaphore(%run_scoped3A : memref<!tpu.dma_semaphore, #tpu.memory_space<semaphore_mem>>) {add = true}
        %dma_wait3A_85 = arith.constant 0 : i32
        %dma_wait3A_86 = tpu.memref_slice %arg8[%add3A_56, %dma_wait3A_85] : memref<80x128xi32, #tpu.memory_space<vmem>> -> memref<1x128xi32, #tpu.memory_space<vmem>>
        %dma_wait3A_87 = tpu.memref_squeeze %dma_wait3A_86 : memref<1x128xi32, #tpu.memory_space<vmem>> -> memref<128xi32, #tpu.memory_space<vmem>>
        %dma_wait3A_88 = arith.constant 0 : i32
        %dma_wait3A_89 = arith.constant 0 : i32
        %dma_wait3A_90 = tpu.memref_slice %arg11[%dma_wait3A_88, %dma_wait3A_89] : memref<10240x64xf32, #tpu.memory_space<vmem_shared>> -> memref<10240x64xf32, #tpu.memory_space<vmem_shared>>
        tpu.wait_indirect_dma semaphore(%run_scoped3A : memref<!tpu.dma_semaphore, #tpu.memory_space<semaphore_mem>>) src(%arg9 : memref<128x64xf32, #tpu.memory_space<vmem>>) dst(%dma_wait3A_90 : memref<10240x64xf32, #tpu.memory_space<vmem_shared>>)
        tpu.yield
      }) : () -> ()
      %lt3A = arith.constant 39 : i32
      %lt3A_62 = arith.cmpi slt, %scan3A_52, %lt3A : i32
      %convert_element_type3A = arith.extui %lt3A_62 : i1 to i32
      %cond3A = arith.constant 0 : i32
      %cond3A_63 = arith.cmpi ne, %convert_element_type3A, %cond3A : i32
      scf.if %cond3A_63 {
        %add3A_79 = arith.constant 2 : i32
        %add3A_80 = arith.addi %add3A_56, %add3A_79 : i32
        %dma_start3A_81 = arith.constant 0 : i32
        %dma_start3A_82 = tpu.memref_slice %arg7[%add3A_80, %dma_start3A_81] : memref<80x128xi32, #tpu.memory_space<vmem>> -> memref<1x128xi32, #tpu.memory_space<vmem>>
        %dma_start3A_83 = tpu.memref_squeeze %dma_start3A_82 : memref<1x128xi32, #tpu.memory_space<vmem>> -> memref<128xi32, #tpu.memory_space<vmem>>
        %dma_start3A_84 = arith.constant 0 : i32
        %dma_start3A_85 = arith.constant 0 : i32
        %dma_start3A_86 = tpu.memref_slice %arg12[%dma_start3A_84, %dma_start3A_85] : memref<10240x64xf32, #tpu.memory_space<vmem_shared>> -> memref<10240x64xf32, #tpu.memory_space<vmem_shared>>
        tpu.enqueue_indirect_dma source(%dma_start3A_86 : memref<10240x64xf32, #tpu.memory_space<vmem_shared>>) target(%arg9 : memref<128x64xf32, #tpu.memory_space<vmem>>) offsets(%dma_start3A_83 : memref<128xi32, #tpu.memory_space<vmem>>) semaphore(%arg13 : memref<!tpu.dma_semaphore, #tpu.memory_space<semaphore_mem>>)
      } else {
      }
      %mul3A_64 = arith.constant 2 : i32
      %mul3A_65 = arith.muli %scan3A_52, %mul3A_64 : i32
      %add3A_66 = arith.constant 1 : i32
      %add3A_67 = arith.addi %mul3A_65, %add3A_66 : i32
      %dma_wait3A_68 = arith.constant 0 : i32
      %dma_wait3A_69 = tpu.memref_slice %arg7[%add3A_67, %dma_wait3A_68] : memref<80x128xi32, #tpu.memory_space<vmem>> -> memref<1x128xi32, #tpu.memory_space<vmem>>
      %dma_wait3A_70 = tpu.memref_squeeze %dma_wait3A_69 : memref<1x128xi32, #tpu.memory_space<vmem>> -> memref<128xi32, #tpu.memory_space<vmem>>
      %dma_wait3A_71 = arith.constant 0 : i32
      %dma_wait3A_72 = arith.constant 0 : i32
      %dma_wait3A_73 = tpu.memref_slice %arg12[%dma_wait3A_71, %dma_wait3A_72] : memref<10240x64xf32, #tpu.memory_space<vmem_shared>> -> memref<10240x64xf32, #tpu.memory_space<vmem_shared>>
      tpu.wait_indirect_dma semaphore(%arg14 : memref<!tpu.dma_semaphore, #tpu.memory_space<semaphore_mem>>) src(%dma_wait3A_73 : memref<10240x64xf32, #tpu.memory_space<vmem_shared>>) dst(%arg10 : memref<128x64xf32, #tpu.memory_space<vmem>>)
      "tpu.region"() ({
        %run_scoped3A = tpu.sem_alloc : memref<!tpu.dma_semaphore, #tpu.memory_space<semaphore_mem>>
        %dma_start3A_79 = arith.constant 0 : i32
        %dma_start3A_80 = tpu.memref_slice %arg8[%add3A_67, %dma_start3A_79] : memref<80x128xi32, #tpu.memory_space<vmem>> -> memref<1x128xi32, #tpu.memory_space<vmem>>
        %dma_start3A_81 = tpu.memref_squeeze %dma_start3A_80 : memref<1x128xi32, #tpu.memory_space<vmem>> -> memref<128xi32, #tpu.memory_space<vmem>>
        %dma_start3A_82 = arith.constant 0 : i32
        %dma_start3A_83 = arith.constant 0 : i32
        %dma_start3A_84 = tpu.memref_slice %arg11[%dma_start3A_82, %dma_start3A_83] : memref<10240x64xf32, #tpu.memory_space<vmem_shared>> -> memref<10240x64xf32, #tpu.memory_space<vmem_shared>>
        tpu.enqueue_indirect_dma source(%arg10 : memref<128x64xf32, #tpu.memory_space<vmem>>) target(%dma_start3A_84 : memref<10240x64xf32, #tpu.memory_space<vmem_shared>>) offsets(%dma_start3A_81 : memref<128xi32, #tpu.memory_space<vmem>>) semaphore(%run_scoped3A : memref<!tpu.dma_semaphore, #tpu.memory_space<semaphore_mem>>) {add = true}
        %dma_wait3A_85 = arith.constant 0 : i32
        %dma_wait3A_86 = tpu.memref_slice %arg8[%add3A_67, %dma_wait3A_85] : memref<80x128xi32, #tpu.memory_space<vmem>> -> memref<1x128xi32, #tpu.memory_space<vmem>>
        %dma_wait3A_87 = tpu.memref_squeeze %dma_wait3A_86 : memref<1x128xi32, #tpu.memory_space<vmem>> -> memref<128xi32, #tpu.memory_space<vmem>>
        %dma_wait3A_88 = arith.constant 0 : i32
        %dma_wait3A_89 = arith.constant 0 : i32
        %dma_wait3A_90 = tpu.memref_slice %arg11[%dma_wait3A_88, %dma_wait3A_89] : memref<10240x64xf32, #tpu.memory_space<vmem_shared>> -> memref<10240x64xf32, #tpu.memory_space<vmem_shared>>
        tpu.wait_indirect_dma semaphore(%run_scoped3A : memref<!tpu.dma_semaphore, #tpu.memory_space<semaphore_mem>>) src(%arg10 : memref<128x64xf32, #tpu.memory_space<vmem>>) dst(%dma_wait3A_90 : memref<10240x64xf32, #tpu.memory_space<vmem_shared>>)
        tpu.yield
      }) : () -> ()
      %lt3A_74 = arith.constant 39 : i32
      %lt3A_75 = arith.cmpi slt, %scan3A_52, %lt3A_74 : i32
      %convert_element_type3A_76 = arith.extui %lt3A_75 : i1 to i32
      %cond3A_77 = arith.constant 0 : i32
      %cond3A_78 = arith.cmpi ne, %convert_element_type3A_76, %cond3A_77 : i32
      scf.if %cond3A_78 {
        %add3A_79 = arith.constant 2 : i32
        %add3A_80 = arith.addi %add3A_67, %add3A_79 : i32
        %dma_start3A_81 = arith.constant 0 : i32
        %dma_start3A_82 = tpu.memref_slice %arg7[%add3A_80, %dma_start3A_81] : memref<80x128xi32, #tpu.memory_space<vmem>> -> memref<1x128xi32, #tpu.memory_space<vmem>>
        %dma_start3A_83 = tpu.memref_squeeze %dma_start3A_82 : memref<1x128xi32, #tpu.memory_space<vmem>> -> memref<128xi32, #tpu.memory_space<vmem>>
        %dma_start3A_84 = arith.constant 0 : i32
        %dma_start3A_85 = arith.constant 0 : i32
        %dma_start3A_86 = tpu.memref_slice %arg12[%dma_start3A_84, %dma_start3A_85] : memref<10240x64xf32, #tpu.memory_space<vmem_shared>> -> memref<10240x64xf32, #tpu.memory_space<vmem_shared>>
        tpu.enqueue_indirect_dma source(%dma_start3A_86 : memref<10240x64xf32, #tpu.memory_space<vmem_shared>>) target(%arg10 : memref<128x64xf32, #tpu.memory_space<vmem>>) offsets(%dma_start3A_83 : memref<128xi32, #tpu.memory_space<vmem>>) semaphore(%arg14 : memref<!tpu.dma_semaphore, #tpu.memory_space<semaphore_mem>>)
      } else {
      }
    }
    %scan3A_46 = arith.constant 40 : i32
    %barrier3A_47 = arith.constant 0 : index
    tpu.barrier barrier_id(%barrier3A_47)
    %mul3A_48 = arith.constant 640 : i32
    %mul3A_49 = arith.muli %arg1, %mul3A_48 : i32
    %mul3A_50 = arith.constant 640 : i32
    %mul3A_51 = arith.muli %arg1, %mul3A_50 : i32
    "tpu.region"() ({
      %run_scoped3A = tpu.sem_alloc : memref<!tpu.dma_semaphore, #tpu.memory_space<semaphore_mem>>
      %dma_start3A_52 = arith.constant 0 : i32
      %dma_start3A_53 = tpu.memref_slice %arg6[%arg0, %mul3A_51, %dma_start3A_52] : memref<2x10240x64xf32, #tpu.memory_space<hbm>> -> memref<1x640x64xf32, #tpu.memory_space<hbm>>
      %dma_start3A_54 = tpu.memref_squeeze %dma_start3A_53 : memref<1x640x64xf32, #tpu.memory_space<hbm>> -> memref<640x64xf32, #tpu.memory_space<hbm>>
      %dma_start3A_55 = arith.constant 0 : i32
      %dma_start3A_56 = tpu.memref_slice %arg11[%mul3A_49, %dma_start3A_55] : memref<10240x64xf32, #tpu.memory_space<vmem_shared>> -> memref<640x64xf32, #tpu.memory_space<vmem_shared>>
      tpu.enqueue_dma source(%dma_start3A_56 : memref<640x64xf32, #tpu.memory_space<vmem_shared>>) target(%dma_start3A_54 : memref<640x64xf32, #tpu.memory_space<hbm>>) target_semaphore(%run_scoped3A : memref<!tpu.dma_semaphore, #tpu.memory_space<semaphore_mem>>)
      %dma_wait3A = arith.constant 0 : i32
      %dma_wait3A_57 = tpu.memref_slice %arg6[%arg0, %mul3A_51, %dma_wait3A] : memref<2x10240x64xf32, #tpu.memory_space<hbm>> -> memref<1x640x64xf32, #tpu.memory_space<hbm>>
      %dma_wait3A_58 = tpu.memref_squeeze %dma_wait3A_57 : memref<1x640x64xf32, #tpu.memory_space<hbm>> -> memref<640x64xf32, #tpu.memory_space<hbm>>
      %dma_wait3A_59 = arith.constant 0 : i32
      %dma_wait3A_60 = tpu.memref_slice %arg11[%mul3A_49, %dma_wait3A_59] : memref<10240x64xf32, #tpu.memory_space<vmem_shared>> -> memref<640x64xf32, #tpu.memory_space<vmem_shared>>
      tpu.wait_dma2 semaphore(%run_scoped3A : memref<!tpu.dma_semaphore, #tpu.memory_space<semaphore_mem>>) src(%dma_wait3A_60 : memref<640x64xf32, #tpu.memory_space<vmem_shared>>) dst(%dma_wait3A_58 : memref<640x64xf32, #tpu.memory_space<hbm>>)
      tpu.yield
    }) : () -> ()
    return
  }
}

#map = affine_map<(d0, d1) -> (0, 0)>
#map1 = affine_map<(d0, d1) -> (0)>
#map2 = affine_map<(d0, d1) -> (0, 0, 0)>
module attributes {stable_mosaic.version = 14 : i64} {
  func.func @k(%arg0: i32, %arg1: i32, %arg2: memref<2560x128xi32, #tpu.memory_space<hbm>>, %arg3: memref<2560x128xi32, #tpu.memory_space<hbm>>, %arg4: memref<128xf32, #tpu.memory_space<hbm>>, %arg5: memref<640xf32, #tpu.memory_space<hbm>>, %arg6: memref<2x2x10240xf32, #tpu.memory_space<hbm>>, %arg7: memref<80x128xi32, #tpu.memory_space<vmem>>, %arg8: memref<80x128xi32, #tpu.memory_space<vmem>>, %arg9: memref<128xf32, #tpu.memory_space<vmem>>, %arg10: memref<640xf32, #tpu.memory_space<vmem>>, %arg11: memref<10240xf32, #tpu.memory_space<vmem_shared>>, %arg12: memref<10240xf32, #tpu.memory_space<vmem_shared>>) attributes {dimension_semantics = [#tpu.dimension_semantics<core_parallel>, #tpu.dimension_semantics<subcore_parallel>], iteration_bounds = array<i64: 2, 16>, scalar_prefetch = 0 : i64, scratch_operands = 6 : i64, tpu.core_type = #tpu.core_type<sc_vector_subcore>, window_params = [{transform_indices = #map}, {transform_indices = #map}, {transform_indices = #map1}, {transform_indices = #map1}, {transform_indices = #map2}]} {
    %mul3A = arith.constant 16 : i32
    %mul3A_0 = arith.muli %arg0, %mul3A : i32
    %add3A = arith.addi %mul3A_0, %arg1 : i32
    %mul3A_1 = arith.constant 80 : i32
    %mul3A_2 = arith.muli %add3A, %mul3A_1 : i32
    "tpu.region"() ({
      %run_scoped3A_24 = tpu.sem_alloc : memref<!tpu.dma_semaphore, #tpu.memory_space<semaphore_mem>>
      %dma_start3A = arith.constant 0 : i32
      %dma_start3A_25 = tpu.memref_slice %arg2[%mul3A_2, %dma_start3A] : memref<2560x128xi32, #tpu.memory_space<hbm>> -> memref<80x128xi32, #tpu.memory_space<hbm>>
      %dma_start3A_26 = arith.constant 0 : i32
      %dma_start3A_27 = tpu.memref_slice %arg2[%mul3A_2, %dma_start3A_26] : memref<2560x128xi32, #tpu.memory_space<hbm>> -> memref<80x128xi32, #tpu.memory_space<hbm>>
      tpu.enqueue_dma source(%dma_start3A_27 : memref<80x128xi32, #tpu.memory_space<hbm>>) target(%arg7 : memref<80x128xi32, #tpu.memory_space<vmem>>) target_semaphore(%run_scoped3A_24 : memref<!tpu.dma_semaphore, #tpu.memory_space<semaphore_mem>>)
      %dma_wait3A = arith.constant 0 : i32
      %dma_wait3A_28 = tpu.memref_slice %arg2[%mul3A_2, %dma_wait3A] : memref<2560x128xi32, #tpu.memory_space<hbm>> -> memref<80x128xi32, #tpu.memory_space<hbm>>
      %dma_wait3A_29 = arith.constant 0 : i32
      %dma_wait3A_30 = tpu.memref_slice %arg2[%mul3A_2, %dma_wait3A_29] : memref<2560x128xi32, #tpu.memory_space<hbm>> -> memref<80x128xi32, #tpu.memory_space<hbm>>
      tpu.wait_dma2 semaphore(%run_scoped3A_24 : memref<!tpu.dma_semaphore, #tpu.memory_space<semaphore_mem>>) src(%dma_wait3A_30 : memref<80x128xi32, #tpu.memory_space<hbm>>) dst(%arg7 : memref<80x128xi32, #tpu.memory_space<vmem>>)
      tpu.yield
    }) : () -> ()
    %mul3A_3 = arith.constant 80 : i32
    %mul3A_4 = arith.muli %add3A, %mul3A_3 : i32
    "tpu.region"() ({
      %run_scoped3A_24 = tpu.sem_alloc : memref<!tpu.dma_semaphore, #tpu.memory_space<semaphore_mem>>
      %dma_start3A = arith.constant 0 : i32
      %dma_start3A_25 = tpu.memref_slice %arg3[%mul3A_4, %dma_start3A] : memref<2560x128xi32, #tpu.memory_space<hbm>> -> memref<80x128xi32, #tpu.memory_space<hbm>>
      %dma_start3A_26 = arith.constant 0 : i32
      %dma_start3A_27 = tpu.memref_slice %arg3[%mul3A_4, %dma_start3A_26] : memref<2560x128xi32, #tpu.memory_space<hbm>> -> memref<80x128xi32, #tpu.memory_space<hbm>>
      tpu.enqueue_dma source(%dma_start3A_27 : memref<80x128xi32, #tpu.memory_space<hbm>>) target(%arg8 : memref<80x128xi32, #tpu.memory_space<vmem>>) target_semaphore(%run_scoped3A_24 : memref<!tpu.dma_semaphore, #tpu.memory_space<semaphore_mem>>)
      %dma_wait3A = arith.constant 0 : i32
      %dma_wait3A_28 = tpu.memref_slice %arg3[%mul3A_4, %dma_wait3A] : memref<2560x128xi32, #tpu.memory_space<hbm>> -> memref<80x128xi32, #tpu.memory_space<hbm>>
      %dma_wait3A_29 = arith.constant 0 : i32
      %dma_wait3A_30 = tpu.memref_slice %arg3[%mul3A_4, %dma_wait3A_29] : memref<2560x128xi32, #tpu.memory_space<hbm>> -> memref<80x128xi32, #tpu.memory_space<hbm>>
      tpu.wait_dma2 semaphore(%run_scoped3A_24 : memref<!tpu.dma_semaphore, #tpu.memory_space<semaphore_mem>>) src(%dma_wait3A_30 : memref<80x128xi32, #tpu.memory_space<hbm>>) dst(%arg8 : memref<80x128xi32, #tpu.memory_space<vmem>>)
      tpu.yield
    }) : () -> ()
    "tpu.region"() ({
      %run_scoped3A_24 = tpu.sem_alloc : memref<!tpu.dma_semaphore, #tpu.memory_space<semaphore_mem>>
      tpu.enqueue_dma source(%arg4 : memref<128xf32, #tpu.memory_space<hbm>>) target(%arg9 : memref<128xf32, #tpu.memory_space<vmem>>) target_semaphore(%run_scoped3A_24 : memref<!tpu.dma_semaphore, #tpu.memory_space<semaphore_mem>>)
      tpu.wait_dma2 semaphore(%run_scoped3A_24 : memref<!tpu.dma_semaphore, #tpu.memory_space<semaphore_mem>>) src(%arg4 : memref<128xf32, #tpu.memory_space<hbm>>) dst(%arg9 : memref<128xf32, #tpu.memory_space<vmem>>)
      tpu.yield
    }) : () -> ()
    "tpu.region"() ({
      %run_scoped3A_24 = tpu.sem_alloc : memref<!tpu.dma_semaphore, #tpu.memory_space<semaphore_mem>>
      tpu.enqueue_dma source(%arg5 : memref<640xf32, #tpu.memory_space<hbm>>) target(%arg10 : memref<640xf32, #tpu.memory_space<vmem>>) target_semaphore(%run_scoped3A_24 : memref<!tpu.dma_semaphore, #tpu.memory_space<semaphore_mem>>)
      tpu.wait_dma2 semaphore(%run_scoped3A_24 : memref<!tpu.dma_semaphore, #tpu.memory_space<semaphore_mem>>) src(%arg5 : memref<640xf32, #tpu.memory_space<hbm>>) dst(%arg10 : memref<640xf32, #tpu.memory_space<vmem>>)
      tpu.yield
    }) : () -> ()
    %mul3A_5 = arith.constant 640 : i32
    %mul3A_6 = arith.muli %arg1, %mul3A_5 : i32
    "tpu.region"() ({
      %run_scoped3A_24 = tpu.sem_alloc : memref<!tpu.dma_semaphore, #tpu.memory_space<semaphore_mem>>
      %dma_start3A = tpu.memref_slice %arg11[%mul3A_6] : memref<10240xf32, #tpu.memory_space<vmem_shared>> -> memref<640xf32, #tpu.memory_space<vmem_shared>>
      %dma_start3A_25 = tpu.memref_slice %arg11[%mul3A_6] : memref<10240xf32, #tpu.memory_space<vmem_shared>> -> memref<640xf32, #tpu.memory_space<vmem_shared>>
      tpu.enqueue_dma source(%arg10 : memref<640xf32, #tpu.memory_space<vmem>>) target(%dma_start3A_25 : memref<640xf32, #tpu.memory_space<vmem_shared>>) target_semaphore(%run_scoped3A_24 : memref<!tpu.dma_semaphore, #tpu.memory_space<semaphore_mem>>)
      %dma_wait3A = tpu.memref_slice %arg11[%mul3A_6] : memref<10240xf32, #tpu.memory_space<vmem_shared>> -> memref<640xf32, #tpu.memory_space<vmem_shared>>
      %dma_wait3A_26 = tpu.memref_slice %arg11[%mul3A_6] : memref<10240xf32, #tpu.memory_space<vmem_shared>> -> memref<640xf32, #tpu.memory_space<vmem_shared>>
      tpu.wait_dma2 semaphore(%run_scoped3A_24 : memref<!tpu.dma_semaphore, #tpu.memory_space<semaphore_mem>>) src(%arg10 : memref<640xf32, #tpu.memory_space<vmem>>) dst(%dma_wait3A_26 : memref<640xf32, #tpu.memory_space<vmem_shared>>)
      tpu.yield
    }) : () -> ()
    %mul3A_7 = arith.constant 640 : i32
    %mul3A_8 = arith.muli %arg1, %mul3A_7 : i32
    "tpu.region"() ({
      %run_scoped3A_24 = tpu.sem_alloc : memref<!tpu.dma_semaphore, #tpu.memory_space<semaphore_mem>>
      %dma_start3A = tpu.memref_slice %arg12[%mul3A_8] : memref<10240xf32, #tpu.memory_space<vmem_shared>> -> memref<640xf32, #tpu.memory_space<vmem_shared>>
      %dma_start3A_25 = tpu.memref_slice %arg12[%mul3A_8] : memref<10240xf32, #tpu.memory_space<vmem_shared>> -> memref<640xf32, #tpu.memory_space<vmem_shared>>
      tpu.enqueue_dma source(%arg10 : memref<640xf32, #tpu.memory_space<vmem>>) target(%dma_start3A_25 : memref<640xf32, #tpu.memory_space<vmem_shared>>) target_semaphore(%run_scoped3A_24 : memref<!tpu.dma_semaphore, #tpu.memory_space<semaphore_mem>>)
      %dma_wait3A = tpu.memref_slice %arg12[%mul3A_8] : memref<10240xf32, #tpu.memory_space<vmem_shared>> -> memref<640xf32, #tpu.memory_space<vmem_shared>>
      %dma_wait3A_26 = tpu.memref_slice %arg12[%mul3A_8] : memref<10240xf32, #tpu.memory_space<vmem_shared>> -> memref<640xf32, #tpu.memory_space<vmem_shared>>
      tpu.wait_dma2 semaphore(%run_scoped3A_24 : memref<!tpu.dma_semaphore, #tpu.memory_space<semaphore_mem>>) src(%arg10 : memref<640xf32, #tpu.memory_space<vmem>>) dst(%dma_wait3A_26 : memref<640xf32, #tpu.memory_space<vmem_shared>>)
      tpu.yield
    }) : () -> ()
    %barrier3A = arith.constant 0 : index
    tpu.barrier barrier_id(%barrier3A)
    %scan3A = arith.constant 0 : i32
    %scan3A_9 = arith.constant 0 : i32
    %scan3A_10 = arith.constant 80 : i32
    %scan3A_11 = arith.addi %scan3A_9, %scan3A_10 : i32
    %scan3A_12 = arith.constant 1 : i32
    scf.for %scan3A_24 = %scan3A_9 to %scan3A_11 step %scan3A_12  : i32 {
      "tpu.region"() ({
        %run_scoped3A_25 = tpu.sem_alloc : memref<!tpu.dma_semaphore, #tpu.memory_space<semaphore_mem>>
        %dma_start3A = arith.constant 0 : i32
        %dma_start3A_26 = tpu.memref_slice %arg7[%scan3A_24, %dma_start3A] : memref<80x128xi32, #tpu.memory_space<vmem>> -> memref<1x128xi32, #tpu.memory_space<vmem>>
        %dma_start3A_27 = tpu.memref_squeeze %dma_start3A_26 : memref<1x128xi32, #tpu.memory_space<vmem>> -> memref<128xi32, #tpu.memory_space<vmem>>
        %dma_start3A_28 = arith.constant 0 : i32
        %dma_start3A_29 = tpu.memref_slice %arg11[%dma_start3A_28] : memref<10240xf32, #tpu.memory_space<vmem_shared>> -> memref<10240xf32, #tpu.memory_space<vmem_shared>>
        tpu.enqueue_indirect_dma source(%arg9 : memref<128xf32, #tpu.memory_space<vmem>>) target(%dma_start3A_29 : memref<10240xf32, #tpu.memory_space<vmem_shared>>) offsets(%dma_start3A_27 : memref<128xi32, #tpu.memory_space<vmem>>) semaphore(%run_scoped3A_25 : memref<!tpu.dma_semaphore, #tpu.memory_space<semaphore_mem>>) {add = true}
        %dma_wait3A = arith.constant 0 : i32
        %dma_wait3A_30 = tpu.memref_slice %arg7[%scan3A_24, %dma_wait3A] : memref<80x128xi32, #tpu.memory_space<vmem>> -> memref<1x128xi32, #tpu.memory_space<vmem>>
        %dma_wait3A_31 = tpu.memref_squeeze %dma_wait3A_30 : memref<1x128xi32, #tpu.memory_space<vmem>> -> memref<128xi32, #tpu.memory_space<vmem>>
        %dma_wait3A_32 = arith.constant 0 : i32
        %dma_wait3A_33 = tpu.memref_slice %arg11[%dma_wait3A_32] : memref<10240xf32, #tpu.memory_space<vmem_shared>> -> memref<10240xf32, #tpu.memory_space<vmem_shared>>
        tpu.wait_indirect_dma semaphore(%run_scoped3A_25 : memref<!tpu.dma_semaphore, #tpu.memory_space<semaphore_mem>>) src(%arg9 : memref<128xf32, #tpu.memory_space<vmem>>) dst(%dma_wait3A_33 : memref<10240xf32, #tpu.memory_space<vmem_shared>>)
        tpu.yield
      }) : () -> ()
      "tpu.region"() ({
        %run_scoped3A_25 = tpu.sem_alloc : memref<!tpu.dma_semaphore, #tpu.memory_space<semaphore_mem>>
        %dma_start3A = arith.constant 0 : i32
        %dma_start3A_26 = tpu.memref_slice %arg8[%scan3A_24, %dma_start3A] : memref<80x128xi32, #tpu.memory_space<vmem>> -> memref<1x128xi32, #tpu.memory_space<vmem>>
        %dma_start3A_27 = tpu.memref_squeeze %dma_start3A_26 : memref<1x128xi32, #tpu.memory_space<vmem>> -> memref<128xi32, #tpu.memory_space<vmem>>
        %dma_start3A_28 = arith.constant 0 : i32
        %dma_start3A_29 = tpu.memref_slice %arg12[%dma_start3A_28] : memref<10240xf32, #tpu.memory_space<vmem_shared>> -> memref<10240xf32, #tpu.memory_space<vmem_shared>>
        tpu.enqueue_indirect_dma source(%arg9 : memref<128xf32, #tpu.memory_space<vmem>>) target(%dma_start3A_29 : memref<10240xf32, #tpu.memory_space<vmem_shared>>) offsets(%dma_start3A_27 : memref<128xi32, #tpu.memory_space<vmem>>) semaphore(%run_scoped3A_25 : memref<!tpu.dma_semaphore, #tpu.memory_space<semaphore_mem>>) {add = true}
        %dma_wait3A = arith.constant 0 : i32
        %dma_wait3A_30 = tpu.memref_slice %arg8[%scan3A_24, %dma_wait3A] : memref<80x128xi32, #tpu.memory_space<vmem>> -> memref<1x128xi32, #tpu.memory_space<vmem>>
        %dma_wait3A_31 = tpu.memref_squeeze %dma_wait3A_30 : memref<1x128xi32, #tpu.memory_space<vmem>> -> memref<128xi32, #tpu.memory_space<vmem>>
        %dma_wait3A_32 = arith.constant 0 : i32
        %dma_wait3A_33 = tpu.memref_slice %arg12[%dma_wait3A_32] : memref<10240xf32, #tpu.memory_space<vmem_shared>> -> memref<10240xf32, #tpu.memory_space<vmem_shared>>
        tpu.wait_indirect_dma semaphore(%run_scoped3A_25 : memref<!tpu.dma_semaphore, #tpu.memory_space<semaphore_mem>>) src(%arg9 : memref<128xf32, #tpu.memory_space<vmem>>) dst(%dma_wait3A_33 : memref<10240xf32, #tpu.memory_space<vmem_shared>>)
        tpu.yield
      }) : () -> ()
    }
    %scan3A_13 = arith.constant 80 : i32
    %barrier3A_14 = arith.constant 0 : index
    tpu.barrier barrier_id(%barrier3A_14)
    %mul3A_15 = arith.constant 640 : i32
    %mul3A_16 = arith.muli %arg1, %mul3A_15 : i32
    "tpu.region"() ({
      %run_scoped3A_24 = tpu.sem_alloc : memref<!tpu.dma_semaphore, #tpu.memory_space<semaphore_mem>>
      %dma_start3A = tpu.memref_slice %arg11[%mul3A_16] : memref<10240xf32, #tpu.memory_space<vmem_shared>> -> memref<640xf32, #tpu.memory_space<vmem_shared>>
      %dma_start3A_25 = tpu.memref_slice %arg11[%mul3A_16] : memref<10240xf32, #tpu.memory_space<vmem_shared>> -> memref<640xf32, #tpu.memory_space<vmem_shared>>
      tpu.enqueue_dma source(%dma_start3A_25 : memref<640xf32, #tpu.memory_space<vmem_shared>>) target(%arg10 : memref<640xf32, #tpu.memory_space<vmem>>) target_semaphore(%run_scoped3A_24 : memref<!tpu.dma_semaphore, #tpu.memory_space<semaphore_mem>>)
      %dma_wait3A = tpu.memref_slice %arg11[%mul3A_16] : memref<10240xf32, #tpu.memory_space<vmem_shared>> -> memref<640xf32, #tpu.memory_space<vmem_shared>>
      %dma_wait3A_26 = tpu.memref_slice %arg11[%mul3A_16] : memref<10240xf32, #tpu.memory_space<vmem_shared>> -> memref<640xf32, #tpu.memory_space<vmem_shared>>
      tpu.wait_dma2 semaphore(%run_scoped3A_24 : memref<!tpu.dma_semaphore, #tpu.memory_space<semaphore_mem>>) src(%dma_wait3A_26 : memref<640xf32, #tpu.memory_space<vmem_shared>>) dst(%arg10 : memref<640xf32, #tpu.memory_space<vmem>>)
      tpu.yield
    }) : () -> ()
    %mul3A_17 = arith.constant 640 : i32
    %mul3A_18 = arith.muli %arg1, %mul3A_17 : i32
    %run_scoped3A = arith.constant 0 : i32
    "tpu.region"() ({
      %run_scoped3A_24 = tpu.sem_alloc : memref<!tpu.dma_semaphore, #tpu.memory_space<semaphore_mem>>
      %dma_start3A = tpu.memref_slice %arg6[%arg0, %run_scoped3A, %mul3A_18] : memref<2x2x10240xf32, #tpu.memory_space<hbm>> -> memref<1x1x640xf32, #tpu.memory_space<hbm>>
      %dma_start3A_25 = tpu.memref_squeeze %dma_start3A : memref<1x1x640xf32, #tpu.memory_space<hbm>> -> memref<640xf32, #tpu.memory_space<hbm>>
      %dma_start3A_26 = tpu.memref_slice %arg6[%arg0, %run_scoped3A, %mul3A_18] : memref<2x2x10240xf32, #tpu.memory_space<hbm>> -> memref<1x1x640xf32, #tpu.memory_space<hbm>>
      %dma_start3A_27 = tpu.memref_squeeze %dma_start3A_26 : memref<1x1x640xf32, #tpu.memory_space<hbm>> -> memref<640xf32, #tpu.memory_space<hbm>>
      tpu.enqueue_dma source(%arg10 : memref<640xf32, #tpu.memory_space<vmem>>) target(%dma_start3A_27 : memref<640xf32, #tpu.memory_space<hbm>>) target_semaphore(%run_scoped3A_24 : memref<!tpu.dma_semaphore, #tpu.memory_space<semaphore_mem>>)
      %dma_wait3A = tpu.memref_slice %arg6[%arg0, %run_scoped3A, %mul3A_18] : memref<2x2x10240xf32, #tpu.memory_space<hbm>> -> memref<1x1x640xf32, #tpu.memory_space<hbm>>
      %dma_wait3A_28 = tpu.memref_squeeze %dma_wait3A : memref<1x1x640xf32, #tpu.memory_space<hbm>> -> memref<640xf32, #tpu.memory_space<hbm>>
      %dma_wait3A_29 = tpu.memref_slice %arg6[%arg0, %run_scoped3A, %mul3A_18] : memref<2x2x10240xf32, #tpu.memory_space<hbm>> -> memref<1x1x640xf32, #tpu.memory_space<hbm>>
      %dma_wait3A_30 = tpu.memref_squeeze %dma_wait3A_29 : memref<1x1x640xf32, #tpu.memory_space<hbm>> -> memref<640xf32, #tpu.memory_space<hbm>>
      tpu.wait_dma2 semaphore(%run_scoped3A_24 : memref<!tpu.dma_semaphore, #tpu.memory_space<semaphore_mem>>) src(%arg10 : memref<640xf32, #tpu.memory_space<vmem>>) dst(%dma_wait3A_30 : memref<640xf32, #tpu.memory_space<hbm>>)
      tpu.yield
    }) : () -> ()
    %mul3A_19 = arith.constant 640 : i32
    %mul3A_20 = arith.muli %arg1, %mul3A_19 : i32
    "tpu.region"() ({
      %run_scoped3A_24 = tpu.sem_alloc : memref<!tpu.dma_semaphore, #tpu.memory_space<semaphore_mem>>
      %dma_start3A = tpu.memref_slice %arg12[%mul3A_20] : memref<10240xf32, #tpu.memory_space<vmem_shared>> -> memref<640xf32, #tpu.memory_space<vmem_shared>>
      %dma_start3A_25 = tpu.memref_slice %arg12[%mul3A_20] : memref<10240xf32, #tpu.memory_space<vmem_shared>> -> memref<640xf32, #tpu.memory_space<vmem_shared>>
      tpu.enqueue_dma source(%dma_start3A_25 : memref<640xf32, #tpu.memory_space<vmem_shared>>) target(%arg10 : memref<640xf32, #tpu.memory_space<vmem>>) target_semaphore(%run_scoped3A_24 : memref<!tpu.dma_semaphore, #tpu.memory_space<semaphore_mem>>)
      %dma_wait3A = tpu.memref_slice %arg12[%mul3A_20] : memref<10240xf32, #tpu.memory_space<vmem_shared>> -> memref<640xf32, #tpu.memory_space<vmem_shared>>
      %dma_wait3A_26 = tpu.memref_slice %arg12[%mul3A_20] : memref<10240xf32, #tpu.memory_space<vmem_shared>> -> memref<640xf32, #tpu.memory_space<vmem_shared>>
      tpu.wait_dma2 semaphore(%run_scoped3A_24 : memref<!tpu.dma_semaphore, #tpu.memory_space<semaphore_mem>>) src(%dma_wait3A_26 : memref<640xf32, #tpu.memory_space<vmem_shared>>) dst(%arg10 : memref<640xf32, #tpu.memory_space<vmem>>)
      tpu.yield
    }) : () -> ()
    %mul3A_21 = arith.constant 640 : i32
    %mul3A_22 = arith.muli %arg1, %mul3A_21 : i32
    %run_scoped3A_23 = arith.constant 1 : i32
    "tpu.region"() ({
      %run_scoped3A_24 = tpu.sem_alloc : memref<!tpu.dma_semaphore, #tpu.memory_space<semaphore_mem>>
      %dma_start3A = tpu.memref_slice %arg6[%arg0, %run_scoped3A_23, %mul3A_22] : memref<2x2x10240xf32, #tpu.memory_space<hbm>> -> memref<1x1x640xf32, #tpu.memory_space<hbm>>
      %dma_start3A_25 = tpu.memref_squeeze %dma_start3A : memref<1x1x640xf32, #tpu.memory_space<hbm>> -> memref<640xf32, #tpu.memory_space<hbm>>
      %dma_start3A_26 = tpu.memref_slice %arg6[%arg0, %run_scoped3A_23, %mul3A_22] : memref<2x2x10240xf32, #tpu.memory_space<hbm>> -> memref<1x1x640xf32, #tpu.memory_space<hbm>>
      %dma_start3A_27 = tpu.memref_squeeze %dma_start3A_26 : memref<1x1x640xf32, #tpu.memory_space<hbm>> -> memref<640xf32, #tpu.memory_space<hbm>>
      tpu.enqueue_dma source(%arg10 : memref<640xf32, #tpu.memory_space<vmem>>) target(%dma_start3A_27 : memref<640xf32, #tpu.memory_space<hbm>>) target_semaphore(%run_scoped3A_24 : memref<!tpu.dma_semaphore, #tpu.memory_space<semaphore_mem>>)
      %dma_wait3A = tpu.memref_slice %arg6[%arg0, %run_scoped3A_23, %mul3A_22] : memref<2x2x10240xf32, #tpu.memory_space<hbm>> -> memref<1x1x640xf32, #tpu.memory_space<hbm>>
      %dma_wait3A_28 = tpu.memref_squeeze %dma_wait3A : memref<1x1x640xf32, #tpu.memory_space<hbm>> -> memref<640xf32, #tpu.memory_space<hbm>>
      %dma_wait3A_29 = tpu.memref_slice %arg6[%arg0, %run_scoped3A_23, %mul3A_22] : memref<2x2x10240xf32, #tpu.memory_space<hbm>> -> memref<1x1x640xf32, #tpu.memory_space<hbm>>
      %dma_wait3A_30 = tpu.memref_squeeze %dma_wait3A_29 : memref<1x1x640xf32, #tpu.memory_space<hbm>> -> memref<640xf32, #tpu.memory_space<hbm>>
      tpu.wait_dma2 semaphore(%run_scoped3A_24 : memref<!tpu.dma_semaphore, #tpu.memory_space<semaphore_mem>>) src(%arg10 : memref<640xf32, #tpu.memory_space<vmem>>) dst(%dma_wait3A_30 : memref<640xf32, #tpu.memory_space<hbm>>)
      tpu.yield
    }) : () -> ()
    return
  }
}

#map = affine_map<(d0, d1) -> (0, 0)>
#map1 = affine_map<(d0, d1) -> (0, 0, 0)>
module attributes {stable_mosaic.version = 14 : i64} {
  func.func @k(%arg0: i32, %arg1: i32, %arg2: memref<10240x32xf32, #tpu.memory_space<hbm>>, %arg3: memref<2560x128xi32, #tpu.memory_space<hbm>>, %arg4: memref<2560x128xi32, #tpu.memory_space<hbm>>, %arg5: memref<128x32xf32, #tpu.memory_space<hbm>>, %arg6: memref<2x10240x32xf32, #tpu.memory_space<hbm>>, %arg7: memref<80x128xi32, #tpu.memory_space<vmem>>, %arg8: memref<80x128xi32, #tpu.memory_space<vmem>>, %arg9: memref<128x32xf32, #tpu.memory_space<vmem>>, %arg10: memref<128x32xf32, #tpu.memory_space<vmem>>, %arg11: memref<10240x32xf32, #tpu.memory_space<vmem_shared>>, %arg12: memref<10240x32xf32, #tpu.memory_space<vmem_shared>>, %arg13: memref<!tpu.dma_semaphore, #tpu.memory_space<semaphore_mem>>, %arg14: memref<!tpu.dma_semaphore, #tpu.memory_space<semaphore_mem>>) attributes {dimension_semantics = [#tpu.dimension_semantics<core_parallel>, #tpu.dimension_semantics<subcore_parallel>], iteration_bounds = array<i64: 2, 16>, scalar_prefetch = 0 : i64, scratch_operands = 8 : i64, tpu.core_type = #tpu.core_type<sc_vector_subcore>, window_params = [{transform_indices = #map}, {transform_indices = #map}, {transform_indices = #map}, {transform_indices = #map}, {transform_indices = #map1}]} {
    %mul3A = arith.constant 16 : i32
    %mul3A_0 = arith.muli %arg0, %mul3A : i32
    %add3A = arith.addi %mul3A_0, %arg1 : i32
    %mul3A_1 = arith.constant 640 : i32
    %mul3A_2 = arith.muli %arg1, %mul3A_1 : i32
    %mul3A_3 = arith.constant 640 : i32
    %mul3A_4 = arith.muli %arg1, %mul3A_3 : i32
    "tpu.region"() ({
      %run_scoped3A = tpu.sem_alloc : memref<!tpu.dma_semaphore, #tpu.memory_space<semaphore_mem>>
      %dma_start3A_52 = arith.constant 0 : i32
      %dma_start3A_53 = tpu.memref_slice %arg12[%mul3A_4, %dma_start3A_52] : memref<10240x32xf32, #tpu.memory_space<vmem_shared>> -> memref<640x32xf32, #tpu.memory_space<vmem_shared>>
      %dma_start3A_54 = arith.constant 0 : i32
      %dma_start3A_55 = tpu.memref_slice %arg2[%mul3A_2, %dma_start3A_54] : memref<10240x32xf32, #tpu.memory_space<hbm>> -> memref<640x32xf32, #tpu.memory_space<hbm>>
      tpu.enqueue_dma source(%dma_start3A_55 : memref<640x32xf32, #tpu.memory_space<hbm>>) target(%dma_start3A_53 : memref<640x32xf32, #tpu.memory_space<vmem_shared>>) target_semaphore(%run_scoped3A : memref<!tpu.dma_semaphore, #tpu.memory_space<semaphore_mem>>)
      %dma_wait3A = arith.constant 0 : i32
      %dma_wait3A_56 = tpu.memref_slice %arg12[%mul3A_4, %dma_wait3A] : memref<10240x32xf32, #tpu.memory_space<vmem_shared>> -> memref<640x32xf32, #tpu.memory_space<vmem_shared>>
      %dma_wait3A_57 = arith.constant 0 : i32
      %dma_wait3A_58 = tpu.memref_slice %arg2[%mul3A_2, %dma_wait3A_57] : memref<10240x32xf32, #tpu.memory_space<hbm>> -> memref<640x32xf32, #tpu.memory_space<hbm>>
      tpu.wait_dma2 semaphore(%run_scoped3A : memref<!tpu.dma_semaphore, #tpu.memory_space<semaphore_mem>>) src(%dma_wait3A_58 : memref<640x32xf32, #tpu.memory_space<hbm>>) dst(%dma_wait3A_56 : memref<640x32xf32, #tpu.memory_space<vmem_shared>>)
      tpu.yield
    }) : () -> ()
    "tpu.region"() ({
      %run_scoped3A = tpu.sem_alloc : memref<!tpu.dma_semaphore, #tpu.memory_space<semaphore_mem>>
      tpu.enqueue_dma source(%arg5 : memref<128x32xf32, #tpu.memory_space<hbm>>) target(%arg9 : memref<128x32xf32, #tpu.memory_space<vmem>>) target_semaphore(%run_scoped3A : memref<!tpu.dma_semaphore, #tpu.memory_space<semaphore_mem>>)
      tpu.wait_dma2 semaphore(%run_scoped3A : memref<!tpu.dma_semaphore, #tpu.memory_space<semaphore_mem>>) src(%arg5 : memref<128x32xf32, #tpu.memory_space<hbm>>) dst(%arg9 : memref<128x32xf32, #tpu.memory_space<vmem>>)
      tpu.yield
    }) : () -> ()
    %mul3A_5 = arith.constant 640 : i32
    %mul3A_6 = arith.muli %arg1, %mul3A_5 : i32
    %add3A_7 = arith.constant 0 : i32
    %add3A_8 = arith.addi %mul3A_6, %add3A_7 : i32
    "tpu.region"() ({
      %run_scoped3A = tpu.sem_alloc : memref<!tpu.dma_semaphore, #tpu.memory_space<semaphore_mem>>
      %dma_start3A_52 = arith.constant 0 : i32
      %dma_start3A_53 = tpu.memref_slice %arg11[%add3A_8, %dma_start3A_52] : memref<10240x32xf32, #tpu.memory_space<vmem_shared>> -> memref<128x32xf32, #tpu.memory_space<vmem_shared>>
      %dma_start3A_54 = arith.constant 0 : i32
      %dma_start3A_55 = tpu.memref_slice %arg11[%add3A_8, %dma_start3A_54] : memref<10240x32xf32, #tpu.memory_space<vmem_shared>> -> memref<128x32xf32, #tpu.memory_space<vmem_shared>>
      tpu.enqueue_dma source(%arg9 : memref<128x32xf32, #tpu.memory_space<vmem>>) target(%dma_start3A_55 : memref<128x32xf32, #tpu.memory_space<vmem_shared>>) target_semaphore(%run_scoped3A : memref<!tpu.dma_semaphore, #tpu.memory_space<semaphore_mem>>)
      %dma_wait3A = arith.constant 0 : i32
      %dma_wait3A_56 = tpu.memref_slice %arg11[%add3A_8, %dma_wait3A] : memref<10240x32xf32, #tpu.memory_space<vmem_shared>> -> memref<128x32xf32, #tpu.memory_space<vmem_shared>>
      %dma_wait3A_57 = arith.constant 0 : i32
      %dma_wait3A_58 = tpu.memref_slice %arg11[%add3A_8, %dma_wait3A_57] : memref<10240x32xf32, #tpu.memory_space<vmem_shared>> -> memref<128x32xf32, #tpu.memory_space<vmem_shared>>
      tpu.wait_dma2 semaphore(%run_scoped3A : memref<!tpu.dma_semaphore, #tpu.memory_space<semaphore_mem>>) src(%arg9 : memref<128x32xf32, #tpu.memory_space<vmem>>) dst(%dma_wait3A_58 : memref<128x32xf32, #tpu.memory_space<vmem_shared>>)
      tpu.yield
    }) : () -> ()
    %mul3A_9 = arith.constant 640 : i32
    %mul3A_10 = arith.muli %arg1, %mul3A_9 : i32
    %add3A_11 = arith.constant 128 : i32
    %add3A_12 = arith.addi %mul3A_10, %add3A_11 : i32
    "tpu.region"() ({
      %run_scoped3A = tpu.sem_alloc : memref<!tpu.dma_semaphore, #tpu.memory_space<semaphore_mem>>
      %dma_start3A_52 = arith.constant 0 : i32
      %dma_start3A_53 = tpu.memref_slice %arg11[%add3A_12, %dma_start3A_52] : memref<10240x32xf32, #tpu.memory_space<vmem_shared>> -> memref<128x32xf32, #tpu.memory_space<vmem_shared>>
      %dma_start3A_54 = arith.constant 0 : i32
      %dma_start3A_55 = tpu.memref_slice %arg11[%add3A_12, %dma_start3A_54] : memref<10240x32xf32, #tpu.memory_space<vmem_shared>> -> memref<128x32xf32, #tpu.memory_space<vmem_shared>>
      tpu.enqueue_dma source(%arg9 : memref<128x32xf32, #tpu.memory_space<vmem>>) target(%dma_start3A_55 : memref<128x32xf32, #tpu.memory_space<vmem_shared>>) target_semaphore(%run_scoped3A : memref<!tpu.dma_semaphore, #tpu.memory_space<semaphore_mem>>)
      %dma_wait3A = arith.constant 0 : i32
      %dma_wait3A_56 = tpu.memref_slice %arg11[%add3A_12, %dma_wait3A] : memref<10240x32xf32, #tpu.memory_space<vmem_shared>> -> memref<128x32xf32, #tpu.memory_space<vmem_shared>>
      %dma_wait3A_57 = arith.constant 0 : i32
      %dma_wait3A_58 = tpu.memref_slice %arg11[%add3A_12, %dma_wait3A_57] : memref<10240x32xf32, #tpu.memory_space<vmem_shared>> -> memref<128x32xf32, #tpu.memory_space<vmem_shared>>
      tpu.wait_dma2 semaphore(%run_scoped3A : memref<!tpu.dma_semaphore, #tpu.memory_space<semaphore_mem>>) src(%arg9 : memref<128x32xf32, #tpu.memory_space<vmem>>) dst(%dma_wait3A_58 : memref<128x32xf32, #tpu.memory_space<vmem_shared>>)
      tpu.yield
    }) : () -> ()
    %mul3A_13 = arith.constant 640 : i32
    %mul3A_14 = arith.muli %arg1, %mul3A_13 : i32
    %add3A_15 = arith.constant 256 : i32
    %add3A_16 = arith.addi %mul3A_14, %add3A_15 : i32
    "tpu.region"() ({
      %run_scoped3A = tpu.sem_alloc : memref<!tpu.dma_semaphore, #tpu.memory_space<semaphore_mem>>
      %dma_start3A_52 = arith.constant 0 : i32
      %dma_start3A_53 = tpu.memref_slice %arg11[%add3A_16, %dma_start3A_52] : memref<10240x32xf32, #tpu.memory_space<vmem_shared>> -> memref<128x32xf32, #tpu.memory_space<vmem_shared>>
      %dma_start3A_54 = arith.constant 0 : i32
      %dma_start3A_55 = tpu.memref_slice %arg11[%add3A_16, %dma_start3A_54] : memref<10240x32xf32, #tpu.memory_space<vmem_shared>> -> memref<128x32xf32, #tpu.memory_space<vmem_shared>>
      tpu.enqueue_dma source(%arg9 : memref<128x32xf32, #tpu.memory_space<vmem>>) target(%dma_start3A_55 : memref<128x32xf32, #tpu.memory_space<vmem_shared>>) target_semaphore(%run_scoped3A : memref<!tpu.dma_semaphore, #tpu.memory_space<semaphore_mem>>)
      %dma_wait3A = arith.constant 0 : i32
      %dma_wait3A_56 = tpu.memref_slice %arg11[%add3A_16, %dma_wait3A] : memref<10240x32xf32, #tpu.memory_space<vmem_shared>> -> memref<128x32xf32, #tpu.memory_space<vmem_shared>>
      %dma_wait3A_57 = arith.constant 0 : i32
      %dma_wait3A_58 = tpu.memref_slice %arg11[%add3A_16, %dma_wait3A_57] : memref<10240x32xf32, #tpu.memory_space<vmem_shared>> -> memref<128x32xf32, #tpu.memory_space<vmem_shared>>
      tpu.wait_dma2 semaphore(%run_scoped3A : memref<!tpu.dma_semaphore, #tpu.memory_space<semaphore_mem>>) src(%arg9 : memref<128x32xf32, #tpu.memory_space<vmem>>) dst(%dma_wait3A_58 : memref<128x32xf32, #tpu.memory_space<vmem_shared>>)
      tpu.yield
    }) : () -> ()
    %mul3A_17 = arith.constant 640 : i32
    %mul3A_18 = arith.muli %arg1, %mul3A_17 : i32
    %add3A_19 = arith.constant 384 : i32
    %add3A_20 = arith.addi %mul3A_18, %add3A_19 : i32
    "tpu.region"() ({
      %run_scoped3A = tpu.sem_alloc : memref<!tpu.dma_semaphore, #tpu.memory_space<semaphore_mem>>
      %dma_start3A_52 = arith.constant 0 : i32
      %dma_start3A_53 = tpu.memref_slice %arg11[%add3A_20, %dma_start3A_52] : memref<10240x32xf32, #tpu.memory_space<vmem_shared>> -> memref<128x32xf32, #tpu.memory_space<vmem_shared>>
      %dma_start3A_54 = arith.constant 0 : i32
      %dma_start3A_55 = tpu.memref_slice %arg11[%add3A_20, %dma_start3A_54] : memref<10240x32xf32, #tpu.memory_space<vmem_shared>> -> memref<128x32xf32, #tpu.memory_space<vmem_shared>>
      tpu.enqueue_dma source(%arg9 : memref<128x32xf32, #tpu.memory_space<vmem>>) target(%dma_start3A_55 : memref<128x32xf32, #tpu.memory_space<vmem_shared>>) target_semaphore(%run_scoped3A : memref<!tpu.dma_semaphore, #tpu.memory_space<semaphore_mem>>)
      %dma_wait3A = arith.constant 0 : i32
      %dma_wait3A_56 = tpu.memref_slice %arg11[%add3A_20, %dma_wait3A] : memref<10240x32xf32, #tpu.memory_space<vmem_shared>> -> memref<128x32xf32, #tpu.memory_space<vmem_shared>>
      %dma_wait3A_57 = arith.constant 0 : i32
      %dma_wait3A_58 = tpu.memref_slice %arg11[%add3A_20, %dma_wait3A_57] : memref<10240x32xf32, #tpu.memory_space<vmem_shared>> -> memref<128x32xf32, #tpu.memory_space<vmem_shared>>
      tpu.wait_dma2 semaphore(%run_scoped3A : memref<!tpu.dma_semaphore, #tpu.memory_space<semaphore_mem>>) src(%arg9 : memref<128x32xf32, #tpu.memory_space<vmem>>) dst(%dma_wait3A_58 : memref<128x32xf32, #tpu.memory_space<vmem_shared>>)
      tpu.yield
    }) : () -> ()
    %mul3A_21 = arith.constant 640 : i32
    %mul3A_22 = arith.muli %arg1, %mul3A_21 : i32
    %add3A_23 = arith.constant 512 : i32
    %add3A_24 = arith.addi %mul3A_22, %add3A_23 : i32
    "tpu.region"() ({
      %run_scoped3A = tpu.sem_alloc : memref<!tpu.dma_semaphore, #tpu.memory_space<semaphore_mem>>
      %dma_start3A_52 = arith.constant 0 : i32
      %dma_start3A_53 = tpu.memref_slice %arg11[%add3A_24, %dma_start3A_52] : memref<10240x32xf32, #tpu.memory_space<vmem_shared>> -> memref<128x32xf32, #tpu.memory_space<vmem_shared>>
      %dma_start3A_54 = arith.constant 0 : i32
      %dma_start3A_55 = tpu.memref_slice %arg11[%add3A_24, %dma_start3A_54] : memref<10240x32xf32, #tpu.memory_space<vmem_shared>> -> memref<128x32xf32, #tpu.memory_space<vmem_shared>>
      tpu.enqueue_dma source(%arg9 : memref<128x32xf32, #tpu.memory_space<vmem>>) target(%dma_start3A_55 : memref<128x32xf32, #tpu.memory_space<vmem_shared>>) target_semaphore(%run_scoped3A : memref<!tpu.dma_semaphore, #tpu.memory_space<semaphore_mem>>)
      %dma_wait3A = arith.constant 0 : i32
      %dma_wait3A_56 = tpu.memref_slice %arg11[%add3A_24, %dma_wait3A] : memref<10240x32xf32, #tpu.memory_space<vmem_shared>> -> memref<128x32xf32, #tpu.memory_space<vmem_shared>>
      %dma_wait3A_57 = arith.constant 0 : i32
      %dma_wait3A_58 = tpu.memref_slice %arg11[%add3A_24, %dma_wait3A_57] : memref<10240x32xf32, #tpu.memory_space<vmem_shared>> -> memref<128x32xf32, #tpu.memory_space<vmem_shared>>
      tpu.wait_dma2 semaphore(%run_scoped3A : memref<!tpu.dma_semaphore, #tpu.memory_space<semaphore_mem>>) src(%arg9 : memref<128x32xf32, #tpu.memory_space<vmem>>) dst(%dma_wait3A_58 : memref<128x32xf32, #tpu.memory_space<vmem_shared>>)
      tpu.yield
    }) : () -> ()
    %barrier3A = arith.constant 0 : index
    tpu.barrier barrier_id(%barrier3A)
    %mul3A_25 = arith.constant 80 : i32
    %mul3A_26 = arith.muli %add3A, %mul3A_25 : i32
    "tpu.region"() ({
      %run_scoped3A = tpu.sem_alloc : memref<!tpu.dma_semaphore, #tpu.memory_space<semaphore_mem>>
      %dma_start3A_52 = arith.constant 0 : i32
      %dma_start3A_53 = tpu.memref_slice %arg3[%mul3A_26, %dma_start3A_52] : memref<2560x128xi32, #tpu.memory_space<hbm>> -> memref<80x128xi32, #tpu.memory_space<hbm>>
      %dma_start3A_54 = arith.constant 0 : i32
      %dma_start3A_55 = tpu.memref_slice %arg3[%mul3A_26, %dma_start3A_54] : memref<2560x128xi32, #tpu.memory_space<hbm>> -> memref<80x128xi32, #tpu.memory_space<hbm>>
      tpu.enqueue_dma source(%dma_start3A_55 : memref<80x128xi32, #tpu.memory_space<hbm>>) target(%arg7 : memref<80x128xi32, #tpu.memory_space<vmem>>) target_semaphore(%run_scoped3A : memref<!tpu.dma_semaphore, #tpu.memory_space<semaphore_mem>>)
      %dma_wait3A = arith.constant 0 : i32
      %dma_wait3A_56 = tpu.memref_slice %arg3[%mul3A_26, %dma_wait3A] : memref<2560x128xi32, #tpu.memory_space<hbm>> -> memref<80x128xi32, #tpu.memory_space<hbm>>
      %dma_wait3A_57 = arith.constant 0 : i32
      %dma_wait3A_58 = tpu.memref_slice %arg3[%mul3A_26, %dma_wait3A_57] : memref<2560x128xi32, #tpu.memory_space<hbm>> -> memref<80x128xi32, #tpu.memory_space<hbm>>
      tpu.wait_dma2 semaphore(%run_scoped3A : memref<!tpu.dma_semaphore, #tpu.memory_space<semaphore_mem>>) src(%dma_wait3A_58 : memref<80x128xi32, #tpu.memory_space<hbm>>) dst(%arg7 : memref<80x128xi32, #tpu.memory_space<vmem>>)
      tpu.yield
    }) : () -> ()
    %mul3A_27 = arith.constant 80 : i32
    %mul3A_28 = arith.muli %add3A, %mul3A_27 : i32
    "tpu.region"() ({
      %run_scoped3A = tpu.sem_alloc : memref<!tpu.dma_semaphore, #tpu.memory_space<semaphore_mem>>
      %dma_start3A_52 = arith.constant 0 : i32
      %dma_start3A_53 = tpu.memref_slice %arg4[%mul3A_28, %dma_start3A_52] : memref<2560x128xi32, #tpu.memory_space<hbm>> -> memref<80x128xi32, #tpu.memory_space<hbm>>
      %dma_start3A_54 = arith.constant 0 : i32
      %dma_start3A_55 = tpu.memref_slice %arg4[%mul3A_28, %dma_start3A_54] : memref<2560x128xi32, #tpu.memory_space<hbm>> -> memref<80x128xi32, #tpu.memory_space<hbm>>
      tpu.enqueue_dma source(%dma_start3A_55 : memref<80x128xi32, #tpu.memory_space<hbm>>) target(%arg8 : memref<80x128xi32, #tpu.memory_space<vmem>>) target_semaphore(%run_scoped3A : memref<!tpu.dma_semaphore, #tpu.memory_space<semaphore_mem>>)
      %dma_wait3A = arith.constant 0 : i32
      %dma_wait3A_56 = tpu.memref_slice %arg4[%mul3A_28, %dma_wait3A] : memref<2560x128xi32, #tpu.memory_space<hbm>> -> memref<80x128xi32, #tpu.memory_space<hbm>>
      %dma_wait3A_57 = arith.constant 0 : i32
      %dma_wait3A_58 = tpu.memref_slice %arg4[%mul3A_28, %dma_wait3A_57] : memref<2560x128xi32, #tpu.memory_space<hbm>> -> memref<80x128xi32, #tpu.memory_space<hbm>>
      tpu.wait_dma2 semaphore(%run_scoped3A : memref<!tpu.dma_semaphore, #tpu.memory_space<semaphore_mem>>) src(%dma_wait3A_58 : memref<80x128xi32, #tpu.memory_space<hbm>>) dst(%arg8 : memref<80x128xi32, #tpu.memory_space<vmem>>)
      tpu.yield
    }) : () -> ()
    %dma_start3A = arith.constant 0 : i32
    %dma_start3A_29 = arith.constant 0 : i32
    %dma_start3A_30 = tpu.memref_slice %arg7[%dma_start3A, %dma_start3A_29] : memref<80x128xi32, #tpu.memory_space<vmem>> -> memref<1x128xi32, #tpu.memory_space<vmem>>
    %dma_start3A_31 = tpu.memref_squeeze %dma_start3A_30 : memref<1x128xi32, #tpu.memory_space<vmem>> -> memref<128xi32, #tpu.memory_space<vmem>>
    %dma_start3A_32 = arith.constant 0 : i32
    %dma_start3A_33 = arith.constant 0 : i32
    %dma_start3A_34 = tpu.memref_slice %arg12[%dma_start3A_32, %dma_start3A_33] : memref<10240x32xf32, #tpu.memory_space<vmem_shared>> -> memref<10240x32xf32, #tpu.memory_space<vmem_shared>>
    tpu.enqueue_indirect_dma source(%dma_start3A_34 : memref<10240x32xf32, #tpu.memory_space<vmem_shared>>) target(%arg9 : memref<128x32xf32, #tpu.memory_space<vmem>>) offsets(%dma_start3A_31 : memref<128xi32, #tpu.memory_space<vmem>>) semaphore(%arg13 : memref<!tpu.dma_semaphore, #tpu.memory_space<semaphore_mem>>)
    %dma_start3A_35 = arith.constant 1 : i32
    %dma_start3A_36 = arith.constant 0 : i32
    %dma_start3A_37 = tpu.memref_slice %arg7[%dma_start3A_35, %dma_start3A_36] : memref<80x128xi32, #tpu.memory_space<vmem>> -> memref<1x128xi32, #tpu.memory_space<vmem>>
    %dma_start3A_38 = tpu.memref_squeeze %dma_start3A_37 : memref<1x128xi32, #tpu.memory_space<vmem>> -> memref<128xi32, #tpu.memory_space<vmem>>
    %dma_start3A_39 = arith.constant 0 : i32
    %dma_start3A_40 = arith.constant 0 : i32
    %dma_start3A_41 = tpu.memref_slice %arg12[%dma_start3A_39, %dma_start3A_40] : memref<10240x32xf32, #tpu.memory_space<vmem_shared>> -> memref<10240x32xf32, #tpu.memory_space<vmem_shared>>
    tpu.enqueue_indirect_dma source(%dma_start3A_41 : memref<10240x32xf32, #tpu.memory_space<vmem_shared>>) target(%arg10 : memref<128x32xf32, #tpu.memory_space<vmem>>) offsets(%dma_start3A_38 : memref<128xi32, #tpu.memory_space<vmem>>) semaphore(%arg14 : memref<!tpu.dma_semaphore, #tpu.memory_space<semaphore_mem>>)
    %scan3A = arith.constant 0 : i32
    %scan3A_42 = arith.constant 0 : i32
    %scan3A_43 = arith.constant 40 : i32
    %scan3A_44 = arith.addi %scan3A_42, %scan3A_43 : i32
    %scan3A_45 = arith.constant 1 : i32
    scf.for %scan3A_52 = %scan3A_42 to %scan3A_44 step %scan3A_45  : i32 {
      %mul3A_53 = arith.constant 2 : i32
      %mul3A_54 = arith.muli %scan3A_52, %mul3A_53 : i32
      %add3A_55 = arith.constant 0 : i32
      %add3A_56 = arith.addi %mul3A_54, %add3A_55 : i32
      %dma_wait3A = arith.constant 0 : i32
      %dma_wait3A_57 = tpu.memref_slice %arg7[%add3A_56, %dma_wait3A] : memref<80x128xi32, #tpu.memory_space<vmem>> -> memref<1x128xi32, #tpu.memory_space<vmem>>
      %dma_wait3A_58 = tpu.memref_squeeze %dma_wait3A_57 : memref<1x128xi32, #tpu.memory_space<vmem>> -> memref<128xi32, #tpu.memory_space<vmem>>
      %dma_wait3A_59 = arith.constant 0 : i32
      %dma_wait3A_60 = arith.constant 0 : i32
      %dma_wait3A_61 = tpu.memref_slice %arg12[%dma_wait3A_59, %dma_wait3A_60] : memref<10240x32xf32, #tpu.memory_space<vmem_shared>> -> memref<10240x32xf32, #tpu.memory_space<vmem_shared>>
      tpu.wait_indirect_dma semaphore(%arg13 : memref<!tpu.dma_semaphore, #tpu.memory_space<semaphore_mem>>) src(%dma_wait3A_61 : memref<10240x32xf32, #tpu.memory_space<vmem_shared>>) dst(%arg9 : memref<128x32xf32, #tpu.memory_space<vmem>>)
      "tpu.region"() ({
        %run_scoped3A = tpu.sem_alloc : memref<!tpu.dma_semaphore, #tpu.memory_space<semaphore_mem>>
        %dma_start3A_79 = arith.constant 0 : i32
        %dma_start3A_80 = tpu.memref_slice %arg8[%add3A_56, %dma_start3A_79] : memref<80x128xi32, #tpu.memory_space<vmem>> -> memref<1x128xi32, #tpu.memory_space<vmem>>
        %dma_start3A_81 = tpu.memref_squeeze %dma_start3A_80 : memref<1x128xi32, #tpu.memory_space<vmem>> -> memref<128xi32, #tpu.memory_space<vmem>>
        %dma_start3A_82 = arith.constant 0 : i32
        %dma_start3A_83 = arith.constant 0 : i32
        %dma_start3A_84 = tpu.memref_slice %arg11[%dma_start3A_82, %dma_start3A_83] : memref<10240x32xf32, #tpu.memory_space<vmem_shared>> -> memref<10240x32xf32, #tpu.memory_space<vmem_shared>>
        tpu.enqueue_indirect_dma source(%arg9 : memref<128x32xf32, #tpu.memory_space<vmem>>) target(%dma_start3A_84 : memref<10240x32xf32, #tpu.memory_space<vmem_shared>>) offsets(%dma_start3A_81 : memref<128xi32, #tpu.memory_space<vmem>>) semaphore(%run_scoped3A : memref<!tpu.dma_semaphore, #tpu.memory_space<semaphore_mem>>) {add = true}
        %dma_wait3A_85 = arith.constant 0 : i32
        %dma_wait3A_86 = tpu.memref_slice %arg8[%add3A_56, %dma_wait3A_85] : memref<80x128xi32, #tpu.memory_space<vmem>> -> memref<1x128xi32, #tpu.memory_space<vmem>>
        %dma_wait3A_87 = tpu.memref_squeeze %dma_wait3A_86 : memref<1x128xi32, #tpu.memory_space<vmem>> -> memref<128xi32, #tpu.memory_space<vmem>>
        %dma_wait3A_88 = arith.constant 0 : i32
        %dma_wait3A_89 = arith.constant 0 : i32
        %dma_wait3A_90 = tpu.memref_slice %arg11[%dma_wait3A_88, %dma_wait3A_89] : memref<10240x32xf32, #tpu.memory_space<vmem_shared>> -> memref<10240x32xf32, #tpu.memory_space<vmem_shared>>
        tpu.wait_indirect_dma semaphore(%run_scoped3A : memref<!tpu.dma_semaphore, #tpu.memory_space<semaphore_mem>>) src(%arg9 : memref<128x32xf32, #tpu.memory_space<vmem>>) dst(%dma_wait3A_90 : memref<10240x32xf32, #tpu.memory_space<vmem_shared>>)
        tpu.yield
      }) : () -> ()
      %lt3A = arith.constant 39 : i32
      %lt3A_62 = arith.cmpi slt, %scan3A_52, %lt3A : i32
      %convert_element_type3A = arith.extui %lt3A_62 : i1 to i32
      %cond3A = arith.constant 0 : i32
      %cond3A_63 = arith.cmpi ne, %convert_element_type3A, %cond3A : i32
      scf.if %cond3A_63 {
        %add3A_79 = arith.constant 2 : i32
        %add3A_80 = arith.addi %add3A_56, %add3A_79 : i32
        %dma_start3A_81 = arith.constant 0 : i32
        %dma_start3A_82 = tpu.memref_slice %arg7[%add3A_80, %dma_start3A_81] : memref<80x128xi32, #tpu.memory_space<vmem>> -> memref<1x128xi32, #tpu.memory_space<vmem>>
        %dma_start3A_83 = tpu.memref_squeeze %dma_start3A_82 : memref<1x128xi32, #tpu.memory_space<vmem>> -> memref<128xi32, #tpu.memory_space<vmem>>
        %dma_start3A_84 = arith.constant 0 : i32
        %dma_start3A_85 = arith.constant 0 : i32
        %dma_start3A_86 = tpu.memref_slice %arg12[%dma_start3A_84, %dma_start3A_85] : memref<10240x32xf32, #tpu.memory_space<vmem_shared>> -> memref<10240x32xf32, #tpu.memory_space<vmem_shared>>
        tpu.enqueue_indirect_dma source(%dma_start3A_86 : memref<10240x32xf32, #tpu.memory_space<vmem_shared>>) target(%arg9 : memref<128x32xf32, #tpu.memory_space<vmem>>) offsets(%dma_start3A_83 : memref<128xi32, #tpu.memory_space<vmem>>) semaphore(%arg13 : memref<!tpu.dma_semaphore, #tpu.memory_space<semaphore_mem>>)
      } else {
      }
      %mul3A_64 = arith.constant 2 : i32
      %mul3A_65 = arith.muli %scan3A_52, %mul3A_64 : i32
      %add3A_66 = arith.constant 1 : i32
      %add3A_67 = arith.addi %mul3A_65, %add3A_66 : i32
      %dma_wait3A_68 = arith.constant 0 : i32
      %dma_wait3A_69 = tpu.memref_slice %arg7[%add3A_67, %dma_wait3A_68] : memref<80x128xi32, #tpu.memory_space<vmem>> -> memref<1x128xi32, #tpu.memory_space<vmem>>
      %dma_wait3A_70 = tpu.memref_squeeze %dma_wait3A_69 : memref<1x128xi32, #tpu.memory_space<vmem>> -> memref<128xi32, #tpu.memory_space<vmem>>
      %dma_wait3A_71 = arith.constant 0 : i32
      %dma_wait3A_72 = arith.constant 0 : i32
      %dma_wait3A_73 = tpu.memref_slice %arg12[%dma_wait3A_71, %dma_wait3A_72] : memref<10240x32xf32, #tpu.memory_space<vmem_shared>> -> memref<10240x32xf32, #tpu.memory_space<vmem_shared>>
      tpu.wait_indirect_dma semaphore(%arg14 : memref<!tpu.dma_semaphore, #tpu.memory_space<semaphore_mem>>) src(%dma_wait3A_73 : memref<10240x32xf32, #tpu.memory_space<vmem_shared>>) dst(%arg10 : memref<128x32xf32, #tpu.memory_space<vmem>>)
      "tpu.region"() ({
        %run_scoped3A = tpu.sem_alloc : memref<!tpu.dma_semaphore, #tpu.memory_space<semaphore_mem>>
        %dma_start3A_79 = arith.constant 0 : i32
        %dma_start3A_80 = tpu.memref_slice %arg8[%add3A_67, %dma_start3A_79] : memref<80x128xi32, #tpu.memory_space<vmem>> -> memref<1x128xi32, #tpu.memory_space<vmem>>
        %dma_start3A_81 = tpu.memref_squeeze %dma_start3A_80 : memref<1x128xi32, #tpu.memory_space<vmem>> -> memref<128xi32, #tpu.memory_space<vmem>>
        %dma_start3A_82 = arith.constant 0 : i32
        %dma_start3A_83 = arith.constant 0 : i32
        %dma_start3A_84 = tpu.memref_slice %arg11[%dma_start3A_82, %dma_start3A_83] : memref<10240x32xf32, #tpu.memory_space<vmem_shared>> -> memref<10240x32xf32, #tpu.memory_space<vmem_shared>>
        tpu.enqueue_indirect_dma source(%arg10 : memref<128x32xf32, #tpu.memory_space<vmem>>) target(%dma_start3A_84 : memref<10240x32xf32, #tpu.memory_space<vmem_shared>>) offsets(%dma_start3A_81 : memref<128xi32, #tpu.memory_space<vmem>>) semaphore(%run_scoped3A : memref<!tpu.dma_semaphore, #tpu.memory_space<semaphore_mem>>) {add = true}
        %dma_wait3A_85 = arith.constant 0 : i32
        %dma_wait3A_86 = tpu.memref_slice %arg8[%add3A_67, %dma_wait3A_85] : memref<80x128xi32, #tpu.memory_space<vmem>> -> memref<1x128xi32, #tpu.memory_space<vmem>>
        %dma_wait3A_87 = tpu.memref_squeeze %dma_wait3A_86 : memref<1x128xi32, #tpu.memory_space<vmem>> -> memref<128xi32, #tpu.memory_space<vmem>>
        %dma_wait3A_88 = arith.constant 0 : i32
        %dma_wait3A_89 = arith.constant 0 : i32
        %dma_wait3A_90 = tpu.memref_slice %arg11[%dma_wait3A_88, %dma_wait3A_89] : memref<10240x32xf32, #tpu.memory_space<vmem_shared>> -> memref<10240x32xf32, #tpu.memory_space<vmem_shared>>
        tpu.wait_indirect_dma semaphore(%run_scoped3A : memref<!tpu.dma_semaphore, #tpu.memory_space<semaphore_mem>>) src(%arg10 : memref<128x32xf32, #tpu.memory_space<vmem>>) dst(%dma_wait3A_90 : memref<10240x32xf32, #tpu.memory_space<vmem_shared>>)
        tpu.yield
      }) : () -> ()
      %lt3A_74 = arith.constant 39 : i32
      %lt3A_75 = arith.cmpi slt, %scan3A_52, %lt3A_74 : i32
      %convert_element_type3A_76 = arith.extui %lt3A_75 : i1 to i32
      %cond3A_77 = arith.constant 0 : i32
      %cond3A_78 = arith.cmpi ne, %convert_element_type3A_76, %cond3A_77 : i32
      scf.if %cond3A_78 {
        %add3A_79 = arith.constant 2 : i32
        %add3A_80 = arith.addi %add3A_67, %add3A_79 : i32
        %dma_start3A_81 = arith.constant 0 : i32
        %dma_start3A_82 = tpu.memref_slice %arg7[%add3A_80, %dma_start3A_81] : memref<80x128xi32, #tpu.memory_space<vmem>> -> memref<1x128xi32, #tpu.memory_space<vmem>>
        %dma_start3A_83 = tpu.memref_squeeze %dma_start3A_82 : memref<1x128xi32, #tpu.memory_space<vmem>> -> memref<128xi32, #tpu.memory_space<vmem>>
        %dma_start3A_84 = arith.constant 0 : i32
        %dma_start3A_85 = arith.constant 0 : i32
        %dma_start3A_86 = tpu.memref_slice %arg12[%dma_start3A_84, %dma_start3A_85] : memref<10240x32xf32, #tpu.memory_space<vmem_shared>> -> memref<10240x32xf32, #tpu.memory_space<vmem_shared>>
        tpu.enqueue_indirect_dma source(%dma_start3A_86 : memref<10240x32xf32, #tpu.memory_space<vmem_shared>>) target(%arg10 : memref<128x32xf32, #tpu.memory_space<vmem>>) offsets(%dma_start3A_83 : memref<128xi32, #tpu.memory_space<vmem>>) semaphore(%arg14 : memref<!tpu.dma_semaphore, #tpu.memory_space<semaphore_mem>>)
      } else {
      }
    }
    %scan3A_46 = arith.constant 40 : i32
    %barrier3A_47 = arith.constant 0 : index
    tpu.barrier barrier_id(%barrier3A_47)
    %mul3A_48 = arith.constant 640 : i32
    %mul3A_49 = arith.muli %arg1, %mul3A_48 : i32
    %mul3A_50 = arith.constant 640 : i32
    %mul3A_51 = arith.muli %arg1, %mul3A_50 : i32
    "tpu.region"() ({
      %run_scoped3A = tpu.sem_alloc : memref<!tpu.dma_semaphore, #tpu.memory_space<semaphore_mem>>
      %dma_start3A_52 = arith.constant 0 : i32
      %dma_start3A_53 = tpu.memref_slice %arg6[%arg0, %mul3A_51, %dma_start3A_52] : memref<2x10240x32xf32, #tpu.memory_space<hbm>> -> memref<1x640x32xf32, #tpu.memory_space<hbm>>
      %dma_start3A_54 = tpu.memref_squeeze %dma_start3A_53 : memref<1x640x32xf32, #tpu.memory_space<hbm>> -> memref<640x32xf32, #tpu.memory_space<hbm>>
      %dma_start3A_55 = arith.constant 0 : i32
      %dma_start3A_56 = tpu.memref_slice %arg11[%mul3A_49, %dma_start3A_55] : memref<10240x32xf32, #tpu.memory_space<vmem_shared>> -> memref<640x32xf32, #tpu.memory_space<vmem_shared>>
      tpu.enqueue_dma source(%dma_start3A_56 : memref<640x32xf32, #tpu.memory_space<vmem_shared>>) target(%dma_start3A_54 : memref<640x32xf32, #tpu.memory_space<hbm>>) target_semaphore(%run_scoped3A : memref<!tpu.dma_semaphore, #tpu.memory_space<semaphore_mem>>)
      %dma_wait3A = arith.constant 0 : i32
      %dma_wait3A_57 = tpu.memref_slice %arg6[%arg0, %mul3A_51, %dma_wait3A] : memref<2x10240x32xf32, #tpu.memory_space<hbm>> -> memref<1x640x32xf32, #tpu.memory_space<hbm>>
      %dma_wait3A_58 = tpu.memref_squeeze %dma_wait3A_57 : memref<1x640x32xf32, #tpu.memory_space<hbm>> -> memref<640x32xf32, #tpu.memory_space<hbm>>
      %dma_wait3A_59 = arith.constant 0 : i32
      %dma_wait3A_60 = tpu.memref_slice %arg11[%mul3A_49, %dma_wait3A_59] : memref<10240x32xf32, #tpu.memory_space<vmem_shared>> -> memref<640x32xf32, #tpu.memory_space<vmem_shared>>
      tpu.wait_dma2 semaphore(%run_scoped3A : memref<!tpu.dma_semaphore, #tpu.memory_space<semaphore_mem>>) src(%dma_wait3A_60 : memref<640x32xf32, #tpu.memory_space<vmem_shared>>) dst(%dma_wait3A_58 : memref<640x32xf32, #tpu.memory_space<hbm>>)
      tpu.yield
    }) : () -> ()
    return
  }
}

#map = affine_map<(d0, d1) -> (0, 0)>
#map1 = affine_map<(d0, d1) -> (0, 0, 0)>
module attributes {stable_mosaic.version = 14 : i64} {
  func.func @k(%arg0: i32, %arg1: i32, %arg2: memref<10240x64xf32, #tpu.memory_space<hbm>>, %arg3: memref<2560x128xi32, #tpu.memory_space<hbm>>, %arg4: memref<2560x128xi32, #tpu.memory_space<hbm>>, %arg5: memref<128x64xf32, #tpu.memory_space<hbm>>, %arg6: memref<2x10240x64xf32, #tpu.memory_space<hbm>>, %arg7: memref<80x128xi32, #tpu.memory_space<vmem>>, %arg8: memref<80x128xi32, #tpu.memory_space<vmem>>, %arg9: memref<128x64xf32, #tpu.memory_space<vmem>>, %arg10: memref<128x64xf32, #tpu.memory_space<vmem>>, %arg11: memref<10240x64xf32, #tpu.memory_space<vmem_shared>>, %arg12: memref<10240x64xf32, #tpu.memory_space<vmem_shared>>, %arg13: memref<!tpu.dma_semaphore, #tpu.memory_space<semaphore_mem>>, %arg14: memref<!tpu.dma_semaphore, #tpu.memory_space<semaphore_mem>>) attributes {dimension_semantics = [#tpu.dimension_semantics<core_parallel>, #tpu.dimension_semantics<subcore_parallel>], iteration_bounds = array<i64: 2, 16>, scalar_prefetch = 0 : i64, scratch_operands = 8 : i64, tpu.core_type = #tpu.core_type<sc_vector_subcore>, window_params = [{transform_indices = #map}, {transform_indices = #map}, {transform_indices = #map}, {transform_indices = #map}, {transform_indices = #map1}]} {
    %mul3A = arith.constant 16 : i32
    %mul3A_0 = arith.muli %arg0, %mul3A : i32
    %add3A = arith.addi %mul3A_0, %arg1 : i32
    %mul3A_1 = arith.constant 640 : i32
    %mul3A_2 = arith.muli %arg1, %mul3A_1 : i32
    %mul3A_3 = arith.constant 640 : i32
    %mul3A_4 = arith.muli %arg1, %mul3A_3 : i32
    "tpu.region"() ({
      %run_scoped3A = tpu.sem_alloc : memref<!tpu.dma_semaphore, #tpu.memory_space<semaphore_mem>>
      %dma_start3A_52 = arith.constant 0 : i32
      %dma_start3A_53 = tpu.memref_slice %arg12[%mul3A_4, %dma_start3A_52] : memref<10240x64xf32, #tpu.memory_space<vmem_shared>> -> memref<640x64xf32, #tpu.memory_space<vmem_shared>>
      %dma_start3A_54 = arith.constant 0 : i32
      %dma_start3A_55 = tpu.memref_slice %arg2[%mul3A_2, %dma_start3A_54] : memref<10240x64xf32, #tpu.memory_space<hbm>> -> memref<640x64xf32, #tpu.memory_space<hbm>>
      tpu.enqueue_dma source(%dma_start3A_55 : memref<640x64xf32, #tpu.memory_space<hbm>>) target(%dma_start3A_53 : memref<640x64xf32, #tpu.memory_space<vmem_shared>>) target_semaphore(%run_scoped3A : memref<!tpu.dma_semaphore, #tpu.memory_space<semaphore_mem>>)
      %dma_wait3A = arith.constant 0 : i32
      %dma_wait3A_56 = tpu.memref_slice %arg12[%mul3A_4, %dma_wait3A] : memref<10240x64xf32, #tpu.memory_space<vmem_shared>> -> memref<640x64xf32, #tpu.memory_space<vmem_shared>>
      %dma_wait3A_57 = arith.constant 0 : i32
      %dma_wait3A_58 = tpu.memref_slice %arg2[%mul3A_2, %dma_wait3A_57] : memref<10240x64xf32, #tpu.memory_space<hbm>> -> memref<640x64xf32, #tpu.memory_space<hbm>>
      tpu.wait_dma2 semaphore(%run_scoped3A : memref<!tpu.dma_semaphore, #tpu.memory_space<semaphore_mem>>) src(%dma_wait3A_58 : memref<640x64xf32, #tpu.memory_space<hbm>>) dst(%dma_wait3A_56 : memref<640x64xf32, #tpu.memory_space<vmem_shared>>)
      tpu.yield
    }) : () -> ()
    "tpu.region"() ({
      %run_scoped3A = tpu.sem_alloc : memref<!tpu.dma_semaphore, #tpu.memory_space<semaphore_mem>>
      tpu.enqueue_dma source(%arg5 : memref<128x64xf32, #tpu.memory_space<hbm>>) target(%arg9 : memref<128x64xf32, #tpu.memory_space<vmem>>) target_semaphore(%run_scoped3A : memref<!tpu.dma_semaphore, #tpu.memory_space<semaphore_mem>>)
      tpu.wait_dma2 semaphore(%run_scoped3A : memref<!tpu.dma_semaphore, #tpu.memory_space<semaphore_mem>>) src(%arg5 : memref<128x64xf32, #tpu.memory_space<hbm>>) dst(%arg9 : memref<128x64xf32, #tpu.memory_space<vmem>>)
      tpu.yield
    }) : () -> ()
    %mul3A_5 = arith.constant 640 : i32
    %mul3A_6 = arith.muli %arg1, %mul3A_5 : i32
    %add3A_7 = arith.constant 0 : i32
    %add3A_8 = arith.addi %mul3A_6, %add3A_7 : i32
    "tpu.region"() ({
      %run_scoped3A = tpu.sem_alloc : memref<!tpu.dma_semaphore, #tpu.memory_space<semaphore_mem>>
      %dma_start3A_52 = arith.constant 0 : i32
      %dma_start3A_53 = tpu.memref_slice %arg11[%add3A_8, %dma_start3A_52] : memref<10240x64xf32, #tpu.memory_space<vmem_shared>> -> memref<128x64xf32, #tpu.memory_space<vmem_shared>>
      %dma_start3A_54 = arith.constant 0 : i32
      %dma_start3A_55 = tpu.memref_slice %arg11[%add3A_8, %dma_start3A_54] : memref<10240x64xf32, #tpu.memory_space<vmem_shared>> -> memref<128x64xf32, #tpu.memory_space<vmem_shared>>
      tpu.enqueue_dma source(%arg9 : memref<128x64xf32, #tpu.memory_space<vmem>>) target(%dma_start3A_55 : memref<128x64xf32, #tpu.memory_space<vmem_shared>>) target_semaphore(%run_scoped3A : memref<!tpu.dma_semaphore, #tpu.memory_space<semaphore_mem>>)
      %dma_wait3A = arith.constant 0 : i32
      %dma_wait3A_56 = tpu.memref_slice %arg11[%add3A_8, %dma_wait3A] : memref<10240x64xf32, #tpu.memory_space<vmem_shared>> -> memref<128x64xf32, #tpu.memory_space<vmem_shared>>
      %dma_wait3A_57 = arith.constant 0 : i32
      %dma_wait3A_58 = tpu.memref_slice %arg11[%add3A_8, %dma_wait3A_57] : memref<10240x64xf32, #tpu.memory_space<vmem_shared>> -> memref<128x64xf32, #tpu.memory_space<vmem_shared>>
      tpu.wait_dma2 semaphore(%run_scoped3A : memref<!tpu.dma_semaphore, #tpu.memory_space<semaphore_mem>>) src(%arg9 : memref<128x64xf32, #tpu.memory_space<vmem>>) dst(%dma_wait3A_58 : memref<128x64xf32, #tpu.memory_space<vmem_shared>>)
      tpu.yield
    }) : () -> ()
    %mul3A_9 = arith.constant 640 : i32
    %mul3A_10 = arith.muli %arg1, %mul3A_9 : i32
    %add3A_11 = arith.constant 128 : i32
    %add3A_12 = arith.addi %mul3A_10, %add3A_11 : i32
    "tpu.region"() ({
      %run_scoped3A = tpu.sem_alloc : memref<!tpu.dma_semaphore, #tpu.memory_space<semaphore_mem>>
      %dma_start3A_52 = arith.constant 0 : i32
      %dma_start3A_53 = tpu.memref_slice %arg11[%add3A_12, %dma_start3A_52] : memref<10240x64xf32, #tpu.memory_space<vmem_shared>> -> memref<128x64xf32, #tpu.memory_space<vmem_shared>>
      %dma_start3A_54 = arith.constant 0 : i32
      %dma_start3A_55 = tpu.memref_slice %arg11[%add3A_12, %dma_start3A_54] : memref<10240x64xf32, #tpu.memory_space<vmem_shared>> -> memref<128x64xf32, #tpu.memory_space<vmem_shared>>
      tpu.enqueue_dma source(%arg9 : memref<128x64xf32, #tpu.memory_space<vmem>>) target(%dma_start3A_55 : memref<128x64xf32, #tpu.memory_space<vmem_shared>>) target_semaphore(%run_scoped3A : memref<!tpu.dma_semaphore, #tpu.memory_space<semaphore_mem>>)
      %dma_wait3A = arith.constant 0 : i32
      %dma_wait3A_56 = tpu.memref_slice %arg11[%add3A_12, %dma_wait3A] : memref<10240x64xf32, #tpu.memory_space<vmem_shared>> -> memref<128x64xf32, #tpu.memory_space<vmem_shared>>
      %dma_wait3A_57 = arith.constant 0 : i32
      %dma_wait3A_58 = tpu.memref_slice %arg11[%add3A_12, %dma_wait3A_57] : memref<10240x64xf32, #tpu.memory_space<vmem_shared>> -> memref<128x64xf32, #tpu.memory_space<vmem_shared>>
      tpu.wait_dma2 semaphore(%run_scoped3A : memref<!tpu.dma_semaphore, #tpu.memory_space<semaphore_mem>>) src(%arg9 : memref<128x64xf32, #tpu.memory_space<vmem>>) dst(%dma_wait3A_58 : memref<128x64xf32, #tpu.memory_space<vmem_shared>>)
      tpu.yield
    }) : () -> ()
    %mul3A_13 = arith.constant 640 : i32
    %mul3A_14 = arith.muli %arg1, %mul3A_13 : i32
    %add3A_15 = arith.constant 256 : i32
    %add3A_16 = arith.addi %mul3A_14, %add3A_15 : i32
    "tpu.region"() ({
      %run_scoped3A = tpu.sem_alloc : memref<!tpu.dma_semaphore, #tpu.memory_space<semaphore_mem>>
      %dma_start3A_52 = arith.constant 0 : i32
      %dma_start3A_53 = tpu.memref_slice %arg11[%add3A_16, %dma_start3A_52] : memref<10240x64xf32, #tpu.memory_space<vmem_shared>> -> memref<128x64xf32, #tpu.memory_space<vmem_shared>>
      %dma_start3A_54 = arith.constant 0 : i32
      %dma_start3A_55 = tpu.memref_slice %arg11[%add3A_16, %dma_start3A_54] : memref<10240x64xf32, #tpu.memory_space<vmem_shared>> -> memref<128x64xf32, #tpu.memory_space<vmem_shared>>
      tpu.enqueue_dma source(%arg9 : memref<128x64xf32, #tpu.memory_space<vmem>>) target(%dma_start3A_55 : memref<128x64xf32, #tpu.memory_space<vmem_shared>>) target_semaphore(%run_scoped3A : memref<!tpu.dma_semaphore, #tpu.memory_space<semaphore_mem>>)
      %dma_wait3A = arith.constant 0 : i32
      %dma_wait3A_56 = tpu.memref_slice %arg11[%add3A_16, %dma_wait3A] : memref<10240x64xf32, #tpu.memory_space<vmem_shared>> -> memref<128x64xf32, #tpu.memory_space<vmem_shared>>
      %dma_wait3A_57 = arith.constant 0 : i32
      %dma_wait3A_58 = tpu.memref_slice %arg11[%add3A_16, %dma_wait3A_57] : memref<10240x64xf32, #tpu.memory_space<vmem_shared>> -> memref<128x64xf32, #tpu.memory_space<vmem_shared>>
      tpu.wait_dma2 semaphore(%run_scoped3A : memref<!tpu.dma_semaphore, #tpu.memory_space<semaphore_mem>>) src(%arg9 : memref<128x64xf32, #tpu.memory_space<vmem>>) dst(%dma_wait3A_58 : memref<128x64xf32, #tpu.memory_space<vmem_shared>>)
      tpu.yield
    }) : () -> ()
    %mul3A_17 = arith.constant 640 : i32
    %mul3A_18 = arith.muli %arg1, %mul3A_17 : i32
    %add3A_19 = arith.constant 384 : i32
    %add3A_20 = arith.addi %mul3A_18, %add3A_19 : i32
    "tpu.region"() ({
      %run_scoped3A = tpu.sem_alloc : memref<!tpu.dma_semaphore, #tpu.memory_space<semaphore_mem>>
      %dma_start3A_52 = arith.constant 0 : i32
      %dma_start3A_53 = tpu.memref_slice %arg11[%add3A_20, %dma_start3A_52] : memref<10240x64xf32, #tpu.memory_space<vmem_shared>> -> memref<128x64xf32, #tpu.memory_space<vmem_shared>>
      %dma_start3A_54 = arith.constant 0 : i32
      %dma_start3A_55 = tpu.memref_slice %arg11[%add3A_20, %dma_start3A_54] : memref<10240x64xf32, #tpu.memory_space<vmem_shared>> -> memref<128x64xf32, #tpu.memory_space<vmem_shared>>
      tpu.enqueue_dma source(%arg9 : memref<128x64xf32, #tpu.memory_space<vmem>>) target(%dma_start3A_55 : memref<128x64xf32, #tpu.memory_space<vmem_shared>>) target_semaphore(%run_scoped3A : memref<!tpu.dma_semaphore, #tpu.memory_space<semaphore_mem>>)
      %dma_wait3A = arith.constant 0 : i32
      %dma_wait3A_56 = tpu.memref_slice %arg11[%add3A_20, %dma_wait3A] : memref<10240x64xf32, #tpu.memory_space<vmem_shared>> -> memref<128x64xf32, #tpu.memory_space<vmem_shared>>
      %dma_wait3A_57 = arith.constant 0 : i32
      %dma_wait3A_58 = tpu.memref_slice %arg11[%add3A_20, %dma_wait3A_57] : memref<10240x64xf32, #tpu.memory_space<vmem_shared>> -> memref<128x64xf32, #tpu.memory_space<vmem_shared>>
      tpu.wait_dma2 semaphore(%run_scoped3A : memref<!tpu.dma_semaphore, #tpu.memory_space<semaphore_mem>>) src(%arg9 : memref<128x64xf32, #tpu.memory_space<vmem>>) dst(%dma_wait3A_58 : memref<128x64xf32, #tpu.memory_space<vmem_shared>>)
      tpu.yield
    }) : () -> ()
    %mul3A_21 = arith.constant 640 : i32
    %mul3A_22 = arith.muli %arg1, %mul3A_21 : i32
    %add3A_23 = arith.constant 512 : i32
    %add3A_24 = arith.addi %mul3A_22, %add3A_23 : i32
    "tpu.region"() ({
      %run_scoped3A = tpu.sem_alloc : memref<!tpu.dma_semaphore, #tpu.memory_space<semaphore_mem>>
      %dma_start3A_52 = arith.constant 0 : i32
      %dma_start3A_53 = tpu.memref_slice %arg11[%add3A_24, %dma_start3A_52] : memref<10240x64xf32, #tpu.memory_space<vmem_shared>> -> memref<128x64xf32, #tpu.memory_space<vmem_shared>>
      %dma_start3A_54 = arith.constant 0 : i32
      %dma_start3A_55 = tpu.memref_slice %arg11[%add3A_24, %dma_start3A_54] : memref<10240x64xf32, #tpu.memory_space<vmem_shared>> -> memref<128x64xf32, #tpu.memory_space<vmem_shared>>
      tpu.enqueue_dma source(%arg9 : memref<128x64xf32, #tpu.memory_space<vmem>>) target(%dma_start3A_55 : memref<128x64xf32, #tpu.memory_space<vmem_shared>>) target_semaphore(%run_scoped3A : memref<!tpu.dma_semaphore, #tpu.memory_space<semaphore_mem>>)
      %dma_wait3A = arith.constant 0 : i32
      %dma_wait3A_56 = tpu.memref_slice %arg11[%add3A_24, %dma_wait3A] : memref<10240x64xf32, #tpu.memory_space<vmem_shared>> -> memref<128x64xf32, #tpu.memory_space<vmem_shared>>
      %dma_wait3A_57 = arith.constant 0 : i32
      %dma_wait3A_58 = tpu.memref_slice %arg11[%add3A_24, %dma_wait3A_57] : memref<10240x64xf32, #tpu.memory_space<vmem_shared>> -> memref<128x64xf32, #tpu.memory_space<vmem_shared>>
      tpu.wait_dma2 semaphore(%run_scoped3A : memref<!tpu.dma_semaphore, #tpu.memory_space<semaphore_mem>>) src(%arg9 : memref<128x64xf32, #tpu.memory_space<vmem>>) dst(%dma_wait3A_58 : memref<128x64xf32, #tpu.memory_space<vmem_shared>>)
      tpu.yield
    }) : () -> ()
    %barrier3A = arith.constant 0 : index
    tpu.barrier barrier_id(%barrier3A)
    %mul3A_25 = arith.constant 80 : i32
    %mul3A_26 = arith.muli %add3A, %mul3A_25 : i32
    "tpu.region"() ({
      %run_scoped3A = tpu.sem_alloc : memref<!tpu.dma_semaphore, #tpu.memory_space<semaphore_mem>>
      %dma_start3A_52 = arith.constant 0 : i32
      %dma_start3A_53 = tpu.memref_slice %arg3[%mul3A_26, %dma_start3A_52] : memref<2560x128xi32, #tpu.memory_space<hbm>> -> memref<80x128xi32, #tpu.memory_space<hbm>>
      %dma_start3A_54 = arith.constant 0 : i32
      %dma_start3A_55 = tpu.memref_slice %arg3[%mul3A_26, %dma_start3A_54] : memref<2560x128xi32, #tpu.memory_space<hbm>> -> memref<80x128xi32, #tpu.memory_space<hbm>>
      tpu.enqueue_dma source(%dma_start3A_55 : memref<80x128xi32, #tpu.memory_space<hbm>>) target(%arg7 : memref<80x128xi32, #tpu.memory_space<vmem>>) target_semaphore(%run_scoped3A : memref<!tpu.dma_semaphore, #tpu.memory_space<semaphore_mem>>)
      %dma_wait3A = arith.constant 0 : i32
      %dma_wait3A_56 = tpu.memref_slice %arg3[%mul3A_26, %dma_wait3A] : memref<2560x128xi32, #tpu.memory_space<hbm>> -> memref<80x128xi32, #tpu.memory_space<hbm>>
      %dma_wait3A_57 = arith.constant 0 : i32
      %dma_wait3A_58 = tpu.memref_slice %arg3[%mul3A_26, %dma_wait3A_57] : memref<2560x128xi32, #tpu.memory_space<hbm>> -> memref<80x128xi32, #tpu.memory_space<hbm>>
      tpu.wait_dma2 semaphore(%run_scoped3A : memref<!tpu.dma_semaphore, #tpu.memory_space<semaphore_mem>>) src(%dma_wait3A_58 : memref<80x128xi32, #tpu.memory_space<hbm>>) dst(%arg7 : memref<80x128xi32, #tpu.memory_space<vmem>>)
      tpu.yield
    }) : () -> ()
    %mul3A_27 = arith.constant 80 : i32
    %mul3A_28 = arith.muli %add3A, %mul3A_27 : i32
    "tpu.region"() ({
      %run_scoped3A = tpu.sem_alloc : memref<!tpu.dma_semaphore, #tpu.memory_space<semaphore_mem>>
      %dma_start3A_52 = arith.constant 0 : i32
      %dma_start3A_53 = tpu.memref_slice %arg4[%mul3A_28, %dma_start3A_52] : memref<2560x128xi32, #tpu.memory_space<hbm>> -> memref<80x128xi32, #tpu.memory_space<hbm>>
      %dma_start3A_54 = arith.constant 0 : i32
      %dma_start3A_55 = tpu.memref_slice %arg4[%mul3A_28, %dma_start3A_54] : memref<2560x128xi32, #tpu.memory_space<hbm>> -> memref<80x128xi32, #tpu.memory_space<hbm>>
      tpu.enqueue_dma source(%dma_start3A_55 : memref<80x128xi32, #tpu.memory_space<hbm>>) target(%arg8 : memref<80x128xi32, #tpu.memory_space<vmem>>) target_semaphore(%run_scoped3A : memref<!tpu.dma_semaphore, #tpu.memory_space<semaphore_mem>>)
      %dma_wait3A = arith.constant 0 : i32
      %dma_wait3A_56 = tpu.memref_slice %arg4[%mul3A_28, %dma_wait3A] : memref<2560x128xi32, #tpu.memory_space<hbm>> -> memref<80x128xi32, #tpu.memory_space<hbm>>
      %dma_wait3A_57 = arith.constant 0 : i32
      %dma_wait3A_58 = tpu.memref_slice %arg4[%mul3A_28, %dma_wait3A_57] : memref<2560x128xi32, #tpu.memory_space<hbm>> -> memref<80x128xi32, #tpu.memory_space<hbm>>
      tpu.wait_dma2 semaphore(%run_scoped3A : memref<!tpu.dma_semaphore, #tpu.memory_space<semaphore_mem>>) src(%dma_wait3A_58 : memref<80x128xi32, #tpu.memory_space<hbm>>) dst(%arg8 : memref<80x128xi32, #tpu.memory_space<vmem>>)
      tpu.yield
    }) : () -> ()
    %dma_start3A = arith.constant 0 : i32
    %dma_start3A_29 = arith.constant 0 : i32
    %dma_start3A_30 = tpu.memref_slice %arg7[%dma_start3A, %dma_start3A_29] : memref<80x128xi32, #tpu.memory_space<vmem>> -> memref<1x128xi32, #tpu.memory_space<vmem>>
    %dma_start3A_31 = tpu.memref_squeeze %dma_start3A_30 : memref<1x128xi32, #tpu.memory_space<vmem>> -> memref<128xi32, #tpu.memory_space<vmem>>
    %dma_start3A_32 = arith.constant 0 : i32
    %dma_start3A_33 = arith.constant 0 : i32
    %dma_start3A_34 = tpu.memref_slice %arg12[%dma_start3A_32, %dma_start3A_33] : memref<10240x64xf32, #tpu.memory_space<vmem_shared>> -> memref<10240x64xf32, #tpu.memory_space<vmem_shared>>
    tpu.enqueue_indirect_dma source(%dma_start3A_34 : memref<10240x64xf32, #tpu.memory_space<vmem_shared>>) target(%arg9 : memref<128x64xf32, #tpu.memory_space<vmem>>) offsets(%dma_start3A_31 : memref<128xi32, #tpu.memory_space<vmem>>) semaphore(%arg13 : memref<!tpu.dma_semaphore, #tpu.memory_space<semaphore_mem>>)
    %dma_start3A_35 = arith.constant 1 : i32
    %dma_start3A_36 = arith.constant 0 : i32
    %dma_start3A_37 = tpu.memref_slice %arg7[%dma_start3A_35, %dma_start3A_36] : memref<80x128xi32, #tpu.memory_space<vmem>> -> memref<1x128xi32, #tpu.memory_space<vmem>>
    %dma_start3A_38 = tpu.memref_squeeze %dma_start3A_37 : memref<1x128xi32, #tpu.memory_space<vmem>> -> memref<128xi32, #tpu.memory_space<vmem>>
    %dma_start3A_39 = arith.constant 0 : i32
    %dma_start3A_40 = arith.constant 0 : i32
    %dma_start3A_41 = tpu.memref_slice %arg12[%dma_start3A_39, %dma_start3A_40] : memref<10240x64xf32, #tpu.memory_space<vmem_shared>> -> memref<10240x64xf32, #tpu.memory_space<vmem_shared>>
    tpu.enqueue_indirect_dma source(%dma_start3A_41 : memref<10240x64xf32, #tpu.memory_space<vmem_shared>>) target(%arg10 : memref<128x64xf32, #tpu.memory_space<vmem>>) offsets(%dma_start3A_38 : memref<128xi32, #tpu.memory_space<vmem>>) semaphore(%arg14 : memref<!tpu.dma_semaphore, #tpu.memory_space<semaphore_mem>>)
    %scan3A = arith.constant 0 : i32
    %scan3A_42 = arith.constant 0 : i32
    %scan3A_43 = arith.constant 40 : i32
    %scan3A_44 = arith.addi %scan3A_42, %scan3A_43 : i32
    %scan3A_45 = arith.constant 1 : i32
    scf.for %scan3A_52 = %scan3A_42 to %scan3A_44 step %scan3A_45  : i32 {
      %mul3A_53 = arith.constant 2 : i32
      %mul3A_54 = arith.muli %scan3A_52, %mul3A_53 : i32
      %add3A_55 = arith.constant 0 : i32
      %add3A_56 = arith.addi %mul3A_54, %add3A_55 : i32
      %dma_wait3A = arith.constant 0 : i32
      %dma_wait3A_57 = tpu.memref_slice %arg7[%add3A_56, %dma_wait3A] : memref<80x128xi32, #tpu.memory_space<vmem>> -> memref<1x128xi32, #tpu.memory_space<vmem>>
      %dma_wait3A_58 = tpu.memref_squeeze %dma_wait3A_57 : memref<1x128xi32, #tpu.memory_space<vmem>> -> memref<128xi32, #tpu.memory_space<vmem>>
      %dma_wait3A_59 = arith.constant 0 : i32
      %dma_wait3A_60 = arith.constant 0 : i32
      %dma_wait3A_61 = tpu.memref_slice %arg12[%dma_wait3A_59, %dma_wait3A_60] : memref<10240x64xf32, #tpu.memory_space<vmem_shared>> -> memref<10240x64xf32, #tpu.memory_space<vmem_shared>>
      tpu.wait_indirect_dma semaphore(%arg13 : memref<!tpu.dma_semaphore, #tpu.memory_space<semaphore_mem>>) src(%dma_wait3A_61 : memref<10240x64xf32, #tpu.memory_space<vmem_shared>>) dst(%arg9 : memref<128x64xf32, #tpu.memory_space<vmem>>)
      "tpu.region"() ({
        %run_scoped3A = tpu.sem_alloc : memref<!tpu.dma_semaphore, #tpu.memory_space<semaphore_mem>>
        %dma_start3A_79 = arith.constant 0 : i32
        %dma_start3A_80 = tpu.memref_slice %arg8[%add3A_56, %dma_start3A_79] : memref<80x128xi32, #tpu.memory_space<vmem>> -> memref<1x128xi32, #tpu.memory_space<vmem>>
        %dma_start3A_81 = tpu.memref_squeeze %dma_start3A_80 : memref<1x128xi32, #tpu.memory_space<vmem>> -> memref<128xi32, #tpu.memory_space<vmem>>
        %dma_start3A_82 = arith.constant 0 : i32
        %dma_start3A_83 = arith.constant 0 : i32
        %dma_start3A_84 = tpu.memref_slice %arg11[%dma_start3A_82, %dma_start3A_83] : memref<10240x64xf32, #tpu.memory_space<vmem_shared>> -> memref<10240x64xf32, #tpu.memory_space<vmem_shared>>
        tpu.enqueue_indirect_dma source(%arg9 : memref<128x64xf32, #tpu.memory_space<vmem>>) target(%dma_start3A_84 : memref<10240x64xf32, #tpu.memory_space<vmem_shared>>) offsets(%dma_start3A_81 : memref<128xi32, #tpu.memory_space<vmem>>) semaphore(%run_scoped3A : memref<!tpu.dma_semaphore, #tpu.memory_space<semaphore_mem>>) {add = true}
        %dma_wait3A_85 = arith.constant 0 : i32
        %dma_wait3A_86 = tpu.memref_slice %arg8[%add3A_56, %dma_wait3A_85] : memref<80x128xi32, #tpu.memory_space<vmem>> -> memref<1x128xi32, #tpu.memory_space<vmem>>
        %dma_wait3A_87 = tpu.memref_squeeze %dma_wait3A_86 : memref<1x128xi32, #tpu.memory_space<vmem>> -> memref<128xi32, #tpu.memory_space<vmem>>
        %dma_wait3A_88 = arith.constant 0 : i32
        %dma_wait3A_89 = arith.constant 0 : i32
        %dma_wait3A_90 = tpu.memref_slice %arg11[%dma_wait3A_88, %dma_wait3A_89] : memref<10240x64xf32, #tpu.memory_space<vmem_shared>> -> memref<10240x64xf32, #tpu.memory_space<vmem_shared>>
        tpu.wait_indirect_dma semaphore(%run_scoped3A : memref<!tpu.dma_semaphore, #tpu.memory_space<semaphore_mem>>) src(%arg9 : memref<128x64xf32, #tpu.memory_space<vmem>>) dst(%dma_wait3A_90 : memref<10240x64xf32, #tpu.memory_space<vmem_shared>>)
        tpu.yield
      }) : () -> ()
      %lt3A = arith.constant 39 : i32
      %lt3A_62 = arith.cmpi slt, %scan3A_52, %lt3A : i32
      %convert_element_type3A = arith.extui %lt3A_62 : i1 to i32
      %cond3A = arith.constant 0 : i32
      %cond3A_63 = arith.cmpi ne, %convert_element_type3A, %cond3A : i32
      scf.if %cond3A_63 {
        %add3A_79 = arith.constant 2 : i32
        %add3A_80 = arith.addi %add3A_56, %add3A_79 : i32
        %dma_start3A_81 = arith.constant 0 : i32
        %dma_start3A_82 = tpu.memref_slice %arg7[%add3A_80, %dma_start3A_81] : memref<80x128xi32, #tpu.memory_space<vmem>> -> memref<1x128xi32, #tpu.memory_space<vmem>>
        %dma_start3A_83 = tpu.memref_squeeze %dma_start3A_82 : memref<1x128xi32, #tpu.memory_space<vmem>> -> memref<128xi32, #tpu.memory_space<vmem>>
        %dma_start3A_84 = arith.constant 0 : i32
        %dma_start3A_85 = arith.constant 0 : i32
        %dma_start3A_86 = tpu.memref_slice %arg12[%dma_start3A_84, %dma_start3A_85] : memref<10240x64xf32, #tpu.memory_space<vmem_shared>> -> memref<10240x64xf32, #tpu.memory_space<vmem_shared>>
        tpu.enqueue_indirect_dma source(%dma_start3A_86 : memref<10240x64xf32, #tpu.memory_space<vmem_shared>>) target(%arg9 : memref<128x64xf32, #tpu.memory_space<vmem>>) offsets(%dma_start3A_83 : memref<128xi32, #tpu.memory_space<vmem>>) semaphore(%arg13 : memref<!tpu.dma_semaphore, #tpu.memory_space<semaphore_mem>>)
      } else {
      }
      %mul3A_64 = arith.constant 2 : i32
      %mul3A_65 = arith.muli %scan3A_52, %mul3A_64 : i32
      %add3A_66 = arith.constant 1 : i32
      %add3A_67 = arith.addi %mul3A_65, %add3A_66 : i32
      %dma_wait3A_68 = arith.constant 0 : i32
      %dma_wait3A_69 = tpu.memref_slice %arg7[%add3A_67, %dma_wait3A_68] : memref<80x128xi32, #tpu.memory_space<vmem>> -> memref<1x128xi32, #tpu.memory_space<vmem>>
      %dma_wait3A_70 = tpu.memref_squeeze %dma_wait3A_69 : memref<1x128xi32, #tpu.memory_space<vmem>> -> memref<128xi32, #tpu.memory_space<vmem>>
      %dma_wait3A_71 = arith.constant 0 : i32
      %dma_wait3A_72 = arith.constant 0 : i32
      %dma_wait3A_73 = tpu.memref_slice %arg12[%dma_wait3A_71, %dma_wait3A_72] : memref<10240x64xf32, #tpu.memory_space<vmem_shared>> -> memref<10240x64xf32, #tpu.memory_space<vmem_shared>>
      tpu.wait_indirect_dma semaphore(%arg14 : memref<!tpu.dma_semaphore, #tpu.memory_space<semaphore_mem>>) src(%dma_wait3A_73 : memref<10240x64xf32, #tpu.memory_space<vmem_shared>>) dst(%arg10 : memref<128x64xf32, #tpu.memory_space<vmem>>)
      "tpu.region"() ({
        %run_scoped3A = tpu.sem_alloc : memref<!tpu.dma_semaphore, #tpu.memory_space<semaphore_mem>>
        %dma_start3A_79 = arith.constant 0 : i32
        %dma_start3A_80 = tpu.memref_slice %arg8[%add3A_67, %dma_start3A_79] : memref<80x128xi32, #tpu.memory_space<vmem>> -> memref<1x128xi32, #tpu.memory_space<vmem>>
        %dma_start3A_81 = tpu.memref_squeeze %dma_start3A_80 : memref<1x128xi32, #tpu.memory_space<vmem>> -> memref<128xi32, #tpu.memory_space<vmem>>
        %dma_start3A_82 = arith.constant 0 : i32
        %dma_start3A_83 = arith.constant 0 : i32
        %dma_start3A_84 = tpu.memref_slice %arg11[%dma_start3A_82, %dma_start3A_83] : memref<10240x64xf32, #tpu.memory_space<vmem_shared>> -> memref<10240x64xf32, #tpu.memory_space<vmem_shared>>
        tpu.enqueue_indirect_dma source(%arg10 : memref<128x64xf32, #tpu.memory_space<vmem>>) target(%dma_start3A_84 : memref<10240x64xf32, #tpu.memory_space<vmem_shared>>) offsets(%dma_start3A_81 : memref<128xi32, #tpu.memory_space<vmem>>) semaphore(%run_scoped3A : memref<!tpu.dma_semaphore, #tpu.memory_space<semaphore_mem>>) {add = true}
        %dma_wait3A_85 = arith.constant 0 : i32
        %dma_wait3A_86 = tpu.memref_slice %arg8[%add3A_67, %dma_wait3A_85] : memref<80x128xi32, #tpu.memory_space<vmem>> -> memref<1x128xi32, #tpu.memory_space<vmem>>
        %dma_wait3A_87 = tpu.memref_squeeze %dma_wait3A_86 : memref<1x128xi32, #tpu.memory_space<vmem>> -> memref<128xi32, #tpu.memory_space<vmem>>
        %dma_wait3A_88 = arith.constant 0 : i32
        %dma_wait3A_89 = arith.constant 0 : i32
        %dma_wait3A_90 = tpu.memref_slice %arg11[%dma_wait3A_88, %dma_wait3A_89] : memref<10240x64xf32, #tpu.memory_space<vmem_shared>> -> memref<10240x64xf32, #tpu.memory_space<vmem_shared>>
        tpu.wait_indirect_dma semaphore(%run_scoped3A : memref<!tpu.dma_semaphore, #tpu.memory_space<semaphore_mem>>) src(%arg10 : memref<128x64xf32, #tpu.memory_space<vmem>>) dst(%dma_wait3A_90 : memref<10240x64xf32, #tpu.memory_space<vmem_shared>>)
        tpu.yield
      }) : () -> ()
      %lt3A_74 = arith.constant 39 : i32
      %lt3A_75 = arith.cmpi slt, %scan3A_52, %lt3A_74 : i32
      %convert_element_type3A_76 = arith.extui %lt3A_75 : i1 to i32
      %cond3A_77 = arith.constant 0 : i32
      %cond3A_78 = arith.cmpi ne, %convert_element_type3A_76, %cond3A_77 : i32
      scf.if %cond3A_78 {
        %add3A_79 = arith.constant 2 : i32
        %add3A_80 = arith.addi %add3A_67, %add3A_79 : i32
        %dma_start3A_81 = arith.constant 0 : i32
        %dma_start3A_82 = tpu.memref_slice %arg7[%add3A_80, %dma_start3A_81] : memref<80x128xi32, #tpu.memory_space<vmem>> -> memref<1x128xi32, #tpu.memory_space<vmem>>
        %dma_start3A_83 = tpu.memref_squeeze %dma_start3A_82 : memref<1x128xi32, #tpu.memory_space<vmem>> -> memref<128xi32, #tpu.memory_space<vmem>>
        %dma_start3A_84 = arith.constant 0 : i32
        %dma_start3A_85 = arith.constant 0 : i32
        %dma_start3A_86 = tpu.memref_slice %arg12[%dma_start3A_84, %dma_start3A_85] : memref<10240x64xf32, #tpu.memory_space<vmem_shared>> -> memref<10240x64xf32, #tpu.memory_space<vmem_shared>>
        tpu.enqueue_indirect_dma source(%dma_start3A_86 : memref<10240x64xf32, #tpu.memory_space<vmem_shared>>) target(%arg10 : memref<128x64xf32, #tpu.memory_space<vmem>>) offsets(%dma_start3A_83 : memref<128xi32, #tpu.memory_space<vmem>>) semaphore(%arg14 : memref<!tpu.dma_semaphore, #tpu.memory_space<semaphore_mem>>)
      } else {
      }
    }
    %scan3A_46 = arith.constant 40 : i32
    %barrier3A_47 = arith.constant 0 : index
    tpu.barrier barrier_id(%barrier3A_47)
    %mul3A_48 = arith.constant 640 : i32
    %mul3A_49 = arith.muli %arg1, %mul3A_48 : i32
    %mul3A_50 = arith.constant 640 : i32
    %mul3A_51 = arith.muli %arg1, %mul3A_50 : i32
    "tpu.region"() ({
      %run_scoped3A = tpu.sem_alloc : memref<!tpu.dma_semaphore, #tpu.memory_space<semaphore_mem>>
      %dma_start3A_52 = arith.constant 0 : i32
      %dma_start3A_53 = tpu.memref_slice %arg6[%arg0, %mul3A_51, %dma_start3A_52] : memref<2x10240x64xf32, #tpu.memory_space<hbm>> -> memref<1x640x64xf32, #tpu.memory_space<hbm>>
      %dma_start3A_54 = tpu.memref_squeeze %dma_start3A_53 : memref<1x640x64xf32, #tpu.memory_space<hbm>> -> memref<640x64xf32, #tpu.memory_space<hbm>>
      %dma_start3A_55 = arith.constant 0 : i32
      %dma_start3A_56 = tpu.memref_slice %arg11[%mul3A_49, %dma_start3A_55] : memref<10240x64xf32, #tpu.memory_space<vmem_shared>> -> memref<640x64xf32, #tpu.memory_space<vmem_shared>>
      tpu.enqueue_dma source(%dma_start3A_56 : memref<640x64xf32, #tpu.memory_space<vmem_shared>>) target(%dma_start3A_54 : memref<640x64xf32, #tpu.memory_space<hbm>>) target_semaphore(%run_scoped3A : memref<!tpu.dma_semaphore, #tpu.memory_space<semaphore_mem>>)
      %dma_wait3A = arith.constant 0 : i32
      %dma_wait3A_57 = tpu.memref_slice %arg6[%arg0, %mul3A_51, %dma_wait3A] : memref<2x10240x64xf32, #tpu.memory_space<hbm>> -> memref<1x640x64xf32, #tpu.memory_space<hbm>>
      %dma_wait3A_58 = tpu.memref_squeeze %dma_wait3A_57 : memref<1x640x64xf32, #tpu.memory_space<hbm>> -> memref<640x64xf32, #tpu.memory_space<hbm>>
      %dma_wait3A_59 = arith.constant 0 : i32
      %dma_wait3A_60 = tpu.memref_slice %arg11[%mul3A_49, %dma_wait3A_59] : memref<10240x64xf32, #tpu.memory_space<vmem_shared>> -> memref<640x64xf32, #tpu.memory_space<vmem_shared>>
      tpu.wait_dma2 semaphore(%run_scoped3A : memref<!tpu.dma_semaphore, #tpu.memory_space<semaphore_mem>>) src(%dma_wait3A_60 : memref<640x64xf32, #tpu.memory_space<vmem_shared>>) dst(%dma_wait3A_58 : memref<640x64xf32, #tpu.memory_space<hbm>>)
      tpu.yield
    }) : () -> ()
    return
  }
}

module attributes {stable_mosaic.version = 14 : i64} {
  func.func @_proj_kernel(%arg0: i32, %arg1: memref<2048x128xf32, #tpu.memory_space<vmem>>, %arg2: memref<128x64xf32, #tpu.memory_space<vmem>>, %arg3: memref<2048x64xf32, #tpu.memory_space<vmem>>) attributes {dimension_semantics = [#tpu.dimension_semantics<arbitrary>], iteration_bounds = array<i64: 5>, scalar_prefetch = 0 : i64, scratch_operands = 0 : i64, tpu.core_type = #tpu.core_type<tc>, window_params = [{transform_indices = @transform_0, window_bounds = array<i64: 2048, 128>}, {pipeline_mode = #tpu.pipeline_mode<synchronous>, transform_indices = @transform_1, window_bounds = array<i64: 128, 64>}, {transform_indices = @transform_2, window_bounds = array<i64: 2048, 64>}]} {
    %get3A = arith.constant 0 : index
    %get3A_0 = arith.constant 0 : index
    %get3A_1 = vector.load %arg1[%get3A, %get3A_0] : memref<2048x128xf32, #tpu.memory_space<vmem>>, vector<2048x128xf32>
    %get3A_2 = arith.constant 0 : index
    %get3A_3 = arith.constant 0 : index
    %get3A_4 = vector.load %arg2[%get3A_2, %get3A_3] : memref<128x64xf32, #tpu.memory_space<vmem>>, vector<128x64xf32>
    %dot_general3A = arith.constant dense<0.000000e+00> : vector<2048x64xf32>
    %dot_general3A_5 = tpu.matmul %get3A_1, %get3A_4, %dot_general3A {dimension_numbers = #tpu.dot_dimension_numbers<[1], [0], [0], [1], [0, 0, 1, 1], [], []>, transpose_lhs_hint = false} : vector<2048x128xf32>, vector<128x64xf32>, vector<2048x64xf32> -> vector<2048x64xf32>
    %swap3A = arith.constant 0 : index
    %swap3A_6 = arith.constant 0 : index
    %swap3A_7 = vector.load %arg3[%swap3A, %swap3A_6] : memref<2048x64xf32, #tpu.memory_space<vmem>>, vector<2048x64xf32>
    tpu.vector_store %arg3[%swap3A, %swap3A_6], %dot_general3A_5 {strides = array<i32>} : memref<2048x64xf32, #tpu.memory_space<vmem>>, vector<2048x64xf32>,
    return
  }
  func.func @transform_0(%arg0: i32) -> (i32, i32) {
    %c0_i32 = arith.constant 0 : i32
    %c0_i32_0 = arith.constant 0 : i32
    return %arg0, %c0_i32 : i32, i32
  }
  func.func @transform_1(%arg0: i32) -> (i32, i32) {
    %c0_i32 = arith.constant 0 : i32
    %c0_i32_0 = arith.constant 0 : i32
    %c0_i32_1 = arith.constant 0 : i32
    return %c0_i32, %c0_i32_0 : i32, i32
  }
  func.func @transform_2(%arg0: i32) -> (i32, i32) {
    %c0_i32 = arith.constant 0 : i32
    %c0_i32_0 = arith.constant 0 : i32
    return %arg0, %c0_i32 : i32, i32
  }
}

module attributes {stable_mosaic.version = 14 : i64} {
  func.func @_normscale_kernel(%arg0: i32, %arg1: memref<2x2x2048xf32, #tpu.memory_space<vmem>>, %arg2: memref<2048x64xf32, #tpu.memory_space<vmem>>, %arg3: memref<2048x64xf32, #tpu.memory_space<vmem>>, %arg4: memref<2048x1xf32, #tpu.memory_space<vmem>>, %arg5: memref<2048x1xf32, #tpu.memory_space<vmem>>) attributes {dimension_semantics = [#tpu.dimension_semantics<arbitrary>], iteration_bounds = array<i64: 5>, scalar_prefetch = 0 : i64, scratch_operands = 0 : i64, tpu.core_type = #tpu.core_type<tc>, window_params = [{transform_indices = @transform_0, window_bounds = array<i64: 2, 2, 2048>}, {transform_indices = @transform_1, window_bounds = array<i64: 2048, 64>}, {transform_indices = @transform_2, window_bounds = array<i64: 2048, 64>}, {transform_indices = @transform_3, window_bounds = array<i64: 2048, 1>}, {transform_indices = @transform_4, window_bounds = array<i64: 2048, 1>}]} {
    %get3A = arith.constant 0 : index
    %get3A_0 = arith.constant 0 : index
    %get3A_1 = arith.constant 0 : index
    %get3A_2 = vector.load %arg1[%get3A, %get3A_0, %get3A_1] : memref<2x2x2048xf32, #tpu.memory_space<vmem>>, vector<2x2x2048xf32>
    %slice3A = vector.extract_strided_slice %get3A_2 {offsets = [0, 0, 0], sizes = [1, 1, 2048], strides = [1, 1, 1]} : vector<2x2x2048xf32> to vector<1x1x2048xf32>
    %squeeze3A = vector.shape_cast %slice3A : vector<1x1x2048xf32> to vector<2048xf32>
    %slice3A_3 = vector.extract_strided_slice %get3A_2 {offsets = [1, 0, 0], sizes = [1, 1, 2048], strides = [1, 1, 1]} : vector<2x2x2048xf32> to vector<1x1x2048xf32>
    %squeeze3A_4 = vector.shape_cast %slice3A_3 : vector<1x1x2048xf32> to vector<2048xf32>
    %add3A = arith.addf %squeeze3A, %squeeze3A_4 : vector<2048xf32>
    %max3A = arith.constant 1.000000e+00 : f32
    %max3A_5 = vector.broadcast %max3A : f32 to vector<2048xf32>
    %max3A_6 = arith.maximumf %add3A, %max3A_5 : vector<2048xf32>
    %rsqrt3A = math.rsqrt %max3A_6 : vector<2048xf32>
    %broadcast_in_dim3A = vector.shape_cast %rsqrt3A : vector<2048xf32> to vector<2048x1xf32>
    %slice3A_7 = vector.extract_strided_slice %get3A_2 {offsets = [0, 1, 0], sizes = [1, 1, 2048], strides = [1, 1, 1]} : vector<2x2x2048xf32> to vector<1x1x2048xf32>
    %squeeze3A_8 = vector.shape_cast %slice3A_7 : vector<1x1x2048xf32> to vector<2048xf32>
    %slice3A_9 = vector.extract_strided_slice %get3A_2 {offsets = [1, 1, 0], sizes = [1, 1, 2048], strides = [1, 1, 1]} : vector<2x2x2048xf32> to vector<1x1x2048xf32>
    %squeeze3A_10 = vector.shape_cast %slice3A_9 : vector<1x1x2048xf32> to vector<2048xf32>
    %add3A_11 = arith.addf %squeeze3A_8, %squeeze3A_10 : vector<2048xf32>
    %max3A_12 = arith.constant 1.000000e+00 : f32
    %max3A_13 = vector.broadcast %max3A_12 : f32 to vector<2048xf32>
    %max3A_14 = arith.maximumf %add3A_11, %max3A_13 : vector<2048xf32>
    %rsqrt3A_15 = math.rsqrt %max3A_14 : vector<2048xf32>
    %broadcast_in_dim3A_16 = vector.shape_cast %rsqrt3A_15 : vector<2048xf32> to vector<2048x1xf32>
    %swap3A = arith.constant 0 : index
    %swap3A_17 = arith.constant 0 : index
    %swap3A_18 = vector.load %arg4[%swap3A, %swap3A_17] : memref<2048x1xf32, #tpu.memory_space<vmem>>, vector<2048x1xf32>
    tpu.vector_store %arg4[%swap3A, %swap3A_17], %broadcast_in_dim3A {strides = array<i32>} : memref<2048x1xf32, #tpu.memory_space<vmem>>, vector<2048x1xf32>,
    %swap3A_19 = arith.constant 0 : index
    %swap3A_20 = arith.constant 0 : index
    %swap3A_21 = vector.load %arg5[%swap3A_19, %swap3A_20] : memref<2048x1xf32, #tpu.memory_space<vmem>>, vector<2048x1xf32>
    tpu.vector_store %arg5[%swap3A_19, %swap3A_20], %broadcast_in_dim3A_16 {strides = array<i32>} : memref<2048x1xf32, #tpu.memory_space<vmem>>, vector<2048x1xf32>,
    %get3A_22 = arith.constant 0 : index
    %get3A_23 = arith.constant 0 : index
    %get3A_24 = vector.load %arg2[%get3A_22, %get3A_23] : memref<2048x64xf32, #tpu.memory_space<vmem>>, vector<2048x64xf32>
    %mul3A = vector.broadcast %broadcast_in_dim3A : vector<2048x1xf32> to vector<2048x64xf32>
    %mul3A_25 = arith.mulf %get3A_24, %mul3A : vector<2048x64xf32>
    %swap3A_26 = arith.constant 0 : index
    %swap3A_27 = arith.constant 0 : index
    %swap3A_28 = vector.load %arg3[%swap3A_26, %swap3A_27] : memref<2048x64xf32, #tpu.memory_space<vmem>>, vector<2048x64xf32>
    tpu.vector_store %arg3[%swap3A_26, %swap3A_27], %mul3A_25 {strides = array<i32>} : memref<2048x64xf32, #tpu.memory_space<vmem>>, vector<2048x64xf32>,
    return
  }
  func.func @transform_0(%arg0: i32) -> (i32, i32, i32) {
    %c0_i32 = arith.constant 0 : i32
    %c0_i32_0 = arith.constant 0 : i32
    %c0_i32_1 = arith.constant 0 : i32
    return %c0_i32, %c0_i32_0, %arg0 : i32, i32, i32
  }
  func.func @transform_1(%arg0: i32) -> (i32, i32) {
    %c0_i32 = arith.constant 0 : i32
    %c0_i32_0 = arith.constant 0 : i32
    return %arg0, %c0_i32 : i32, i32
  }
  func.func @transform_2(%arg0: i32) -> (i32, i32) {
    %c0_i32 = arith.constant 0 : i32
    %c0_i32_0 = arith.constant 0 : i32
    return %arg0, %c0_i32 : i32, i32
  }
  func.func @transform_3(%arg0: i32) -> (i32, i32) {
    %c0_i32 = arith.constant 0 : i32
    %c0_i32_0 = arith.constant 0 : i32
    return %arg0, %c0_i32 : i32, i32
  }
  func.func @transform_4(%arg0: i32) -> (i32, i32) {
    %c0_i32 = arith.constant 0 : i32
    %c0_i32_0 = arith.constant 0 : i32
    return %arg0, %c0_i32 : i32, i32
  }
}

module attributes {stable_mosaic.version = 14 : i64} {
  func.func @_combine_kernel(%arg0: i32, %arg1: memref<2x2048x64xf32, #tpu.memory_space<vmem>>, %arg2: memref<2048x1xf32, #tpu.memory_space<vmem>>, %arg3: memref<2048x1xf32, #tpu.memory_space<vmem>>, %arg4: memref<64xf32, #tpu.memory_space<vmem>>, %arg5: memref<64x64xf32, #tpu.memory_space<vmem>>, %arg6: memref<2048x64xf32, #tpu.memory_space<vmem>>) attributes {dimension_semantics = [#tpu.dimension_semantics<arbitrary>], iteration_bounds = array<i64: 5>, scalar_prefetch = 0 : i64, scratch_operands = 0 : i64, tpu.core_type = #tpu.core_type<tc>, window_params = [{transform_indices = @transform_0, window_bounds = array<i64: 2, 2048, 64>}, {transform_indices = @transform_1, window_bounds = array<i64: 2048, 1>}, {transform_indices = @transform_2, window_bounds = array<i64: 2048, 1>}, {pipeline_mode = #tpu.pipeline_mode<synchronous>, transform_indices = @transform_3, window_bounds = array<i64: 64>}, {pipeline_mode = #tpu.pipeline_mode<synchronous>, transform_indices = @transform_4, window_bounds = array<i64: 64, 64>}, {transform_indices = @transform_5, window_bounds = array<i64: 2048, 64>}]} {
    %get3A = arith.constant 0 : index
    %get3A_0 = arith.constant 0 : index
    %get3A_1 = arith.constant 0 : index
    %get3A_2 = vector.load %arg1[%get3A, %get3A_0, %get3A_1] : memref<2x2048x64xf32, #tpu.memory_space<vmem>>, vector<1x2048x64xf32>
    %get3A_3 = vector.shape_cast %get3A_2 : vector<1x2048x64xf32> to vector<2048x64xf32>
    %get3A_4 = arith.constant 1 : index
    %get3A_5 = arith.constant 0 : index
    %get3A_6 = arith.constant 0 : index
    %get3A_7 = vector.load %arg1[%get3A_4, %get3A_5, %get3A_6] : memref<2x2048x64xf32, #tpu.memory_space<vmem>>, vector<1x2048x64xf32>
    %get3A_8 = vector.shape_cast %get3A_7 : vector<1x2048x64xf32> to vector<2048x64xf32>
    %add3A = arith.addf %get3A_3, %get3A_8 : vector<2048x64xf32>
    %get3A_9 = arith.constant 0 : index
    %get3A_10 = arith.constant 0 : index
    %get3A_11 = vector.load %arg2[%get3A_9, %get3A_10] : memref<2048x1xf32, #tpu.memory_space<vmem>>, vector<2048x1xf32>
    %mul3A = vector.broadcast %get3A_11 : vector<2048x1xf32> to vector<2048x64xf32>
    %mul3A_12 = arith.mulf %add3A, %mul3A : vector<2048x64xf32>
    %get3A_13 = arith.constant 0 : index
    %get3A_14 = vector.load %arg4[%get3A_13] : memref<64xf32, #tpu.memory_space<vmem>>, vector<64xf32>
    %broadcast_in_dim3A = vector.shape_cast %get3A_14 : vector<64xf32> to vector<1x64xf32>
    %add3A_15 = vector.broadcast %broadcast_in_dim3A : vector<1x64xf32> to vector<2048x64xf32>
    %add3A_16 = arith.addf %mul3A_12, %add3A_15 : vector<2048x64xf32>
    %max3A = arith.constant 0.000000e+00 : f32
    %max3A_17 = vector.broadcast %max3A : f32 to vector<2048x64xf32>
    %max3A_18 = arith.maximumf %add3A_16, %max3A_17 : vector<2048x64xf32>
    %get3A_19 = arith.constant 0 : index
    %get3A_20 = arith.constant 0 : index
    %get3A_21 = vector.load %arg3[%get3A_19, %get3A_20] : memref<2048x1xf32, #tpu.memory_space<vmem>>, vector<2048x1xf32>
    %mul3A_22 = vector.broadcast %get3A_21 : vector<2048x1xf32> to vector<2048x64xf32>
    %mul3A_23 = arith.mulf %max3A_18, %mul3A_22 : vector<2048x64xf32>
    %get3A_24 = arith.constant 0 : index
    %get3A_25 = arith.constant 0 : index
    %get3A_26 = vector.load %arg5[%get3A_24, %get3A_25] : memref<64x64xf32, #tpu.memory_space<vmem>>, vector<64x64xf32>
    %dot_general3A = arith.constant dense<0.000000e+00> : vector<2048x64xf32>
    %dot_general3A_27 = tpu.matmul %mul3A_23, %get3A_26, %dot_general3A {dimension_numbers = #tpu.dot_dimension_numbers<[1], [0], [0], [1], [0, 0, 1, 1], [], []>, transpose_lhs_hint = false} : vector<2048x64xf32>, vector<64x64xf32>, vector<2048x64xf32> -> vector<2048x64xf32>
    %swap3A = arith.constant 0 : index
    %swap3A_28 = arith.constant 0 : index
    %swap3A_29 = vector.load %arg6[%swap3A, %swap3A_28] : memref<2048x64xf32, #tpu.memory_space<vmem>>, vector<2048x64xf32>
    tpu.vector_store %arg6[%swap3A, %swap3A_28], %dot_general3A_27 {strides = array<i32>} : memref<2048x64xf32, #tpu.memory_space<vmem>>, vector<2048x64xf32>,
    return
  }
  func.func @transform_0(%arg0: i32) -> (i32, i32, i32) {
    %c0_i32 = arith.constant 0 : i32
    %c0_i32_0 = arith.constant 0 : i32
    %c0_i32_1 = arith.constant 0 : i32
    return %c0_i32, %arg0, %c0_i32_0 : i32, i32, i32
  }
  func.func @transform_1(%arg0: i32) -> (i32, i32) {
    %c0_i32 = arith.constant 0 : i32
    %c0_i32_0 = arith.constant 0 : i32
    return %arg0, %c0_i32 : i32, i32
  }
  func.func @transform_2(%arg0: i32) -> (i32, i32) {
    %c0_i32 = arith.constant 0 : i32
    %c0_i32_0 = arith.constant 0 : i32
    return %arg0, %c0_i32 : i32, i32
  }
  func.func @transform_3(%arg0: i32) -> i32 {
    %c0_i32 = arith.constant 0 : i32
    %c0_i32_0 = arith.constant 0 : i32
    return %c0_i32 : i32
  }
  func.func @transform_4(%arg0: i32) -> (i32, i32) {
    %c0_i32 = arith.constant 0 : i32
    %c0_i32_0 = arith.constant 0 : i32
    %c0_i32_1 = arith.constant 0 : i32
    return %c0_i32, %c0_i32_0 : i32, i32
  }
  func.func @transform_5(%arg0: i32) -> (i32, i32) {
    %c0_i32 = arith.constant 0 : i32
    %c0_i32_0 = arith.constant 0 : i32
    return %arg0, %c0_i32 : i32, i32
  }
}

module attributes {stable_mosaic.version = 14 : i64} {
  func.func @_combine_kernel(%arg0: i32, %arg1: memref<2x2048x64xf32, #tpu.memory_space<vmem>>, %arg2: memref<2048x1xf32, #tpu.memory_space<vmem>>, %arg3: memref<2048x1xf32, #tpu.memory_space<vmem>>, %arg4: memref<64xf32, #tpu.memory_space<vmem>>, %arg5: memref<64x32xf32, #tpu.memory_space<vmem>>, %arg6: memref<2048x32xf32, #tpu.memory_space<vmem>>) attributes {dimension_semantics = [#tpu.dimension_semantics<arbitrary>], iteration_bounds = array<i64: 5>, scalar_prefetch = 0 : i64, scratch_operands = 0 : i64, tpu.core_type = #tpu.core_type<tc>, window_params = [{transform_indices = @transform_0, window_bounds = array<i64: 2, 2048, 64>}, {transform_indices = @transform_1, window_bounds = array<i64: 2048, 1>}, {transform_indices = @transform_2, window_bounds = array<i64: 2048, 1>}, {pipeline_mode = #tpu.pipeline_mode<synchronous>, transform_indices = @transform_3, window_bounds = array<i64: 64>}, {pipeline_mode = #tpu.pipeline_mode<synchronous>, transform_indices = @transform_4, window_bounds = array<i64: 64, 32>}, {transform_indices = @transform_5, window_bounds = array<i64: 2048, 32>}]} {
    %get3A = arith.constant 0 : index
    %get3A_0 = arith.constant 0 : index
    %get3A_1 = arith.constant 0 : index
    %get3A_2 = vector.load %arg1[%get3A, %get3A_0, %get3A_1] : memref<2x2048x64xf32, #tpu.memory_space<vmem>>, vector<1x2048x64xf32>
    %get3A_3 = vector.shape_cast %get3A_2 : vector<1x2048x64xf32> to vector<2048x64xf32>
    %get3A_4 = arith.constant 1 : index
    %get3A_5 = arith.constant 0 : index
    %get3A_6 = arith.constant 0 : index
    %get3A_7 = vector.load %arg1[%get3A_4, %get3A_5, %get3A_6] : memref<2x2048x64xf32, #tpu.memory_space<vmem>>, vector<1x2048x64xf32>
    %get3A_8 = vector.shape_cast %get3A_7 : vector<1x2048x64xf32> to vector<2048x64xf32>
    %add3A = arith.addf %get3A_3, %get3A_8 : vector<2048x64xf32>
    %get3A_9 = arith.constant 0 : index
    %get3A_10 = arith.constant 0 : index
    %get3A_11 = vector.load %arg2[%get3A_9, %get3A_10] : memref<2048x1xf32, #tpu.memory_space<vmem>>, vector<2048x1xf32>
    %mul3A = vector.broadcast %get3A_11 : vector<2048x1xf32> to vector<2048x64xf32>
    %mul3A_12 = arith.mulf %add3A, %mul3A : vector<2048x64xf32>
    %get3A_13 = arith.constant 0 : index
    %get3A_14 = vector.load %arg4[%get3A_13] : memref<64xf32, #tpu.memory_space<vmem>>, vector<64xf32>
    %broadcast_in_dim3A = vector.shape_cast %get3A_14 : vector<64xf32> to vector<1x64xf32>
    %add3A_15 = vector.broadcast %broadcast_in_dim3A : vector<1x64xf32> to vector<2048x64xf32>
    %add3A_16 = arith.addf %mul3A_12, %add3A_15 : vector<2048x64xf32>
    %max3A = arith.constant 0.000000e+00 : f32
    %max3A_17 = vector.broadcast %max3A : f32 to vector<2048x64xf32>
    %max3A_18 = arith.maximumf %add3A_16, %max3A_17 : vector<2048x64xf32>
    %get3A_19 = arith.constant 0 : index
    %get3A_20 = arith.constant 0 : index
    %get3A_21 = vector.load %arg3[%get3A_19, %get3A_20] : memref<2048x1xf32, #tpu.memory_space<vmem>>, vector<2048x1xf32>
    %mul3A_22 = vector.broadcast %get3A_21 : vector<2048x1xf32> to vector<2048x64xf32>
    %mul3A_23 = arith.mulf %max3A_18, %mul3A_22 : vector<2048x64xf32>
    %get3A_24 = arith.constant 0 : index
    %get3A_25 = arith.constant 0 : index
    %get3A_26 = vector.load %arg5[%get3A_24, %get3A_25] : memref<64x32xf32, #tpu.memory_space<vmem>>, vector<64x32xf32>
    %dot_general3A = arith.constant dense<0.000000e+00> : vector<2048x32xf32>
    %dot_general3A_27 = tpu.matmul %mul3A_23, %get3A_26, %dot_general3A {dimension_numbers = #tpu.dot_dimension_numbers<[1], [0], [0], [1], [0, 0, 1, 1], [], []>, transpose_lhs_hint = false} : vector<2048x64xf32>, vector<64x32xf32>, vector<2048x32xf32> -> vector<2048x32xf32>
    %swap3A = arith.constant 0 : index
    %swap3A_28 = arith.constant 0 : index
    %swap3A_29 = vector.load %arg6[%swap3A, %swap3A_28] : memref<2048x32xf32, #tpu.memory_space<vmem>>, vector<2048x32xf32>
    tpu.vector_store %arg6[%swap3A, %swap3A_28], %dot_general3A_27 {strides = array<i32>} : memref<2048x32xf32, #tpu.memory_space<vmem>>, vector<2048x32xf32>,
    return
  }
  func.func @transform_0(%arg0: i32) -> (i32, i32, i32) {
    %c0_i32 = arith.constant 0 : i32
    %c0_i32_0 = arith.constant 0 : i32
    %c0_i32_1 = arith.constant 0 : i32
    return %c0_i32, %arg0, %c0_i32_0 : i32, i32, i32
  }
  func.func @transform_1(%arg0: i32) -> (i32, i32) {
    %c0_i32 = arith.constant 0 : i32
    %c0_i32_0 = arith.constant 0 : i32
    return %arg0, %c0_i32 : i32, i32
  }
  func.func @transform_2(%arg0: i32) -> (i32, i32) {
    %c0_i32 = arith.constant 0 : i32
    %c0_i32_0 = arith.constant 0 : i32
    return %arg0, %c0_i32 : i32, i32
  }
  func.func @transform_3(%arg0: i32) -> i32 {
    %c0_i32 = arith.constant 0 : i32
    %c0_i32_0 = arith.constant 0 : i32
    return %c0_i32 : i32
  }
  func.func @transform_4(%arg0: i32) -> (i32, i32) {
    %c0_i32 = arith.constant 0 : i32
    %c0_i32_0 = arith.constant 0 : i32
    %c0_i32_1 = arith.constant 0 : i32
    return %c0_i32, %c0_i32_0 : i32, i32
  }
  func.func @transform_5(%arg0: i32) -> (i32, i32) {
    %c0_i32 = arith.constant 0 : i32
    %c0_i32_0 = arith.constant 0 : i32
    return %arg0, %c0_i32 : i32, i32
  }
}

module attributes {stable_mosaic.version = 14 : i64} {
  func.func @_zcombine_kernel(%arg0: i32, %arg1: memref<2x1000x32xf32, #tpu.memory_space<vmem>>, %arg2: memref<1000x1xf32, #tpu.memory_space<vmem>>, %arg3: memref<32xf32, #tpu.memory_space<vmem>>, %arg4: memref<1000x32xf32, #tpu.memory_space<vmem>>) attributes {dimension_semantics = [#tpu.dimension_semantics<arbitrary>], iteration_bounds = array<i64: 10>, scalar_prefetch = 0 : i64, scratch_operands = 0 : i64, tpu.core_type = #tpu.core_type<tc>, window_params = [{transform_indices = @transform_0, window_bounds = array<i64: 2, 1000, 32>}, {transform_indices = @transform_1, window_bounds = array<i64: 1000, 1>}, {pipeline_mode = #tpu.pipeline_mode<synchronous>, transform_indices = @transform_2, window_bounds = array<i64: 32>}, {transform_indices = @transform_3, window_bounds = array<i64: 1000, 32>}]} {
    %get3A = arith.constant 0 : index
    %get3A_0 = arith.constant 0 : index
    %get3A_1 = arith.constant 0 : index
    %get3A_2 = vector.load %arg1[%get3A, %get3A_0, %get3A_1] : memref<2x1000x32xf32, #tpu.memory_space<vmem>>, vector<1x1000x32xf32>
    %get3A_3 = vector.shape_cast %get3A_2 : vector<1x1000x32xf32> to vector<1000x32xf32>
    %get3A_4 = arith.constant 1 : index
    %get3A_5 = arith.constant 0 : index
    %get3A_6 = arith.constant 0 : index
    %get3A_7 = vector.load %arg1[%get3A_4, %get3A_5, %get3A_6] : memref<2x1000x32xf32, #tpu.memory_space<vmem>>, vector<1x1000x32xf32>
    %get3A_8 = vector.shape_cast %get3A_7 : vector<1x1000x32xf32> to vector<1000x32xf32>
    %add3A = arith.addf %get3A_3, %get3A_8 : vector<1000x32xf32>
    %get3A_9 = arith.constant 0 : index
    %get3A_10 = arith.constant 0 : index
    %get3A_11 = vector.load %arg2[%get3A_9, %get3A_10] : memref<1000x1xf32, #tpu.memory_space<vmem>>, vector<1000x1xf32>
    %mul3A = vector.broadcast %get3A_11 : vector<1000x1xf32> to vector<1000x32xf32>
    %mul3A_12 = arith.mulf %add3A, %mul3A : vector<1000x32xf32>
    %get3A_13 = arith.constant 0 : index
    %get3A_14 = vector.load %arg3[%get3A_13] : memref<32xf32, #tpu.memory_space<vmem>>, vector<32xf32>
    %broadcast_in_dim3A = vector.shape_cast %get3A_14 : vector<32xf32> to vector<1x32xf32>
    %add3A_15 = vector.broadcast %broadcast_in_dim3A : vector<1x32xf32> to vector<1000x32xf32>
    %add3A_16 = arith.addf %mul3A_12, %add3A_15 : vector<1000x32xf32>
    %swap3A = arith.constant 0 : index
    %swap3A_17 = arith.constant 0 : index
    %swap3A_18 = vector.load %arg4[%swap3A, %swap3A_17] : memref<1000x32xf32, #tpu.memory_space<vmem>>, vector<1000x32xf32>
    tpu.vector_store %arg4[%swap3A, %swap3A_17], %add3A_16 {strides = array<i32>} : memref<1000x32xf32, #tpu.memory_space<vmem>>, vector<1000x32xf32>,
    return
  }
  func.func @transform_0(%arg0: i32) -> (i32, i32, i32) {
    %c0_i32 = arith.constant 0 : i32
    %c0_i32_0 = arith.constant 0 : i32
    %c0_i32_1 = arith.constant 0 : i32
    return %c0_i32, %arg0, %c0_i32_0 : i32, i32, i32
  }
  func.func @transform_1(%arg0: i32) -> (i32, i32) {
    %c0_i32 = arith.constant 0 : i32
    %c0_i32_0 = arith.constant 0 : i32
    return %arg0, %c0_i32 : i32, i32
  }
  func.func @transform_2(%arg0: i32) -> i32 {
    %c0_i32 = arith.constant 0 : i32
    %c0_i32_0 = arith.constant 0 : i32
    return %c0_i32 : i32
  }
  func.func @transform_3(%arg0: i32) -> (i32, i32) {
    %c0_i32 = arith.constant 0 : i32
    %c0_i32_0 = arith.constant 0 : i32
    return %arg0, %c0_i32 : i32, i32
  }
}

module attributes {stable_mosaic.version = 14 : i64} {
  func.func @_decoder_kernel(%arg0: i32, %arg1: memref<200x32xf32, #tpu.memory_space<vmem>>, %arg2: memref<10000x32xf32, #tpu.memory_space<vmem>>, %arg3: memref<200x10000xf32, #tpu.memory_space<vmem>>) attributes {dimension_semantics = [#tpu.dimension_semantics<arbitrary>], iteration_bounds = array<i64: 50>, scalar_prefetch = 0 : i64, scratch_operands = 0 : i64, tpu.core_type = #tpu.core_type<tc>, window_params = [{transform_indices = @transform_0, window_bounds = array<i64: 200, 32>}, {pipeline_mode = #tpu.pipeline_mode<synchronous>, transform_indices = @transform_1, window_bounds = array<i64: 10000, 32>}, {transform_indices = @transform_2, window_bounds = array<i64: 200, 10000>}]} {
    %get3A = arith.constant 0 : index
    %get3A_0 = arith.constant 0 : index
    %get3A_1 = vector.load %arg1[%get3A, %get3A_0] : memref<200x32xf32, #tpu.memory_space<vmem>>, vector<200x32xf32>
    %get3A_2 = arith.constant 0 : index
    %get3A_3 = arith.constant 0 : index
    %get3A_4 = vector.load %arg2[%get3A_2, %get3A_3] : memref<10000x32xf32, #tpu.memory_space<vmem>>, vector<10000x32xf32>
    %dot_general3A = arith.constant dense<0.000000e+00> : vector<200x10000xf32>
    %dot_general3A_5 = tpu.matmul %get3A_1, %get3A_4, %dot_general3A {dimension_numbers = #tpu.dot_dimension_numbers<[1], [1], [0], [0], [0, 0, 1, 0], [], []>, transpose_lhs_hint = false} : vector<200x32xf32>, vector<10000x32xf32>, vector<200x10000xf32> -> vector<200x10000xf32>
    %mul3A = arith.constant 5.000000e-01 : f32
    %mul3A_6 = vector.broadcast %mul3A : f32 to vector<200x10000xf32>
    %mul3A_7 = arith.mulf %mul3A_6, %dot_general3A_5 : vector<200x10000xf32>
    %tanh3A = math.tanh %mul3A_7 : vector<200x10000xf32>
    %mul3A_8 = arith.constant 5.000000e-01 : f32
    %mul3A_9 = vector.broadcast %mul3A_8 : f32 to vector<200x10000xf32>
    %mul3A_10 = arith.mulf %mul3A_9, %tanh3A : vector<200x10000xf32>
    %add3A = arith.constant 5.000000e-01 : f32
    %add3A_11 = vector.broadcast %add3A : f32 to vector<200x10000xf32>
    %add3A_12 = arith.addf %mul3A_10, %add3A_11 : vector<200x10000xf32>
    %swap3A = arith.constant 0 : index
    %swap3A_13 = arith.constant 0 : index
    %swap3A_14 = vector.load %arg3[%swap3A, %swap3A_13] : memref<200x10000xf32, #tpu.memory_space<vmem>>, vector<200x10000xf32>
    tpu.vector_store %arg3[%swap3A, %swap3A_13], %add3A_12 {strides = array<i32>} : memref<200x10000xf32, #tpu.memory_space<vmem>>, vector<200x10000xf32>,
    return
  }
  func.func @transform_0(%arg0: i32) -> (i32, i32) {
    %c0_i32 = arith.constant 0 : i32
    %c0_i32_0 = arith.constant 0 : i32
    return %arg0, %c0_i32 : i32, i32
  }
  func.func @transform_1(%arg0: i32) -> (i32, i32) {
    %c0_i32 = arith.constant 0 : i32
    %c0_i32_0 = arith.constant 0 : i32
    %c0_i32_1 = arith.constant 0 : i32
    return %c0_i32, %c0_i32_0 : i32, i32
  }
  func.func @transform_2(%arg0: i32) -> (i32, i32) {
    %c0_i32 = arith.constant 0 : i32
    %c0_i32_0 = arith.constant 0 : i32
    return %arg0, %c0_i32 : i32, i32
  }
}

</mosaic_0001>

<sc_bundles>
// kernel: kernel.12.cloned.1.call-start
scs
__scs_entry_jumppad:
0x0: {  	(pc) =	sbr.rel $0x88, $3  }
0x1: {  	(tag) =	ssettag $0x0;
	lr =	simm.s32 $0x1  }
0x2: {  	[smem:$0x3F99] =	sst lr;
	_ =	strace $0xD0000000  }
0x3: {  	_ = 	snop  }
0x4: {  	_ = 	snop  }
0x5: {  	_ = 	snop  }
0x6: {  	_ = 	snop  }
0x7: {  	_ = 	snop  }
__scs_overlays_trampoline_lowered:
0x8: {  	[smem:$0x3FA8] =	sst s0  }
0x9: {  	[smem:$0x3FA9] =	sst s1  }
0xa: {  	[smem:$0x3FAA] =	sst s2  }
0xb: {  	[smem:$0x3FAB] =	sst s3  }
0xc: {  	[smem:$0x3FAC] =	sst s4  }
0xd: {  	[smem:$0x3FAD] =	sst s5  }
0xe: {  	[smem:$0x3FAE] =	sst s6  }
0xf: {  	[smem:$0x3FAF] =	sst s7  }
0x10: {  	[smem:$0x3FB0] =	sst s8  }
0x11: {  	[smem:$0x3FB1] =	sst s9;
	s0 =	simm.s32 @!p0 $0x0  }
0x12: {  	s1 =	sld [smem:$0x3F97];
	s0 =	simm.s32 @p0 $0x1  }
0x13: {  	[smem:$0x3FB2] =	sst s0;
	s0 =	simm.s32 @!p1 $0x0  }
0x14: {  	s2 =	sld [smem:$0x3F96];
	s0 =	simm.s32 @p1 $0x1  }
0x15: {  	[smem:$0x3FB3] =	sst s0;
	s0 =	simm.s32 @!p2 $0x0  }
0x16: {  	s3 =	sld [smem:$0x3FDB];
	s0 =	simm.s32 @p2 $0x1  }
0x17: {  	s4 =	simm.s32 $0x1BF5;
	[smem:$0x3FB5] =	sst s0  }
0x18: {  	s0 =	sld [smem:$0x3F98];
	_ =	swait.ge [sflag:s4], $0x0  }
0x19: {  	s7 =	sld [smem:$0x3F99]  }
0x1a: {  	s8 =	sadd.s32 $0xFFFFE003, lr  }
0x1b: {  	s9 =	sadd.s32 $0xFFFFFEF7, lr;
	s5 =	simm.s32 $0xFFFFFFFF;
	p2 =	slt.u32 s8, $0xFFFFF086  }
0x1c: {  	p1 =	slt.u32 s9, $0xF7A;
	s5 =	simm.s32 @!p2 $0x0  }
0x1d: {  	s5 =	simm.s32 @p1 $0x1;
	p0 =	seq.s32 s7, s2  }
0x1e: {  	s7 =	smul.u32 @!p0 $0xF7A, s2;
	p2 =	seq.s32 @!p0 s5, $0x0  }
0x1f: {  	s9 =	smul.u32 $0xF7A, s1;
	s8 =	simm.s32 @!p0 $0x1BF5;
	p2 =	por !p2, p0  }
0x20: {  	[sflag:s8] =	ssyncset.s32 @!p0 $0xFFFFF086;
	s6 =	sadd.s32 @!p0 s3, s7;
	s7 =	simm.s32 @!p0 $0x108  }
0x21: {  	s3 =	sadd.s32 s3, s9;
	s6 =	sadd.s32 @!p0 $0x88, s6;
	s7 =	simm.s32 @p2 $0x1082  }
0x22: {  	[simem:s7], [sflag:s8] =	dma.local @!p0 [hbm:s6], $0xF7A  }
0x23: {  	s9 =	sor.u32 $0xD0000000, s2;
	s6 =	simm.s32 $0x108;
	_ =	swait.ge @!p0 [sflag:s8], $0x0  }
0x24: {  	s3 =	sadd.s32 $0x88, s3;
	s6 =	simm.s32 @!p1 $0x1082;
	[sflag:s4] =	ssyncset.s32 $0xFFFFF086  }
0x25: {  	[simem:s6], [sflag:s4] =	dma.local [hbm:s3], $0xF7A  }
0x26: {  	[smem:$0x3F99] =	sst s1;
	(tag) =	ssettag s2;
	_ =	strace s9  }
0x27: {  	s1 =	sld [smem:$0x3FA9]  }
0x28: {  	s2 =	sld [smem:$0x3FAA]  }
0x29: {  	s4 =	sld [smem:$0x3FAC]  }
0x2a: {  	p0 =	seq.s32 s5, $0x0;
	s5 =	sld [smem:$0x3FAD]  }
0x2b: {  	s6 =	sld [smem:$0x3FAE]  }
0x2c: {  	s7 =	sld [smem:$0x3FAF]  }
0x2d: {  	s3 =	simm.s32 $0x108;
	s8 =	sld [smem:$0x3FB0]  }
0x2e: {  	s3 =	simm.s32 @!p0 $0x1082;
	s9 =	sld [smem:$0x3FB1]  }
0x2f: {  	lr =	sadd.s32 s0, s3;
	s0 =	sld [smem:$0x3FA8]  }
0x30: {  	s3 =	sld [smem:$0x3FAB]  }
0x31: {  	[smem:$0x3FB4] =	sst s10  }
0x32: {  	s10 =	sld [smem:$0x3FB2];
	_ =	sdelay $0x3  }
0x33: {  	p0 =	seq.s32 s10, $0x1;
	s10 =	sld [smem:$0x3FB4];
	_ =	sdelay $0x3  }
0x34: {  	[smem:$0x3FB4] =	sst s10  }
0x35: {  	s10 =	sld [smem:$0x3FB3];
	_ =	sdelay $0x3  }
0x36: {  	p1 =	seq.s32 s10, $0x1;
	s10 =	sld [smem:$0x3FB4];
	_ =	sdelay $0x3  }
0x37: {  	[smem:$0x3FB4] =	sst s10  }
0x38: {  	s10 =	sld [smem:$0x3FB5]  }
0x39: {  	_ = 	snop;
	(pc) =	sbr.ind lr, $3  }
0x3a: {  	_ = 	snop  }
0x3b: {  	_ = 	snop  }
0x3c: {  	p2 =	seq.s32 s10, $0x1;
	s10 =	sld [smem:$0x3FB4]  }
0x3d: {  	_ =	shalt  }
0x3e: {  	_ =	shalt  }
0x3f: {  	_ =	shalt  }
0x40: {  	_ =	shalt  }
0x41: {  	_ =	shalt  }
0x42: {  	_ =	shalt  }
0x43: {  	_ =	shalt  }
0x44: {  	_ =	shalt  }
0x45: {  	_ =	shalt  }
0x46: {  	_ =	shalt  }
0x47: {  	_ =	shalt  }
0x48: {  	_ =	shalt  }
0x49: {  	_ =	shalt  }
0x4a: {  	_ =	shalt  }
0x4b: {  	_ =	shalt  }
0x4c: {  	_ =	shalt  }
0x4d: {  	_ =	shalt  }
0x4e: {  	_ =	shalt  }
0x4f: {  	_ =	shalt  }
0x50: {  	_ =	shalt  }
0x51: {  	_ =	shalt  }
0x52: {  	_ =	shalt  }
0x53: {  	_ =	shalt  }
0x54: {  	_ =	shalt  }
0x55: {  	_ =	shalt  }
0x56: {  	_ =	shalt  }
0x57: {  	_ =	shalt  }
0x58: {  	_ =	shalt  }
0x59: {  	_ =	shalt  }
0x5a: {  	_ =	shalt  }
0x5b: {  	_ =	shalt  }
0x5c: {  	_ =	shalt  }
0x5d: {  	_ =	shalt  }
0x5e: {  	_ =	shalt  }
0x5f: {  	_ =	shalt  }
0x60: {  	_ =	shalt  }
0x61: {  	_ =	shalt  }
0x62: {  	_ =	shalt  }
0x63: {  	_ =	shalt  }
0x64: {  	_ =	shalt  }
0x65: {  	_ =	shalt  }
0x66: {  	_ =	shalt  }
0x67: {  	_ =	shalt  }
0x68: {  	_ =	shalt  }
0x69: {  	_ =	shalt  }
0x6a: {  	_ =	shalt  }
0x6b: {  	_ =	shalt  }
0x6c: {  	_ =	shalt  }
0x6d: {  	_ =	shalt  }
0x6e: {  	_ =	shalt  }
0x6f: {  	_ =	shalt  }
0x70: {  	_ =	shalt  }
0x71: {  	_ =	shalt  }
0x72: {  	_ =	shalt  }
0x73: {  	_ =	shalt  }
0x74: {  	_ =	shalt  }
0x75: {  	_ =	shalt  }
0x76: {  	_ =	shalt  }
0x77: {  	_ =	shalt  }
0x78: {  	_ =	shalt  }
0x79: {  	_ =	shalt  }
0x7a: {  	_ =	shalt  }
0x7b: {  	_ =	shalt  }
0x7c: {  	_ =	shalt  }
0x7d: {  	_ =	shalt  }
0x7e: {  	_ =	shalt  }
0x7f: {  	_ =	shalt  }
0x80: {  	_ =	shalt  }
0x81: {  	_ =	shalt  }
0x82: {  	_ =	shalt  }
0x83: {  	_ =	shalt  }
0x84: {  	_ =	shalt  }
0x85: {  	_ =	shalt  }
0x86: {  	_ =	shalt  }
0x87: {  	_ =	shalt  }
.Lfunc_end0:
.L_simem_size_0:
called_computation_lowered:
.L_overlay_start_0:
0x88: {  	s2 =	sld [smem:$0x3FD9]  }
0x89: {  	s3 =	sld [smem:$0x3FFE];
	_ =	sdelay $0x1  }
0x8a: {  	s1 =	srdreg.scid  }
0x8b: {  	s0 =	sand.u32 $0x1, s1  }
0x8c: {  	s14 =	sshll.u32 s0, $0xA;
	s2 =	sadd.s32 s3, s2  }
0x8d: {  	s2 =	sadd.s32 s2, s14  }
0x8e: {  	[smem:$0x3FC0] =	sst s2  }
0x8f: {  	_ = 	snop  }
0x90: {  	s2 =	sld [smem:$0x3FD0];
	_ =	sdelay $0x2  }
0x91: {  	s15 =	simm.s32 $0xA;
	s4 =	simm.s32 $0x10  }
0x92: {  	[smem:s4], [sflag:s15] =	dma.local [hbm:s2], $0x1  }
0x93: {  	_ =	swait.eq [sflag:s15], $0x1  }
0x94: {  	[sflag:s15] =	ssyncset.done $0x0  }
0x95: {  	s16 =	sld [smem:$0x10];
	[sflag:s15] =	ssyncadd.s32 $0xFFFFFFFF  }
0x96: {  	s17 =	sld [smem:$0x11];
	(tm) =	ssettm $0x1  }
0x97: {  	s18 =	sld [smem:$0x3FFB];
	_ =	sdelay $0x3  }
0x98: {  	_ =	strace s18  }
0x99: {  	s4 =	sld [smem:$0x3FFC];
	_ =	sdelay $0x3  }
0x9a: {  	_ =	strace s4  }
0x9b: {  	s4 =	sld [smem:$0x3FFD];
	_ =	sdelay $0x3  }
0x9c: {  	_ =	strace s4  }
0x9d: {  	_ =	strace $0x8FFFFFFF  }
0x9e: {  	s19 =	sld [smem:$0x3FDB];
	_ =	sdelay $0x1  }
0x9f: {  	s5 =	simm.s32 $_scs_section_size  }
0xa0: {  	s6 =	simm.s32 $_size__tile_overlayer_lowered;
	s7 =	simm.s32 $_tile_overlayer_lowered  }
0xa1: {  	s22 =	simm.s32 $0x1BFF;
	s21 =	sshll.u32 s7, $0x1;
	s4 =	sadd.s32 s5, s19  }
0xa2: {  	s8 =	simm.s32 $0x0;
	s20 =	sshll.u32 s6, $0x1;
	s6 =	sadd.s32 s21, s4  }
0xa3: {  	[timem:s8], [sflag:s22] =	dma.local [hbm:s6], s20  }
0xa4: {  	_ =	swait.ge [sflag:s22], s20  }
0xa5: {  	s5 =	ssub.s32 $0x0, s20;
	[sflag:s22] =	ssyncset.done $0x0  }
0xa6: {  	[sflag:s22] =	ssyncadd.s32 s5;
	_ =	sdelay $0x1  }
0xa7: {  	s23 =	simm.s32 $0x1B8B  }
0xa8: {  	_ =	swait.ge [sflag:s23], $0x1  }
0xa9: {  	[sflag:s23] =	ssyncset.done $0x0  }
0xaa: {  	s25 =	simm.s32 $0x1B8E;
	s24 =	sld [smem:$0x3FFE];
	[sflag:s23] =	ssyncadd.s32 $0xFFFFFFFF  }
0xab: {  	s26 =	simm.s32 $execute0_lowered;
	[smem:$0x3FD2] =	sst s25  }
0xac: {  	s6 =	sshll.u32 s26, $0x1;
	_ =	strace $0x80000046;
	[dreg:$0x1] =	wrdreg $0xFFFFFFFF  }
0xad: {  	s28 =	simm.s32 $_size_execute0_lowered;
	s4 =	sadd.s32 s4, s6;
	[dreg:$0x0] =	wrdreg $0x0  }
0xae: {  	s6 =	sshll.u32 s28, $0x1;
	[dreg:$0x2] =	wrdreg s4  }
0xaf: {  	[dreg:$0x3] =	wrdreg s6  }
0xb0: {  	[dreg:$0x4] =	wrdreg $0xC0  }
0xb1: {  	_ =	task [dreg:s8], $0x5FFFF  }
0xb2: {  	[dreg:$0x1] =	wrdreg $0xFFFFFFFF  }
0xb3: {  	[dreg:$0x0] =	wrdreg $0x60  }
0xb4: {  	[dreg:$0x2] =	wrdreg s24  }
0xb5: {  	[dreg:$0x3] =	wrdreg s16  }
0xb6: {  	[dreg:$0x4] =	wrdreg s17  }
0xb7: {  	[dreg:$0x5] =	wrdreg $0x53000  }
0xb8: {  	[dreg:$0x6] =	wrdreg $0x55800  }
0xb9: {  	[dreg:$0x7] =	wrdreg $0x9  }
0xba: {  	_ =	task.clear_ibuf [dreg:s8], $0x8FFFF;
	_ =	strace $0x90000046  }
0xbb: {  	s29 =	simm.s32 $0x9;
	_ =	strace $0x80000048  }
0xbc: {  	_ =	swait.ge [sflag:s29], $0x1  }
0xbd: {  	[sflag:s29] =	ssyncadd.s32 $0xFFFFFFFF  }
0xbe: {  	_ =	strace $0x90000048  }
0xbf: {  	_ =	sfence  }
0xc0: {  	s30 =	sld [smem:$0x0];
	_ =	sdelay $0x2  }
0xc1: {  	s31 =	sshll.u32 s1, $0xD;
	s1 =	sshrl.u32 s1, $0x2  }
0xc2: {  	s3 =	sand.u32 $0x4000, s31;
	s1 =	sadd.s32 s1, s30  }
0xc3: {  	s0 =	sor.u32 s3, s0;
	s1 =	sshll.u32 s1, $0x11  }
0xc4: {  	s0 =	sor.u32 s1, s0  }
0xc5: {  	s0 =	sadd.s32 $0x8F2B, s0  }
0xc6: {  	[sflag:s0] =	ssyncadd.remote.s32 $0x1  }
0xc7: {  	_ =	sfence.sel $0xFFFF  }
0xc8: {  	[dreg:$0x0] =	wrdreg $0xFFFFFFFF;
	(pc) =	sbr.abs _section_cstart, $3  }
0xc9: {  	[dreg:$0x1] =	wrdreg $0xFFFFFFFF  }
0xca: {  	_ =	task.clear_ibuf [dreg:s8], $0x2FFFF;
	_ =	strace $0x9FFFFFFF  }
0xcb: {  	(tm) =	ssettm $0x7FFFFFFF  }
tec
execute0_lowered:
.L_overlay_start_1:
0x0: {  	(tag) =	ssettag $0x1  }
0x1: {  	s6 =	rddreg [dreg:$0x0]  }
0x2: {  	s8 =	rddreg [dreg:$0x1]  }
0x3: {  	s11 =	rddreg [dreg:$0x2]  }
0x4: {  	s0 =	srdreg.scid;
	s2 =	rddreg [dreg:$0x3]  }
0x5: {  	s3 =	rddreg [dreg:$0x4];
	s1 =	stileid.u32  }
0x6: {  	s4 =	simm.s32 $0x0;
	s15 =	simm.s32 $0x2800;
	s16 =	simm.s32 $0x5000  }
0x7: {  	s17 =	simm.s32 $0x5080;
	s18 =	simm.s32 $0x80;
	s19 =	simm.s32 $0x100  }
0x8: {  	s20 =	simm.s32 $0x0;
	s5 =	sand.u32 $0x1, s0;
	s13 =	smul.u32 $0x500, s1  }
0x9: {  	s0 =	rddreg [dreg:$0x5];
	s31 =	smul.u32 $0x280, s1;
	s7 =	sshll.u32 s5, $0x4  }
0xa: {  	[smem:$0x7FF] =	sst s4;
	s30 =	smul.u32 $0x5000, s5;
	s7 =	sor.u32 s1, s7  }
0xb: {  	_ =	strace $0x80000047;
	s12 =	ssub.s32 $0x2, s5;
	s9 =	smul.u32 $0x500, s7  }
0xc: {  	s5 =	sadd.s32 $0x20C00, s6;
	s14 =	sshrl.u32 s12, $0x1;
	s13 =	sadd.s32 s13, s30  }
0xd: {  	s14 =	ssub.s32 s12, s14;
	s13 =	sshrl.u32 s13, $0x3;
	s10 =	sadd.s32 s9, s6  }
0xe: {  	s6 =	sadd.s32 $0x20E00, s6;
	s8 =	sadd.s32 s8, s9;
	s9 =	sadd.s32 s31, s2  }
0xf: {  	s11 =	sadd.s32 s11, s13;
	s13 =	smax.u32 s14, $0x1;
	s14 =	simm.s32 $0x1  }
0x10: {  	s7 =	sadd.s32 $0x2C00, s10;
	s10 =	sadd.s32 s31, s3;
	s12 =	sadd.s32 $0x10, s11  }
.LBB2_1:
0x11: {  	[tilespmem:s4], [sflag:$0x1] =	stream.linear.gather [hbm4b:s7+s4], $0x2800, $0x38;
	[tilespmem:$0x5800] =	vst v63  }
0x12: {  	_ =	swait.ge [sflag:s14], $0x2800  }
0x13: {  	[sflag:s14] =	ssyncset.done $0x0  }
0x14: {  	[sflag:s14] =	ssyncadd.s32 $0xFFFFD800  }
0x15: {  	[tilespmem:s15], [sflag:$0x1] =	stream.linear.gather [hbm4b:s8+s4], $0x2800, $0x38;
	[tilespmem:$0x5800] =	vst v63  }
0x16: {  	_ =	swait.ge [sflag:s14], $0x2800  }
0x17: {  	[sflag:s14] =	ssyncset.done $0x0  }
0x18: {  	[sflag:s14] =	ssyncadd.s32 $0xFFFFD800  }
0x19: {  	[tilespmem:s16], [sflag:$0x1] =	stream.linear.gather [hbm4b:s5+s4], $0x80, $0x38;
	[tilespmem:$0x5800] =	vst v63  }
0x1a: {  	_ =	swait.ge [sflag:s14], $0x80  }
0x1b: {  	[sflag:s14] =	ssyncset.done $0x0  }
0x1c: {  	[sflag:s14] =	ssyncadd.s32 $0xFFFFFF80  }
0x1d: {  	[tilespmem:s17], [sflag:$0x1] =	stream.linear.gather [hbm4b:s6+s4], $0x280, $0x38;
	[tilespmem:$0x5800] =	vst v63  }
0x1e: {  	_ =	swait.ge [sflag:s14], $0x280  }
0x1f: {  	[sflag:s14] =	ssyncset.done $0x0  }
0x20: {  	[sflag:s14] =	ssyncadd.s32 $0xFFFFFD80  }
0x21: {  	[spmem:s9] =	stream.linear.scatter [tilespmem:s17], [sflag:$0x1], $0x280, $0x38;
	[tilespmem:$0x5800] =	vst v63  }
0x22: {  	_ =	swait.ge [sflag:s14], $0x280  }
0x23: {  	[sflag:s14] =	ssyncset.done $0x0  }
0x24: {  	[sflag:s14] =	ssyncadd.s32 $0xFFFFFD80  }
0x25: {  	[spmem:s10] =	stream.linear.scatter [tilespmem:s17], [sflag:$0x1], $0x280, $0x38;
	[tilespmem:$0x5800] =	vst v63  }
0x26: {  	_ =	swait.ge [sflag:s14], $0x280  }
0x27: {  	[sflag:s14] =	ssyncset.done $0x0  }
0x28: {  	[sflag:s14] =	ssyncadd.s32 $0xFFFFFD80  }
0x29: {  	s21 =	simm.s32 $0x0;
	[bflag:$0x0] =	sbarrier.arrive $0xFFFF  }
0x2a: {  	[spmem:s2] =	stream.indirect.scatter.add.f32 [tilespmem:s16], [sflag:$0x1], $0x1, s21, s18, $0xb8;
	[tilespmem:$0x5800] =	vst v63  }
0x2b: {  	_ =	swait.ge [sflag:s14], $0x80  }
0x2c: {  	[sflag:s14] =	ssyncset.done $0x0  }
0x2d: {  	s31 =	simm.s32 $0x2800;
	[sflag:s14] =	ssyncadd.s32 $0xFFFFFF80  }
0x2e: {  	[spmem:s3] =	stream.indirect.scatter.add.f32 [tilespmem:s16], [sflag:$0x1], $0x1, s31, s18, $0xb8;
	[tilespmem:$0x5800] =	vst v63  }
0x2f: {  	_ =	swait.ge [sflag:s14], $0x80  }
0x30: {  	s22 =	simm.s32 $0x400;
	s21 =	simm.s32 $0x200;
	[sflag:s14] =	ssyncset.done $0x0  }
.LBB2_2:
0x31: {  	s23 =	sshra.s32 s21, $0x2  }
0x32: {  	[sflag:s14] =	ssyncadd.s32 $0xFFFFFF80;
	s21 =	smov.u32 s22;
	s24 =	sadd.s32 $0x200, s22  }
0x33: {  	[spmem:s2] =	stream.indirect.scatter.add.f32 [tilespmem:s16], [sflag:$0x1], $0x1, s23, s18, $0xb8;
	[tilespmem:$0x5800] =	vst v63  }
0x34: {  	p0 =	sne.s32 s22, $0x9E00;
	_ =	swait.ge [sflag:s14], $0x80  }
.Ltmp0:
0x35: {  	[sflag:s14] =	ssyncset.done $0x0;
	(pc) =	sbr.rel @p0 .LBB2_2-.Ltmp0, $4  }
0x36: {  	s22 =	sadd.s32 $0x2800, s23;
	[sflag:s14] =	ssyncadd.s32 $0xFFFFFF80  }
0x37: {  	[spmem:s3] =	stream.indirect.scatter.add.f32 [tilespmem:s16], [sflag:$0x1], $0x1, s22, s18, $0xb8;
	[tilespmem:$0x5800] =	vst v63  }
0x38: {  	_ =	swait.ge [sflag:s14], $0x80  }
0x39: {  	s22 =	smov.u32 s24;
	[sflag:s14] =	ssyncset.done $0x0  }
0x3a: {  	s21 =	sshra.s32 s21, $0x2;
	[sflag:s14] =	ssyncadd.s32 $0xFFFFFF80  }
0x3b: {  	[spmem:s2] =	stream.indirect.scatter.add.f32 [tilespmem:s16], [sflag:$0x1], $0x1, s21, s18, $0xb8;
	[tilespmem:$0x5800] =	vst v63  }
0x3c: {  	_ =	swait.ge [sflag:s14], $0x80  }
0x3d: {  	[sflag:s14] =	ssyncset.done $0x0  }
0x3e: {  	s21 =	sadd.s32 $0x2800, s21;
	[sflag:s14] =	ssyncadd.s32 $0xFFFFFF80  }
0x3f: {  	[spmem:s3] =	stream.indirect.scatter.add.f32 [tilespmem:s16], [sflag:$0x1], $0x1, s21, s18, $0xb8;
	[tilespmem:$0x5800] =	vst v63  }
0x40: {  	_ =	swait.ge [sflag:s14], $0x80  }
0x41: {  	[sflag:s14] =	ssyncset.done $0x0  }
0x42: {  	[sflag:s14] =	ssyncadd.s32 $0xFFFFFF80  }
0x43: {  	[bflag:$0x0] =	sbarrier.arrive $0xFFFF  }
0x44: {  	[tilespmem:s17], [sflag:$0x1] =	stream.linear.gather [spmem:s9], $0x280, $0x38;
	[tilespmem:$0x5800] =	vst v63  }
0x45: {  	_ =	swait.ge [sflag:s14], $0x280  }
0x46: {  	[sflag:s14] =	ssyncset.done $0x0  }
0x47: {  	[sflag:s14] =	ssyncadd.s32 $0xFFFFFD80  }
0x48: {  	[hbm4b:s11+s18] =	stream.strided.scatter [tilespmem:s17], [sflag:$0x1], $0x280, s19, s18, $0x38;
	[tilespmem:$0x5800] =	vst v63  }
0x49: {  	_ =	swait.ge [sflag:s14], $0x280  }
0x4a: {  	[sflag:s14] =	ssyncset.done $0x0  }
0x4b: {  	[sflag:s14] =	ssyncadd.s32 $0xFFFFFD80  }
0x4c: {  	[tilespmem:s17], [sflag:$0x1] =	stream.linear.gather [spmem:s10], $0x280, $0x38;
	[tilespmem:$0x5800] =	vst v63  }
0x4d: {  	s20 =	sadd.s32 $0x1, s20;
	_ =	swait.ge [sflag:s14], $0x280  }
0x4e: {  	p0 =	sne.s32 s20, s13;
	[sflag:s14] =	ssyncset.done $0x0  }
.Ltmp1:
0x4f: {  	[sflag:s14] =	ssyncadd.s32 $0xFFFFFD80;
	(pc) =	sbr.rel @p0 .LBB2_1-.Ltmp1, $4  }
0x50: {  	[hbm4b:s12+s18] =	stream.strided.scatter [tilespmem:s17], [sflag:$0x1], $0x280, s19, s18, $0x38;
	[tilespmem:$0x5800] =	vst v63  }
0x51: {  	_ =	swait.ge [sflag:s14], $0x280  }
0x52: {  	[sflag:s14] =	ssyncset.done $0x0  }
0x53: {  	[sflag:s14] =	ssyncadd.s32 $0xFFFFFD80  }
0x54: {  	_ =	sfence.sel $0x180000  }
0x55: {  	[bflag:$0x0] =	sbarrier.arrive $0xFFFF  }
0x56: {  	p0 =	sne.s32 s1, $0x0;
	_ =	strace $0x90000047  }
0x57: {  	s0 =	sadd.s32 @!p0 $0x100000, s0;
	[bflag:$0x2] =	sbarrier.arrive $0xFFFF  }
0x58: {  	[sflag:s0] =	ssyncadd.tile.s32 @!p0 $0x1;
	_ =	shalt  }
.Lfunc_end2:
_tile_overlayer_lowered:
.L_overlay_start_2:
0x59: {  	(tag) =	ssettag $0x2  }
0x5a: {  	s0 =	rddreg [dreg:$0x0];
	s2 =	stileid.u32  }
0x5b: {  	s1 =	rddreg [dreg:$0x1];
	p0 =	sne.s32 s2, $0x0  }
0x5c: {  	s3 =	rddreg [dreg:$0x2];
	[bflag:$0x3] =	sbarrier.arrive $0xFFFF;
	s2 =	simm.s32 @!p0 $0x1C01  }
0x5d: {  	[timem:s3], [sflag:s2] =	dma.local @!p0 [hbm:s0], s1  }
0x5e: {  	s0 =	simm.s32 @!p0 $0x1  }
0x5f: {  	_ =	swait.ge @!p0 [sflag:s0], s1  }
0x60: {  	s1 =	ssub.s32 @!p0 $0x0, s1;
	[sflag:s0] =	ssyncset.done @!p0 $0x0  }
0x61: {  	[sflag:s0] =	ssyncadd.s32 @!p0 s1  }
0x62: {  	[bflag:$0x3] =	sbarrier.arrive $0xFFFF  }
0x63: {  	_ =	shalt  }

// kernel: kernel.15.cloned.1.call-start
scs
__scs_entry_jumppad:
0x0: {  	(pc) =	sbr.rel $0x88, $3  }
0x1: {  	(tag) =	ssettag $0x0;
	lr =	simm.s32 $0x1  }
0x2: {  	[smem:$0x3F99] =	sst lr;
	_ =	strace $0xD0000000  }
0x3: {  	_ = 	snop  }
0x4: {  	_ = 	snop  }
0x5: {  	_ = 	snop  }
0x6: {  	_ = 	snop  }
0x7: {  	_ = 	snop  }
__scs_overlays_trampoline_lowered:
0x8: {  	[smem:$0x3FA8] =	sst s0  }
0x9: {  	[smem:$0x3FA9] =	sst s1  }
0xa: {  	[smem:$0x3FAA] =	sst s2  }
0xb: {  	[smem:$0x3FAB] =	sst s3  }
0xc: {  	[smem:$0x3FAC] =	sst s4  }
0xd: {  	[smem:$0x3FAD] =	sst s5  }
0xe: {  	[smem:$0x3FAE] =	sst s6  }
0xf: {  	[smem:$0x3FAF] =	sst s7  }
0x10: {  	[smem:$0x3FB0] =	sst s8  }
0x11: {  	[smem:$0x3FB1] =	sst s9;
	s0 =	simm.s32 @!p0 $0x0  }
0x12: {  	s1 =	sld [smem:$0x3F97];
	s0 =	simm.s32 @p0 $0x1  }
0x13: {  	[smem:$0x3FB2] =	sst s0;
	s0 =	simm.s32 @!p1 $0x0  }
0x14: {  	s2 =	sld [smem:$0x3F96];
	s0 =	simm.s32 @p1 $0x1  }
0x15: {  	[smem:$0x3FB3] =	sst s0;
	s0 =	simm.s32 @!p2 $0x0  }
0x16: {  	s3 =	sld [smem:$0x3FDB];
	s0 =	simm.s32 @p2 $0x1  }
0x17: {  	s4 =	simm.s32 $0x1BF5;
	[smem:$0x3FB5] =	sst s0  }
0x18: {  	s0 =	sld [smem:$0x3F98];
	_ =	swait.ge [sflag:s4], $0x0  }
0x19: {  	s7 =	sld [smem:$0x3F99]  }
0x1a: {  	s8 =	sadd.s32 $0xFFFFE003, lr  }
0x1b: {  	s9 =	sadd.s32 $0xFFFFFEF7, lr;
	s5 =	simm.s32 $0xFFFFFFFF;
	p2 =	slt.u32 s8, $0xFFFFF086  }
0x1c: {  	p1 =	slt.u32 s9, $0xF7A;
	s5 =	simm.s32 @!p2 $0x0  }
0x1d: {  	s5 =	simm.s32 @p1 $0x1;
	p0 =	seq.s32 s7, s2  }
0x1e: {  	s7 =	smul.u32 @!p0 $0xF7A, s2;
	p2 =	seq.s32 @!p0 s5, $0x0  }
0x1f: {  	s9 =	smul.u32 $0xF7A, s1;
	s8 =	simm.s32 @!p0 $0x1BF5;
	p2 =	por !p2, p0  }
0x20: {  	[sflag:s8] =	ssyncset.s32 @!p0 $0xFFFFF086;
	s6 =	sadd.s32 @!p0 s3, s7;
	s7 =	simm.s32 @!p0 $0x108  }
0x21: {  	s3 =	sadd.s32 s3, s9;
	s6 =	sadd.s32 @!p0 $0x88, s6;
	s7 =	simm.s32 @p2 $0x1082  }
0x22: {  	[simem:s7], [sflag:s8] =	dma.local @!p0 [hbm:s6], $0xF7A  }
0x23: {  	s9 =	sor.u32 $0xD0000000, s2;
	s6 =	simm.s32 $0x108;
	_ =	swait.ge @!p0 [sflag:s8], $0x0  }
0x24: {  	s3 =	sadd.s32 $0x88, s3;
	s6 =	simm.s32 @!p1 $0x1082;
	[sflag:s4] =	ssyncset.s32 $0xFFFFF086  }
0x25: {  	[simem:s6], [sflag:s4] =	dma.local [hbm:s3], $0xF7A  }
0x26: {  	[smem:$0x3F99] =	sst s1;
	(tag) =	ssettag s2;
	_ =	strace s9  }
0x27: {  	s1 =	sld [smem:$0x3FA9]  }
0x28: {  	s2 =	sld [smem:$0x3FAA]  }
0x29: {  	s4 =	sld [smem:$0x3FAC]  }
0x2a: {  	p0 =	seq.s32 s5, $0x0;
	s5 =	sld [smem:$0x3FAD]  }
0x2b: {  	s6 =	sld [smem:$0x3FAE]  }
0x2c: {  	s7 =	sld [smem:$0x3FAF]  }
0x2d: {  	s3 =	simm.s32 $0x108;
	s8 =	sld [smem:$0x3FB0]  }
0x2e: {  	s3 =	simm.s32 @!p0 $0x1082;
	s9 =	sld [smem:$0x3FB1]  }
0x2f: {  	lr =	sadd.s32 s0, s3;
	s0 =	sld [smem:$0x3FA8]  }
0x30: {  	s3 =	sld [smem:$0x3FAB]  }
0x31: {  	[smem:$0x3FB4] =	sst s10  }
0x32: {  	s10 =	sld [smem:$0x3FB2];
	_ =	sdelay $0x3  }
0x33: {  	p0 =	seq.s32 s10, $0x1;
	s10 =	sld [smem:$0x3FB4];
	_ =	sdelay $0x3  }
0x34: {  	[smem:$0x3FB4] =	sst s10  }
0x35: {  	s10 =	sld [smem:$0x3FB3];
	_ =	sdelay $0x3  }
0x36: {  	p1 =	seq.s32 s10, $0x1;
	s10 =	sld [smem:$0x3FB4];
	_ =	sdelay $0x3  }
0x37: {  	[smem:$0x3FB4] =	sst s10  }
0x38: {  	s10 =	sld [smem:$0x3FB5]  }
0x39: {  	_ = 	snop;
	(pc) =	sbr.ind lr, $3  }
0x3a: {  	_ = 	snop  }
0x3b: {  	_ = 	snop  }
0x3c: {  	p2 =	seq.s32 s10, $0x1;
	s10 =	sld [smem:$0x3FB4]  }
0x3d: {  	_ =	shalt  }
0x3e: {  	_ =	shalt  }
0x3f: {  	_ =	shalt  }
0x40: {  	_ =	shalt  }
0x41: {  	_ =	shalt  }
0x42: {  	_ =	shalt  }
0x43: {  	_ =	shalt  }
0x44: {  	_ =	shalt  }
0x45: {  	_ =	shalt  }
0x46: {  	_ =	shalt  }
0x47: {  	_ =	shalt  }
0x48: {  	_ =	shalt  }
0x49: {  	_ =	shalt  }
0x4a: {  	_ =	shalt  }
0x4b: {  	_ =	shalt  }
0x4c: {  	_ =	shalt  }
0x4d: {  	_ =	shalt  }
0x4e: {  	_ =	shalt  }
0x4f: {  	_ =	shalt  }
0x50: {  	_ =	shalt  }
0x51: {  	_ =	shalt  }
0x52: {  	_ =	shalt  }
0x53: {  	_ =	shalt  }
0x54: {  	_ =	shalt  }
0x55: {  	_ =	shalt  }
0x56: {  	_ =	shalt  }
0x57: {  	_ =	shalt  }
0x58: {  	_ =	shalt  }
0x59: {  	_ =	shalt  }
0x5a: {  	_ =	shalt  }
0x5b: {  	_ =	shalt  }
0x5c: {  	_ =	shalt  }
0x5d: {  	_ =	shalt  }
0x5e: {  	_ =	shalt  }
0x5f: {  	_ =	shalt  }
0x60: {  	_ =	shalt  }
0x61: {  	_ =	shalt  }
0x62: {  	_ =	shalt  }
0x63: {  	_ =	shalt  }
0x64: {  	_ =	shalt  }
0x65: {  	_ =	shalt  }
0x66: {  	_ =	shalt  }
0x67: {  	_ =	shalt  }
0x68: {  	_ =	shalt  }
0x69: {  	_ =	shalt  }
0x6a: {  	_ =	shalt  }
0x6b: {  	_ =	shalt  }
0x6c: {  	_ =	shalt  }
0x6d: {  	_ =	shalt  }
0x6e: {  	_ =	shalt  }
0x6f: {  	_ =	shalt  }
0x70: {  	_ =	shalt  }
0x71: {  	_ =	shalt  }
0x72: {  	_ =	shalt  }
0x73: {  	_ =	shalt  }
0x74: {  	_ =	shalt  }
0x75: {  	_ =	shalt  }
0x76: {  	_ =	shalt  }
0x77: {  	_ =	shalt  }
0x78: {  	_ =	shalt  }
0x79: {  	_ =	shalt  }
0x7a: {  	_ =	shalt  }
0x7b: {  	_ =	shalt  }
0x7c: {  	_ =	shalt  }
0x7d: {  	_ =	shalt  }
0x7e: {  	_ =	shalt  }
0x7f: {  	_ =	shalt  }
0x80: {  	_ =	shalt  }
0x81: {  	_ =	shalt  }
0x82: {  	_ =	shalt  }
0x83: {  	_ =	shalt  }
0x84: {  	_ =	shalt  }
0x85: {  	_ =	shalt  }
0x86: {  	_ =	shalt  }
0x87: {  	_ =	shalt  }
.Lfunc_end0:
.L_simem_size_0:
called_computation.1_lowered:
.L_overlay_start_0:
0x88: {  	s2 =	sld [smem:$0x3FD9]  }
0x89: {  	s3 =	sld [smem:$0x3FFE];
	_ =	sdelay $0x1  }
0x8a: {  	s1 =	srdreg.scid  }
0x8b: {  	s0 =	sand.u32 $0x1, s1  }
0x8c: {  	s14 =	sshll.u32 s0, $0xA;
	s2 =	sadd.s32 s3, s2  }
0x8d: {  	s2 =	sadd.s32 s2, s14  }
0x8e: {  	[smem:$0x3FC0] =	sst s2  }
0x8f: {  	_ = 	snop  }
0x90: {  	s2 =	sld [smem:$0x3FD0];
	_ =	sdelay $0x2  }
0x91: {  	s15 =	simm.s32 $0xA;
	s4 =	simm.s32 $0x10  }
0x92: {  	[smem:s4], [sflag:s15] =	dma.local [hbm:s2], $0x1  }
0x93: {  	_ =	swait.eq [sflag:s15], $0x1  }
0x94: {  	[sflag:s15] =	ssyncset.done $0x0  }
0x95: {  	s16 =	sld [smem:$0x10];
	[sflag:s15] =	ssyncadd.s32 $0xFFFFFFFF  }
0x96: {  	s17 =	sld [smem:$0x11];
	(tm) =	ssettm $0x1  }
0x97: {  	s18 =	sld [smem:$0x3FFB];
	_ =	sdelay $0x3  }
0x98: {  	_ =	strace s18  }
0x99: {  	s4 =	sld [smem:$0x3FFC];
	_ =	sdelay $0x3  }
0x9a: {  	_ =	strace s4  }
0x9b: {  	s4 =	sld [smem:$0x3FFD];
	_ =	sdelay $0x3  }
0x9c: {  	_ =	strace s4  }
0x9d: {  	_ =	strace $0x8FFFFFFF  }
0x9e: {  	s19 =	sld [smem:$0x3FDB];
	_ =	sdelay $0x1  }
0x9f: {  	s5 =	simm.s32 $_scs_section_size  }
0xa0: {  	s6 =	simm.s32 $_size__tile_overlayer_lowered;
	s7 =	simm.s32 $_tile_overlayer_lowered  }
0xa1: {  	s22 =	simm.s32 $0x1BFF;
	s21 =	sshll.u32 s7, $0x1;
	s4 =	sadd.s32 s5, s19  }
0xa2: {  	s8 =	simm.s32 $0x0;
	s20 =	sshll.u32 s6, $0x1;
	s6 =	sadd.s32 s21, s4  }
0xa3: {  	[timem:s8], [sflag:s22] =	dma.local [hbm:s6], s20  }
0xa4: {  	_ =	swait.ge [sflag:s22], s20  }
0xa5: {  	s5 =	ssub.s32 $0x0, s20;
	[sflag:s22] =	ssyncset.done $0x0  }
0xa6: {  	[sflag:s22] =	ssyncadd.s32 s5;
	_ =	sdelay $0x1  }
0xa7: {  	s23 =	simm.s32 $0x1B8B  }
0xa8: {  	_ =	swait.ge [sflag:s23], $0x1  }
0xa9: {  	[sflag:s23] =	ssyncset.done $0x0  }
0xaa: {  	s25 =	simm.s32 $0x1B8E;
	s24 =	sld [smem:$0x3FFE];
	[sflag:s23] =	ssyncadd.s32 $0xFFFFFFFF  }
0xab: {  	s26 =	simm.s32 $execute0_lowered;
	[smem:$0x3FD2] =	sst s25  }
0xac: {  	s6 =	sshll.u32 s26, $0x1;
	_ =	strace $0x80000049;
	[dreg:$0x1] =	wrdreg $0xFFFFFFFF  }
0xad: {  	s28 =	simm.s32 $_size_execute0_lowered;
	s4 =	sadd.s32 s4, s6;
	[dreg:$0x0] =	wrdreg $0x0  }
0xae: {  	s6 =	sshll.u32 s28, $0x1;
	[dreg:$0x2] =	wrdreg s4  }
0xaf: {  	[dreg:$0x3] =	wrdreg s6  }
0xb0: {  	[dreg:$0x4] =	wrdreg $0xC0  }
0xb1: {  	_ =	task [dreg:s8], $0x5FFFF  }
0xb2: {  	[dreg:$0x1] =	wrdreg $0xFFFFFFFF  }
0xb3: {  	[dreg:$0x0] =	wrdreg $0x60  }
0xb4: {  	[dreg:$0x2] =	wrdreg s16  }
0xb5: {  	[dreg:$0x3] =	wrdreg s24  }
0xb6: {  	[dreg:$0x4] =	wrdreg s17  }
0xb7: {  	[dreg:$0x5] =	wrdreg $0x130000  }
0xb8: {  	[dreg:$0x6] =	wrdreg $0x90000  }
0xb9: {  	[dreg:$0x7] =	wrdreg $0x9  }
0xba: {  	_ =	task.clear_ibuf [dreg:s8], $0x8FFFF;
	_ =	strace $0x90000049  }
0xbb: {  	s29 =	simm.s32 $0x9;
	_ =	strace $0x8000004B  }
0xbc: {  	_ =	swait.ge [sflag:s29], $0x1  }
0xbd: {  	[sflag:s29] =	ssyncadd.s32 $0xFFFFFFFF  }
0xbe: {  	_ =	strace $0x9000004B  }
0xbf: {  	_ =	sfence  }
0xc0: {  	s30 =	sld [smem:$0x0];
	_ =	sdelay $0x2  }
0xc1: {  	s31 =	sshll.u32 s1, $0xD;
	s1 =	sshrl.u32 s1, $0x2  }
0xc2: {  	s3 =	sand.u32 $0x4000, s31;
	s1 =	sadd.s32 s1, s30  }
0xc3: {  	s0 =	sor.u32 s3, s0;
	s1 =	sshll.u32 s1, $0x11  }
0xc4: {  	s0 =	sor.u32 s1, s0  }
0xc5: {  	s0 =	sadd.s32 $0x8F2B, s0  }
0xc6: {  	[sflag:s0] =	ssyncadd.remote.s32 $0x1  }
0xc7: {  	_ =	sfence.sel $0xFFFF  }
0xc8: {  	[dreg:$0x0] =	wrdreg $0xFFFFFFFF;
	(pc) =	sbr.abs _section_cstart, $3  }
0xc9: {  	[dreg:$0x1] =	wrdreg $0xFFFFFFFF  }
0xca: {  	_ =	task.clear_ibuf [dreg:s8], $0x2FFFF;
	_ =	strace $0x9FFFFFFF  }
0xcb: {  	(tm) =	ssettm $0x7FFFFFFF  }
tec
execute0_lowered:
.L_overlay_start_1:
0x0: {  	(tag) =	ssettag $0x1  }
0x1: {  	s6 =	rddreg [dreg:$0x0]  }
0x2: {  	s7 =	rddreg [dreg:$0x1]  }
0x3: {  	s1 =	rddreg [dreg:$0x2]  }
0x4: {  	s3 =	rddreg [dreg:$0x3]  }
0x5: {  	s4 =	rddreg [dreg:$0x4]  }
0x6: {  	s0 =	rddreg [dreg:$0x5];
	s8 =	srdreg.scid  }
0x7: {  	s2 =	stileid.u32;
	s5 =	simm.s32 $0x0;
	s18 =	simm.s32 $0x3  }
0x8: {  	s19 =	simm.s32 $0x5000;
	s20 =	simm.s32 $0x2800;
	s21 =	simm.s32 $0x80  }
0x9: {  	s22 =	simm.s32 $0x7000;
	s23 =	simm.s32 $0x1;
	s24 =	simm.s32 $0x2  }
0xa: {  	s25 =	simm.s32 $0x4F00;
	s28 =	simm.s32 $0x0;
	s9 =	smul.u32 $0xA000, s2  }
0xb: {  	s8 =	sand.u32 $0x1, s8;
	[smem:$0x7FF] =	sst s5;
	s13 =	smul.u32 $0x28000, s2  }
0xc: {  	s30 =	sshll.u32 s2, $0x6;
	s10 =	sshll.u32 s8, $0x4;
	s11 =	smul.u32 $0xA0000, s8  }
0xd: {  	_ =	strace $0x8000004A;
	s8 =	ssub.s32 $0x2, s8;
	s10 =	sor.u32 s2, s10  }
0xe: {  	s12 =	sshrl.u32 s8, $0x1;
	s17 =	sadd.s32 s9, s3;
	s26 =	sshrl.u32 s9, $0x3  }
0xf: {  	s29 =	sshrl.u32 s13, $0x2;
	s10 =	smul.u32 $0x500, s10;
	s11 =	sadd.s32 s9, s11  }
0x10: {  	s16 =	ssub.s32 s8, s12;
	s6 =	sadd.s32 s6, s26;
	s31 =	sadd.s32 s29, s4  }
0x11: {  	s8 =	sadd.s32 s9, s4;
	s17 =	sshrl.u32 s17, $0x3;
	s26 =	simm.s32 $0x4F80  }
0x12: {  	s11 =	sshrl.u32 s11, $0x3;
	s9 =	sadd.s32 $0x2000, s31;
	s12 =	sadd.s32 $0x8000, s31  }
0x13: {  	s16 =	smax.u32 s16, $0x1;
	s14 =	sadd.s32 s10, s7;
	s15 =	sadd.s32 s11, s7  }
0x14: {  	s7 =	sor.u32 $0x1C03, s30;
	s10 =	sadd.s32 $0x4000, s31;
	s11 =	sadd.s32 $0x6000, s31  }
0x15: {  	s13 =	sadd.s32 $0x16C00, s14;
	s14 =	sadd.s32 $0xCC00, s14;
	s15 =	sadd.s32 $0x48C00, s15  }
.LBB2_1:
0x16: {  	[spmem:s17], [sflag:s7] =	dma.local [hbm:s6], $0x1400  }
0x17: {  	_ =	swait.ge [sflag:s18], $0x1400  }
0x18: {  	[sflag:s18] =	ssyncset.done $0x0  }
0x19: {  	[sflag:s18] =	ssyncadd.s32 $0xFFFFEC00  }
0x1a: {  	[tilespmem:s19], [sflag:$0x3] =	stream.linear.gather [hbm4b:s1+s5], $0x2000, $0x38;
	[tilespmem:$0x1D000] =	vst v63  }
0x1b: {  	_ =	swait.ge [sflag:s18], $0x2000  }
0x1c: {  	[sflag:s18] =	ssyncset.done $0x0  }
0x1d: {  	[sflag:s18] =	ssyncadd.s32 $0xFFFFE000  }
0x1e: {  	[spmem:s8] =	stream.linear.scatter [tilespmem:s19], [sflag:$0x3], $0x2000, $0x38;
	[tilespmem:$0x1D000] =	vst v63  }
0x1f: {  	_ =	swait.ge [sflag:s18], $0x2000  }
0x20: {  	[sflag:s18] =	ssyncset.done $0x0  }
0x21: {  	[sflag:s18] =	ssyncadd.s32 $0xFFFFE000  }
0x22: {  	[spmem:s9] =	stream.linear.scatter [tilespmem:s19], [sflag:$0x3], $0x2000, $0x38;
	[tilespmem:$0x1D000] =	vst v63  }
0x23: {  	_ =	swait.ge [sflag:s18], $0x2000  }
0x24: {  	[sflag:s18] =	ssyncset.done $0x0  }
0x25: {  	[sflag:s18] =	ssyncadd.s32 $0xFFFFE000  }
0x26: {  	[spmem:s10] =	stream.linear.scatter [tilespmem:s19], [sflag:$0x3], $0x2000, $0x38;
	[tilespmem:$0x1D000] =	vst v63  }
0x27: {  	_ =	swait.ge [sflag:s18], $0x2000  }
0x28: {  	[sflag:s18] =	ssyncset.done $0x0  }
0x29: {  	[sflag:s18] =	ssyncadd.s32 $0xFFFFE000  }
0x2a: {  	[spmem:s11] =	stream.linear.scatter [tilespmem:s19], [sflag:$0x3], $0x2000, $0x38;
	[tilespmem:$0x1D000] =	vst v63  }
0x2b: {  	_ =	swait.ge [sflag:s18], $0x2000  }
0x2c: {  	[sflag:s18] =	ssyncset.done $0x0  }
0x2d: {  	[sflag:s18] =	ssyncadd.s32 $0xFFFFE000  }
0x2e: {  	[spmem:s12] =	stream.linear.scatter [tilespmem:s19], [sflag:$0x3], $0x2000, $0x38;
	[tilespmem:$0x1D000] =	vst v63  }
0x2f: {  	_ =	swait.ge [sflag:s18], $0x2000  }
0x30: {  	[sflag:s18] =	ssyncset.done $0x0  }
0x31: {  	[sflag:s18] =	ssyncadd.s32 $0xFFFFE000  }
0x32: {  	[bflag:$0x0] =	sbarrier.arrive $0xFFFF  }
0x33: {  	[tilespmem:s5], [sflag:$0x3] =	stream.linear.gather [hbm4b:s13+s5], $0x2800, $0x38;
	[tilespmem:$0x1D000] =	vst v63  }
0x34: {  	_ =	swait.ge [sflag:s18], $0x2800  }
0x35: {  	[sflag:s18] =	ssyncset.done $0x0  }
0x36: {  	[sflag:s18] =	ssyncadd.s32 $0xFFFFD800  }
0x37: {  	[tilespmem:s20], [sflag:$0x3] =	stream.linear.gather [hbm4b:s14+s5], $0x2800, $0x38;
	[tilespmem:$0x1D000] =	vst v63  }
0x38: {  	_ =	swait.ge [sflag:s18], $0x2800  }
0x39: {  	[sflag:s18] =	ssyncset.done $0x0  }
0x3a: {  	[sflag:s18] =	ssyncadd.s32 $0xFFFFD800  }
0x3b: {  	[tilespmem:s19], [sflag:$0x1] =	stream.indirect.gather [spmem:s3], $0x40, s5, s21, $0xb8;
	[tilespmem:$0x1D000] =	vst v63  }
0x3c: {  	_ = 	snop  }
0x3d: {  	[tilespmem:s22], [sflag:$0x2] =	stream.indirect.gather [spmem:s3], $0x40, s21, s21, $0xb8;
	[tilespmem:$0x1D000] =	vst v63  }
0x3e: {  	_ =	swait.ge [sflag:s23], $0x2000  }
0x3f: {  	[sflag:s23] =	ssyncset.done $0x0  }
0x40: {  	s29 =	simm.s32 $0x2800;
	[sflag:s23] =	ssyncadd.s32 $0xFFFFE000  }
0x41: {  	[spmem:s4] =	stream.indirect.scatter.add.f32 [tilespmem:s19], [sflag:$0x3], $0x40, s29, s21, $0xb8;
	[tilespmem:$0x1D000] =	vst v63  }
0x42: {  	_ =	swait.ge [sflag:s18], $0x2000  }
0x43: {  	[sflag:s18] =	ssyncset.done $0x0  }
0x44: {  	s29 =	simm.s32 $0x100;
	[sflag:s18] =	ssyncadd.s32 $0xFFFFE000  }
0x45: {  	[tilespmem:s19], [sflag:$0x1] =	stream.indirect.gather [spmem:s3], $0x40, s29, s21, $0xb8;
	[tilespmem:$0x1D000] =	vst v63  }
0x46: {  	_ =	swait.ge [sflag:s24], $0x2000  }
0x47: {  	[sflag:s24] =	ssyncset.done $0x0  }
0x48: {  	s29 =	simm.s32 $0x2880;
	[sflag:s24] =	ssyncadd.s32 $0xFFFFE000  }
0x49: {  	[spmem:s4] =	stream.indirect.scatter.add.f32 [tilespmem:s22], [sflag:$0x3], $0x40, s29, s21, $0xb8;
	[tilespmem:$0x1D000] =	vst v63  }
0x4a: {  	_ =	swait.ge [sflag:s18], $0x2000  }
0x4b: {  	[sflag:s18] =	ssyncset.done $0x0  }
0x4c: {  	s30 =	simm.s32 $0x180;
	s29 =	simm.s32 $0x400;
	[sflag:s18] =	ssyncadd.s32 $0xFFFFE000  }
.LBB2_2:
0x4d: {  	[tilespmem:s22], [sflag:$0x2] =	stream.indirect.gather [spmem:s3], $0x40, s30, s21, $0xb8;
	[tilespmem:$0x1D000] =	vst v63  }
0x4e: {  	s30 =	smov.u32 s29  }
0x4f: {  	p0 =	sne.s32 s29, $0x9800;
	s29 =	sadd.s32 $0x400, s29;
	_ =	swait.ge [sflag:s23], $0x2000  }
0x50: {  	s30 =	sshra.s32 s30, $0x2;
	[sflag:s23] =	ssyncset.done $0x0  }
0x51: {  	s31 =	sadd.s32 $0x2800, s30;
	[sflag:s23] =	ssyncadd.s32 $0xFFFFE000  }
0x52: {  	[spmem:s4] =	stream.indirect.scatter.add.f32 [tilespmem:s19], [sflag:$0x3], $0x40, s31, s21, $0xb8;
	[tilespmem:$0x1D000] =	vst v63  }
0x53: {  	_ =	swait.ge [sflag:s18], $0x2000  }
0x54: {  	[sflag:s18] =	ssyncset.done $0x0  }
0x55: {  	s31 =	sadd.s32 $0x100, s30;
	[sflag:s18] =	ssyncadd.s32 $0xFFFFE000  }
0x56: {  	[tilespmem:s19], [sflag:$0x1] =	stream.indirect.gather [spmem:s3], $0x40, s31, s21, $0xb8;
	[tilespmem:$0x1D000] =	vst v63  }
0x57: {  	_ =	swait.ge [sflag:s24], $0x2000  }
0x58: {  	[sflag:s24] =	ssyncset.done $0x0  }
.Ltmp0:
0x59: {  	s31 =	sadd.s32 $0x2880, s30;
	[sflag:s24] =	ssyncadd.s32 $0xFFFFE000;
	(pc) =	sbr.rel @p0 .LBB2_2-.Ltmp0, $4  }
0x5a: {  	[spmem:s4] =	stream.indirect.scatter.add.f32 [tilespmem:s22], [sflag:$0x3], $0x40, s31, s21, $0xb8;
	[tilespmem:$0x1D000] =	vst v63  }
0x5b: {  	_ =	swait.ge [sflag:s18], $0x2000  }
0x5c: {  	[sflag:s18] =	ssyncset.done $0x0  }
0x5d: {  	s30 =	sadd.s32 $0x180, s30;
	[sflag:s18] =	ssyncadd.s32 $0xFFFFE000  }
0x5e: {  	[tilespmem:s22], [sflag:$0x2] =	stream.indirect.gather [spmem:s3], $0x40, s30, s21, $0xb8;
	[tilespmem:$0x1D000] =	vst v63  }
0x5f: {  	_ =	swait.ge [sflag:s23], $0x2000  }
0x60: {  	[sflag:s23] =	ssyncset.done $0x0  }
0x61: {  	[sflag:s23] =	ssyncadd.s32 $0xFFFFE000  }
0x62: {  	[spmem:s4] =	stream.indirect.scatter.add.f32 [tilespmem:s19], [sflag:$0x3], $0x40, s25, s21, $0xb8;
	[tilespmem:$0x1D000] =	vst v63  }
0x63: {  	_ =	swait.ge [sflag:s18], $0x2000  }
0x64: {  	[sflag:s18] =	ssyncset.done $0x0  }
0x65: {  	[sflag:s18] =	ssyncadd.s32 $0xFFFFE000  }
0x66: {  	_ =	swait.ge [sflag:s24], $0x2000  }
0x67: {  	[sflag:s24] =	ssyncset.done $0x0  }
0x68: {  	[sflag:s24] =	ssyncadd.s32 $0xFFFFE000  }
0x69: {  	[spmem:s4] =	stream.indirect.scatter.add.f32 [tilespmem:s22], [sflag:$0x3], $0x40, s26, s21, $0xb8;
	[tilespmem:$0x1D000] =	vst v63  }
0x6a: {  	_ =	swait.ge [sflag:s18], $0x2000  }
0x6b: {  	s28 =	sadd.s32 $0x1, s28;
	[sflag:s18] =	ssyncset.done $0x0  }
0x6c: {  	p0 =	sne.s32 s28, s16;
	[sflag:s18] =	ssyncadd.s32 $0xFFFFE000  }
.Ltmp1:
0x6d: {  	s29 =	sshrl.u32 s8, $0x3;
	[bflag:$0x0] =	sbarrier.arrive $0xFFFF;
	(pc) =	sbr.rel @p0 .LBB2_1-.Ltmp1, $4  }
0x6e: {  	[hbm:s15], [sflag:s7] =	dma.local [spmem:s29], $0x1400  }
0x6f: {  	_ =	swait.ge [sflag:s18], $0x1400  }
0x70: {  	[sflag:s18] =	ssyncset.done $0x0  }
0x71: {  	[sflag:s18] =	ssyncadd.s32 $0xFFFFEC00  }
0x72: {  	_ =	sfence.sel $0x180000  }
0x73: {  	[bflag:$0x0] =	sbarrier.arrive $0xFFFF  }
0x74: {  	p0 =	sne.s32 s2, $0x0;
	_ =	strace $0x9000004A  }
0x75: {  	s0 =	sadd.s32 @!p0 $0x100000, s0;
	[bflag:$0x2] =	sbarrier.arrive $0xFFFF  }
0x76: {  	[sflag:s0] =	ssyncadd.tile.s32 @!p0 $0x1;
	_ =	shalt  }
.Lfunc_end2:
_tile_overlayer_lowered:
.L_overlay_start_2:
0x77: {  	(tag) =	ssettag $0x2  }
0x78: {  	s0 =	rddreg [dreg:$0x0];
	s2 =	stileid.u32  }
0x79: {  	s1 =	rddreg [dreg:$0x1];
	p0 =	sne.s32 s2, $0x0  }
0x7a: {  	s3 =	rddreg [dreg:$0x2];
	[bflag:$0x3] =	sbarrier.arrive $0xFFFF;
	s2 =	simm.s32 @!p0 $0x1C03  }
0x7b: {  	[timem:s3], [sflag:s2] =	dma.local @!p0 [hbm:s0], s1  }
0x7c: {  	s0 =	simm.s32 @!p0 $0x3  }
0x7d: {  	_ =	swait.ge @!p0 [sflag:s0], s1  }
0x7e: {  	s1 =	ssub.s32 @!p0 $0x0, s1;
	[sflag:s0] =	ssyncset.done @!p0 $0x0  }
0x7f: {  	[sflag:s0] =	ssyncadd.s32 @!p0 s1  }
0x80: {  	[bflag:$0x3] =	sbarrier.arrive $0xFFFF  }
0x81: {  	_ =	shalt  }

// kernel: kernel.18.cloned.1.call-start
scs
__scs_entry_jumppad:
0x0: {  	(pc) =	sbr.rel $0x88, $3  }
0x1: {  	(tag) =	ssettag $0x0;
	lr =	simm.s32 $0x1  }
0x2: {  	[smem:$0x3F99] =	sst lr;
	_ =	strace $0xD0000000  }
0x3: {  	_ = 	snop  }
0x4: {  	_ = 	snop  }
0x5: {  	_ = 	snop  }
0x6: {  	_ = 	snop  }
0x7: {  	_ = 	snop  }
__scs_overlays_trampoline_lowered:
0x8: {  	[smem:$0x3FA8] =	sst s0  }
0x9: {  	[smem:$0x3FA9] =	sst s1  }
0xa: {  	[smem:$0x3FAA] =	sst s2  }
0xb: {  	[smem:$0x3FAB] =	sst s3  }
0xc: {  	[smem:$0x3FAC] =	sst s4  }
0xd: {  	[smem:$0x3FAD] =	sst s5  }
0xe: {  	[smem:$0x3FAE] =	sst s6  }
0xf: {  	[smem:$0x3FAF] =	sst s7  }
0x10: {  	[smem:$0x3FB0] =	sst s8  }
0x11: {  	[smem:$0x3FB1] =	sst s9;
	s0 =	simm.s32 @!p0 $0x0  }
0x12: {  	s1 =	sld [smem:$0x3F97];
	s0 =	simm.s32 @p0 $0x1  }
0x13: {  	[smem:$0x3FB2] =	sst s0;
	s0 =	simm.s32 @!p1 $0x0  }
0x14: {  	s2 =	sld [smem:$0x3F96];
	s0 =	simm.s32 @p1 $0x1  }
0x15: {  	[smem:$0x3FB3] =	sst s0;
	s0 =	simm.s32 @!p2 $0x0  }
0x16: {  	s3 =	sld [smem:$0x3FDB];
	s0 =	simm.s32 @p2 $0x1  }
0x17: {  	s4 =	simm.s32 $0x1BF5;
	[smem:$0x3FB5] =	sst s0  }
0x18: {  	s0 =	sld [smem:$0x3F98];
	_ =	swait.ge [sflag:s4], $0x0  }
0x19: {  	s7 =	sld [smem:$0x3F99]  }
0x1a: {  	s8 =	sadd.s32 $0xFFFFE003, lr  }
0x1b: {  	s9 =	sadd.s32 $0xFFFFFEF7, lr;
	s5 =	simm.s32 $0xFFFFFFFF;
	p2 =	slt.u32 s8, $0xFFFFF086  }
0x1c: {  	p1 =	slt.u32 s9, $0xF7A;
	s5 =	simm.s32 @!p2 $0x0  }
0x1d: {  	s5 =	simm.s32 @p1 $0x1;
	p0 =	seq.s32 s7, s2  }
0x1e: {  	s7 =	smul.u32 @!p0 $0xF7A, s2;
	p2 =	seq.s32 @!p0 s5, $0x0  }
0x1f: {  	s9 =	smul.u32 $0xF7A, s1;
	s8 =	simm.s32 @!p0 $0x1BF5;
	p2 =	por !p2, p0  }
0x20: {  	[sflag:s8] =	ssyncset.s32 @!p0 $0xFFFFF086;
	s6 =	sadd.s32 @!p0 s3, s7;
	s7 =	simm.s32 @!p0 $0x108  }
0x21: {  	s3 =	sadd.s32 s3, s9;
	s6 =	sadd.s32 @!p0 $0x88, s6;
	s7 =	simm.s32 @p2 $0x1082  }
0x22: {  	[simem:s7], [sflag:s8] =	dma.local @!p0 [hbm:s6], $0xF7A  }
0x23: {  	s9 =	sor.u32 $0xD0000000, s2;
	s6 =	simm.s32 $0x108;
	_ =	swait.ge @!p0 [sflag:s8], $0x0  }
0x24: {  	s3 =	sadd.s32 $0x88, s3;
	s6 =	simm.s32 @!p1 $0x1082;
	[sflag:s4] =	ssyncset.s32 $0xFFFFF086  }
0x25: {  	[simem:s6], [sflag:s4] =	dma.local [hbm:s3], $0xF7A  }
0x26: {  	[smem:$0x3F99] =	sst s1;
	(tag) =	ssettag s2;
	_ =	strace s9  }
0x27: {  	s1 =	sld [smem:$0x3FA9]  }
0x28: {  	s2 =	sld [smem:$0x3FAA]  }
0x29: {  	s4 =	sld [smem:$0x3FAC]  }
0x2a: {  	p0 =	seq.s32 s5, $0x0;
	s5 =	sld [smem:$0x3FAD]  }
0x2b: {  	s6 =	sld [smem:$0x3FAE]  }
0x2c: {  	s7 =	sld [smem:$0x3FAF]  }
0x2d: {  	s3 =	simm.s32 $0x108;
	s8 =	sld [smem:$0x3FB0]  }
0x2e: {  	s3 =	simm.s32 @!p0 $0x1082;
	s9 =	sld [smem:$0x3FB1]  }
0x2f: {  	lr =	sadd.s32 s0, s3;
	s0 =	sld [smem:$0x3FA8]  }
0x30: {  	s3 =	sld [smem:$0x3FAB]  }
0x31: {  	[smem:$0x3FB4] =	sst s10  }
0x32: {  	s10 =	sld [smem:$0x3FB2];
	_ =	sdelay $0x3  }
0x33: {  	p0 =	seq.s32 s10, $0x1;
	s10 =	sld [smem:$0x3FB4];
	_ =	sdelay $0x3  }
0x34: {  	[smem:$0x3FB4] =	sst s10  }
0x35: {  	s10 =	sld [smem:$0x3FB3];
	_ =	sdelay $0x3  }
0x36: {  	p1 =	seq.s32 s10, $0x1;
	s10 =	sld [smem:$0x3FB4];
	_ =	sdelay $0x3  }
0x37: {  	[smem:$0x3FB4] =	sst s10  }
0x38: {  	s10 =	sld [smem:$0x3FB5]  }
0x39: {  	_ = 	snop;
	(pc) =	sbr.ind lr, $3  }
0x3a: {  	_ = 	snop  }
0x3b: {  	_ = 	snop  }
0x3c: {  	p2 =	seq.s32 s10, $0x1;
	s10 =	sld [smem:$0x3FB4]  }
0x3d: {  	_ =	shalt  }
0x3e: {  	_ =	shalt  }
0x3f: {  	_ =	shalt  }
0x40: {  	_ =	shalt  }
0x41: {  	_ =	shalt  }
0x42: {  	_ =	shalt  }
0x43: {  	_ =	shalt  }
0x44: {  	_ =	shalt  }
0x45: {  	_ =	shalt  }
0x46: {  	_ =	shalt  }
0x47: {  	_ =	shalt  }
0x48: {  	_ =	shalt  }
0x49: {  	_ =	shalt  }
0x4a: {  	_ =	shalt  }
0x4b: {  	_ =	shalt  }
0x4c: {  	_ =	shalt  }
0x4d: {  	_ =	shalt  }
0x4e: {  	_ =	shalt  }
0x4f: {  	_ =	shalt  }
0x50: {  	_ =	shalt  }
0x51: {  	_ =	shalt  }
0x52: {  	_ =	shalt  }
0x53: {  	_ =	shalt  }
0x54: {  	_ =	shalt  }
0x55: {  	_ =	shalt  }
0x56: {  	_ =	shalt  }
0x57: {  	_ =	shalt  }
0x58: {  	_ =	shalt  }
0x59: {  	_ =	shalt  }
0x5a: {  	_ =	shalt  }
0x5b: {  	_ =	shalt  }
0x5c: {  	_ =	shalt  }
0x5d: {  	_ =	shalt  }
0x5e: {  	_ =	shalt  }
0x5f: {  	_ =	shalt  }
0x60: {  	_ =	shalt  }
0x61: {  	_ =	shalt  }
0x62: {  	_ =	shalt  }
0x63: {  	_ =	shalt  }
0x64: {  	_ =	shalt  }
0x65: {  	_ =	shalt  }
0x66: {  	_ =	shalt  }
0x67: {  	_ =	shalt  }
0x68: {  	_ =	shalt  }
0x69: {  	_ =	shalt  }
0x6a: {  	_ =	shalt  }
0x6b: {  	_ =	shalt  }
0x6c: {  	_ =	shalt  }
0x6d: {  	_ =	shalt  }
0x6e: {  	_ =	shalt  }
0x6f: {  	_ =	shalt  }
0x70: {  	_ =	shalt  }
0x71: {  	_ =	shalt  }
0x72: {  	_ =	shalt  }
0x73: {  	_ =	shalt  }
0x74: {  	_ =	shalt  }
0x75: {  	_ =	shalt  }
0x76: {  	_ =	shalt  }
0x77: {  	_ =	shalt  }
0x78: {  	_ =	shalt  }
0x79: {  	_ =	shalt  }
0x7a: {  	_ =	shalt  }
0x7b: {  	_ =	shalt  }
0x7c: {  	_ =	shalt  }
0x7d: {  	_ =	shalt  }
0x7e: {  	_ =	shalt  }
0x7f: {  	_ =	shalt  }
0x80: {  	_ =	shalt  }
0x81: {  	_ =	shalt  }
0x82: {  	_ =	shalt  }
0x83: {  	_ =	shalt  }
0x84: {  	_ =	shalt  }
0x85: {  	_ =	shalt  }
0x86: {  	_ =	shalt  }
0x87: {  	_ =	shalt  }
.Lfunc_end0:
.L_simem_size_0:
called_computation.2_lowered:
.L_overlay_start_0:
0x88: {  	s2 =	sld [smem:$0x3FD9]  }
0x89: {  	s3 =	sld [smem:$0x3FFE];
	_ =	sdelay $0x1  }
0x8a: {  	s1 =	srdreg.scid  }
0x8b: {  	s0 =	sand.u32 $0x1, s1  }
0x8c: {  	s14 =	sshll.u32 s0, $0xA;
	s2 =	sadd.s32 s3, s2  }
0x8d: {  	s2 =	sadd.s32 s2, s14  }
0x8e: {  	[smem:$0x3FC0] =	sst s2  }
0x8f: {  	_ = 	snop  }
0x90: {  	s2 =	sld [smem:$0x3FD0];
	_ =	sdelay $0x2  }
0x91: {  	s15 =	simm.s32 $0xA;
	s4 =	simm.s32 $0x10  }
0x92: {  	[smem:s4], [sflag:s15] =	dma.local [hbm:s2], $0x1  }
0x93: {  	_ =	swait.eq [sflag:s15], $0x1  }
0x94: {  	[sflag:s15] =	ssyncset.done $0x0  }
0x95: {  	s16 =	sld [smem:$0x10];
	[sflag:s15] =	ssyncadd.s32 $0xFFFFFFFF  }
0x96: {  	s17 =	sld [smem:$0x11];
	(tm) =	ssettm $0x1  }
0x97: {  	s18 =	sld [smem:$0x3FFB];
	_ =	sdelay $0x3  }
0x98: {  	_ =	strace s18  }
0x99: {  	s4 =	sld [smem:$0x3FFC];
	_ =	sdelay $0x3  }
0x9a: {  	_ =	strace s4  }
0x9b: {  	s4 =	sld [smem:$0x3FFD];
	_ =	sdelay $0x3  }
0x9c: {  	_ =	strace s4  }
0x9d: {  	_ =	strace $0x8FFFFFFF  }
0x9e: {  	s19 =	sld [smem:$0x3FDB];
	_ =	sdelay $0x1  }
0x9f: {  	s5 =	simm.s32 $_scs_section_size  }
0xa0: {  	s6 =	simm.s32 $_size__tile_overlayer_lowered;
	s7 =	simm.s32 $_tile_overlayer_lowered  }
0xa1: {  	s22 =	simm.s32 $0x1BFF;
	s21 =	sshll.u32 s7, $0x1;
	s4 =	sadd.s32 s5, s19  }
0xa2: {  	s8 =	simm.s32 $0x0;
	s20 =	sshll.u32 s6, $0x1;
	s6 =	sadd.s32 s21, s4  }
0xa3: {  	[timem:s8], [sflag:s22] =	dma.local [hbm:s6], s20  }
0xa4: {  	_ =	swait.ge [sflag:s22], s20  }
0xa5: {  	s5 =	ssub.s32 $0x0, s20;
	[sflag:s22] =	ssyncset.done $0x0  }
0xa6: {  	[sflag:s22] =	ssyncadd.s32 s5;
	_ =	sdelay $0x1  }
0xa7: {  	s23 =	simm.s32 $0x1B8B  }
0xa8: {  	_ =	swait.ge [sflag:s23], $0x1  }
0xa9: {  	[sflag:s23] =	ssyncset.done $0x0  }
0xaa: {  	s25 =	simm.s32 $0x1B8E;
	s24 =	sld [smem:$0x3FFE];
	[sflag:s23] =	ssyncadd.s32 $0xFFFFFFFF  }
0xab: {  	s26 =	simm.s32 $execute0_lowered;
	[smem:$0x3FD2] =	sst s25  }
0xac: {  	s6 =	sshll.u32 s26, $0x1;
	_ =	strace $0x8000004C;
	[dreg:$0x1] =	wrdreg $0xFFFFFFFF  }
0xad: {  	s28 =	simm.s32 $_size_execute0_lowered;
	s4 =	sadd.s32 s4, s6;
	[dreg:$0x0] =	wrdreg $0x0  }
0xae: {  	s6 =	sshll.u32 s28, $0x1;
	[dreg:$0x2] =	wrdreg s4  }
0xaf: {  	[dreg:$0x3] =	wrdreg s6  }
0xb0: {  	[dreg:$0x4] =	wrdreg $0xC0  }
0xb1: {  	_ =	task [dreg:s8], $0x5FFFF  }
0xb2: {  	[dreg:$0x1] =	wrdreg $0xFFFFFFFF  }
0xb3: {  	[dreg:$0x0] =	wrdreg $0x60  }
0xb4: {  	[dreg:$0x2] =	wrdreg s16  }
0xb5: {  	[dreg:$0x3] =	wrdreg s24  }
0xb6: {  	[dreg:$0x4] =	wrdreg s17  }
0xb7: {  	[dreg:$0x5] =	wrdreg $0x130000  }
0xb8: {  	[dreg:$0x6] =	wrdreg $0x90000  }
0xb9: {  	[dreg:$0x7] =	wrdreg $0x9  }
0xba: {  	_ =	task.clear_ibuf [dreg:s8], $0x8FFFF;
	_ =	strace $0x9000004C  }
0xbb: {  	s29 =	simm.s32 $0x9;
	_ =	strace $0x8000004E  }
0xbc: {  	_ =	swait.ge [sflag:s29], $0x1  }
0xbd: {  	[sflag:s29] =	ssyncadd.s32 $0xFFFFFFFF  }
0xbe: {  	_ =	strace $0x9000004E  }
0xbf: {  	_ =	sfence  }
0xc0: {  	s30 =	sld [smem:$0x0];
	_ =	sdelay $0x2  }
0xc1: {  	s31 =	sshll.u32 s1, $0xD;
	s1 =	sshrl.u32 s1, $0x2  }
0xc2: {  	s3 =	sand.u32 $0x4000, s31;
	s1 =	sadd.s32 s1, s30  }
0xc3: {  	s0 =	sor.u32 s3, s0;
	s1 =	sshll.u32 s1, $0x11  }
0xc4: {  	s0 =	sor.u32 s1, s0  }
0xc5: {  	s0 =	sadd.s32 $0x8F2B, s0  }
0xc6: {  	[sflag:s0] =	ssyncadd.remote.s32 $0x1  }
0xc7: {  	_ =	sfence.sel $0xFFFF  }
0xc8: {  	[dreg:$0x0] =	wrdreg $0xFFFFFFFF;
	(pc) =	sbr.abs _section_cstart, $3  }
0xc9: {  	[dreg:$0x1] =	wrdreg $0xFFFFFFFF  }
0xca: {  	_ =	task.clear_ibuf [dreg:s8], $0x2FFFF;
	_ =	strace $0x9FFFFFFF  }
0xcb: {  	(tm) =	ssettm $0x7FFFFFFF  }
tec
execute0_lowered:
.L_overlay_start_1:
0x0: {  	(tag) =	ssettag $0x1  }
0x1: {  	s6 =	rddreg [dreg:$0x0]  }
0x2: {  	s7 =	rddreg [dreg:$0x1]  }
0x3: {  	s1 =	rddreg [dreg:$0x2]  }
0x4: {  	s3 =	rddreg [dreg:$0x3]  }
0x5: {  	s4 =	rddreg [dreg:$0x4]  }
0x6: {  	s0 =	rddreg [dreg:$0x5];
	s8 =	srdreg.scid  }
0x7: {  	s2 =	stileid.u32;
	s5 =	simm.s32 $0x0;
	s18 =	simm.s32 $0x3  }
0x8: {  	s19 =	simm.s32 $0x5000;
	s20 =	simm.s32 $0x2800;
	s21 =	simm.s32 $0x80  }
0x9: {  	s22 =	simm.s32 $0x7000;
	s23 =	simm.s32 $0x1;
	s24 =	simm.s32 $0x2  }
0xa: {  	s25 =	simm.s32 $0x4F00;
	s28 =	simm.s32 $0x0;
	s9 =	smul.u32 $0xA000, s2  }
0xb: {  	s8 =	sand.u32 $0x1, s8;
	[smem:$0x7FF] =	sst s5;
	s13 =	smul.u32 $0x28000, s2  }
0xc: {  	s30 =	sshll.u32 s2, $0x6;
	s10 =	sshll.u32 s8, $0x4;
	s11 =	smul.u32 $0xA0000, s8  }
0xd: {  	_ =	strace $0x8000004D;
	s8 =	ssub.s32 $0x2, s8;
	s10 =	sor.u32 s2, s10  }
0xe: {  	s12 =	sshrl.u32 s8, $0x1;
	s17 =	sadd.s32 s9, s3;
	s26 =	sshrl.u32 s9, $0x3  }
0xf: {  	s29 =	sshrl.u32 s13, $0x2;
	s10 =	smul.u32 $0x500, s10;
	s11 =	sadd.s32 s9, s11  }
0x10: {  	s16 =	ssub.s32 s8, s12;
	s6 =	sadd.s32 s6, s26;
	s31 =	sadd.s32 s29, s4  }
0x11: {  	s8 =	sadd.s32 s9, s4;
	s17 =	sshrl.u32 s17, $0x3;
	s26 =	simm.s32 $0x4F80  }
0x12: {  	s11 =	sshrl.u32 s11, $0x3;
	s9 =	sadd.s32 $0x2000, s31;
	s12 =	sadd.s32 $0x8000, s31  }
0x13: {  	s16 =	smax.u32 s16, $0x1;
	s14 =	sadd.s32 s10, s7;
	s15 =	sadd.s32 s11, s7  }
0x14: {  	s7 =	sor.u32 $0x1C03, s30;
	s10 =	sadd.s32 $0x4000, s31;
	s11 =	sadd.s32 $0x6000, s31  }
0x15: {  	s13 =	sadd.s32 $0x16C00, s14;
	s14 =	sadd.s32 $0xCC00, s14;
	s15 =	sadd.s32 $0x48C00, s15  }
.LBB2_1:
0x16: {  	[spmem:s17], [sflag:s7] =	dma.local [hbm:s6], $0x1400  }
0x17: {  	_ =	swait.ge [sflag:s18], $0x1400  }
0x18: {  	[sflag:s18] =	ssyncset.done $0x0  }
0x19: {  	[sflag:s18] =	ssyncadd.s32 $0xFFFFEC00  }
0x1a: {  	[tilespmem:s19], [sflag:$0x3] =	stream.linear.gather [hbm4b:s1+s5], $0x2000, $0x38;
	[tilespmem:$0x1D000] =	vst v63  }
0x1b: {  	_ =	swait.ge [sflag:s18], $0x2000  }
0x1c: {  	[sflag:s18] =	ssyncset.done $0x0  }
0x1d: {  	[sflag:s18] =	ssyncadd.s32 $0xFFFFE000  }
0x1e: {  	[spmem:s8] =	stream.linear.scatter [tilespmem:s19], [sflag:$0x3], $0x2000, $0x38;
	[tilespmem:$0x1D000] =	vst v63  }
0x1f: {  	_ =	swait.ge [sflag:s18], $0x2000  }
0x20: {  	[sflag:s18] =	ssyncset.done $0x0  }
0x21: {  	[sflag:s18] =	ssyncadd.s32 $0xFFFFE000  }
0x22: {  	[spmem:s9] =	stream.linear.scatter [tilespmem:s19], [sflag:$0x3], $0x2000, $0x38;
	[tilespmem:$0x1D000] =	vst v63  }
0x23: {  	_ =	swait.ge [sflag:s18], $0x2000  }
0x24: {  	[sflag:s18] =	ssyncset.done $0x0  }
0x25: {  	[sflag:s18] =	ssyncadd.s32 $0xFFFFE000  }
0x26: {  	[spmem:s10] =	stream.linear.scatter [tilespmem:s19], [sflag:$0x3], $0x2000, $0x38;
	[tilespmem:$0x1D000] =	vst v63  }
0x27: {  	_ =	swait.ge [sflag:s18], $0x2000  }
0x28: {  	[sflag:s18] =	ssyncset.done $0x0  }
0x29: {  	[sflag:s18] =	ssyncadd.s32 $0xFFFFE000  }
0x2a: {  	[spmem:s11] =	stream.linear.scatter [tilespmem:s19], [sflag:$0x3], $0x2000, $0x38;
	[tilespmem:$0x1D000] =	vst v63  }
0x2b: {  	_ =	swait.ge [sflag:s18], $0x2000  }
0x2c: {  	[sflag:s18] =	ssyncset.done $0x0  }
0x2d: {  	[sflag:s18] =	ssyncadd.s32 $0xFFFFE000  }
0x2e: {  	[spmem:s12] =	stream.linear.scatter [tilespmem:s19], [sflag:$0x3], $0x2000, $0x38;
	[tilespmem:$0x1D000] =	vst v63  }
0x2f: {  	_ =	swait.ge [sflag:s18], $0x2000  }
0x30: {  	[sflag:s18] =	ssyncset.done $0x0  }
0x31: {  	[sflag:s18] =	ssyncadd.s32 $0xFFFFE000  }
0x32: {  	[bflag:$0x0] =	sbarrier.arrive $0xFFFF  }
0x33: {  	[tilespmem:s5], [sflag:$0x3] =	stream.linear.gather [hbm4b:s13+s5], $0x2800, $0x38;
	[tilespmem:$0x1D000] =	vst v63  }
0x34: {  	_ =	swait.ge [sflag:s18], $0x2800  }
0x35: {  	[sflag:s18] =	ssyncset.done $0x0  }
0x36: {  	[sflag:s18] =	ssyncadd.s32 $0xFFFFD800  }
0x37: {  	[tilespmem:s20], [sflag:$0x3] =	stream.linear.gather [hbm4b:s14+s5], $0x2800, $0x38;
	[tilespmem:$0x1D000] =	vst v63  }
0x38: {  	_ =	swait.ge [sflag:s18], $0x2800  }
0x39: {  	[sflag:s18] =	ssyncset.done $0x0  }
0x3a: {  	[sflag:s18] =	ssyncadd.s32 $0xFFFFD800  }
0x3b: {  	[tilespmem:s19], [sflag:$0x1] =	stream.indirect.gather [spmem:s3], $0x40, s5, s21, $0xb8;
	[tilespmem:$0x1D000] =	vst v63  }
0x3c: {  	_ = 	snop  }
0x3d: {  	[tilespmem:s22], [sflag:$0x2] =	stream.indirect.gather [spmem:s3], $0x40, s21, s21, $0xb8;
	[tilespmem:$0x1D000] =	vst v63  }
0x3e: {  	_ =	swait.ge [sflag:s23], $0x2000  }
0x3f: {  	[sflag:s23] =	ssyncset.done $0x0  }
0x40: {  	s29 =	simm.s32 $0x2800;
	[sflag:s23] =	ssyncadd.s32 $0xFFFFE000  }
0x41: {  	[spmem:s4] =	stream.indirect.scatter.add.f32 [tilespmem:s19], [sflag:$0x3], $0x40, s29, s21, $0xb8;
	[tilespmem:$0x1D000] =	vst v63  }
0x42: {  	_ =	swait.ge [sflag:s18], $0x2000  }
0x43: {  	[sflag:s18] =	ssyncset.done $0x0  }
0x44: {  	s29 =	simm.s32 $0x100;
	[sflag:s18] =	ssyncadd.s32 $0xFFFFE000  }
0x45: {  	[tilespmem:s19], [sflag:$0x1] =	stream.indirect.gather [spmem:s3], $0x40, s29, s21, $0xb8;
	[tilespmem:$0x1D000] =	vst v63  }
0x46: {  	_ =	swait.ge [sflag:s24], $0x2000  }
0x47: {  	[sflag:s24] =	ssyncset.done $0x0  }
0x48: {  	s29 =	simm.s32 $0x2880;
	[sflag:s24] =	ssyncadd.s32 $0xFFFFE000  }
0x49: {  	[spmem:s4] =	stream.indirect.scatter.add.f32 [tilespmem:s22], [sflag:$0x3], $0x40, s29, s21, $0xb8;
	[tilespmem:$0x1D000] =	vst v63  }
0x4a: {  	_ =	swait.ge [sflag:s18], $0x2000  }
0x4b: {  	[sflag:s18] =	ssyncset.done $0x0  }
0x4c: {  	s30 =	simm.s32 $0x180;
	s29 =	simm.s32 $0x400;
	[sflag:s18] =	ssyncadd.s32 $0xFFFFE000  }
.LBB2_2:
0x4d: {  	[tilespmem:s22], [sflag:$0x2] =	stream.indirect.gather [spmem:s3], $0x40, s30, s21, $0xb8;
	[tilespmem:$0x1D000] =	vst v63  }
0x4e: {  	s30 =	smov.u32 s29  }
0x4f: {  	p0 =	sne.s32 s29, $0x9800;
	s29 =	sadd.s32 $0x400, s29;
	_ =	swait.ge [sflag:s23], $0x2000  }
0x50: {  	s30 =	sshra.s32 s30, $0x2;
	[sflag:s23] =	ssyncset.done $0x0  }
0x51: {  	s31 =	sadd.s32 $0x2800, s30;
	[sflag:s23] =	ssyncadd.s32 $0xFFFFE000  }
0x52: {  	[spmem:s4] =	stream.indirect.scatter.add.f32 [tilespmem:s19], [sflag:$0x3], $0x40, s31, s21, $0xb8;
	[tilespmem:$0x1D000] =	vst v63  }
0x53: {  	_ =	swait.ge [sflag:s18], $0x2000  }
0x54: {  	[sflag:s18] =	ssyncset.done $0x0  }
0x55: {  	s31 =	sadd.s32 $0x100, s30;
	[sflag:s18] =	ssyncadd.s32 $0xFFFFE000  }
0x56: {  	[tilespmem:s19], [sflag:$0x1] =	stream.indirect.gather [spmem:s3], $0x40, s31, s21, $0xb8;
	[tilespmem:$0x1D000] =	vst v63  }
0x57: {  	_ =	swait.ge [sflag:s24], $0x2000  }
0x58: {  	[sflag:s24] =	ssyncset.done $0x0  }
.Ltmp0:
0x59: {  	s31 =	sadd.s32 $0x2880, s30;
	[sflag:s24] =	ssyncadd.s32 $0xFFFFE000;
	(pc) =	sbr.rel @p0 .LBB2_2-.Ltmp0, $4  }
0x5a: {  	[spmem:s4] =	stream.indirect.scatter.add.f32 [tilespmem:s22], [sflag:$0x3], $0x40, s31, s21, $0xb8;
	[tilespmem:$0x1D000] =	vst v63  }
0x5b: {  	_ =	swait.ge [sflag:s18], $0x2000  }
0x5c: {  	[sflag:s18] =	ssyncset.done $0x0  }
0x5d: {  	s30 =	sadd.s32 $0x180, s30;
	[sflag:s18] =	ssyncadd.s32 $0xFFFFE000  }
0x5e: {  	[tilespmem:s22], [sflag:$0x2] =	stream.indirect.gather [spmem:s3], $0x40, s30, s21, $0xb8;
	[tilespmem:$0x1D000] =	vst v63  }
0x5f: {  	_ =	swait.ge [sflag:s23], $0x2000  }
0x60: {  	[sflag:s23] =	ssyncset.done $0x0  }
0x61: {  	[sflag:s23] =	ssyncadd.s32 $0xFFFFE000  }
0x62: {  	[spmem:s4] =	stream.indirect.scatter.add.f32 [tilespmem:s19], [sflag:$0x3], $0x40, s25, s21, $0xb8;
	[tilespmem:$0x1D000] =	vst v63  }
0x63: {  	_ =	swait.ge [sflag:s18], $0x2000  }
0x64: {  	[sflag:s18] =	ssyncset.done $0x0  }
0x65: {  	[sflag:s18] =	ssyncadd.s32 $0xFFFFE000  }
0x66: {  	_ =	swait.ge [sflag:s24], $0x2000  }
0x67: {  	[sflag:s24] =	ssyncset.done $0x0  }
0x68: {  	[sflag:s24] =	ssyncadd.s32 $0xFFFFE000  }
0x69: {  	[spmem:s4] =	stream.indirect.scatter.add.f32 [tilespmem:s22], [sflag:$0x3], $0x40, s26, s21, $0xb8;
	[tilespmem:$0x1D000] =	vst v63  }
0x6a: {  	_ =	swait.ge [sflag:s18], $0x2000  }
0x6b: {  	s28 =	sadd.s32 $0x1, s28;
	[sflag:s18] =	ssyncset.done $0x0  }
0x6c: {  	p0 =	sne.s32 s28, s16;
	[sflag:s18] =	ssyncadd.s32 $0xFFFFE000  }
.Ltmp1:
0x6d: {  	s29 =	sshrl.u32 s8, $0x3;
	[bflag:$0x0] =	sbarrier.arrive $0xFFFF;
	(pc) =	sbr.rel @p0 .LBB2_1-.Ltmp1, $4  }
0x6e: {  	[hbm:s15], [sflag:s7] =	dma.local [spmem:s29], $0x1400  }
0x6f: {  	_ =	swait.ge [sflag:s18], $0x1400  }
0x70: {  	[sflag:s18] =	ssyncset.done $0x0  }
0x71: {  	[sflag:s18] =	ssyncadd.s32 $0xFFFFEC00  }
0x72: {  	_ =	sfence.sel $0x180000  }
0x73: {  	[bflag:$0x0] =	sbarrier.arrive $0xFFFF  }
0x74: {  	p0 =	sne.s32 s2, $0x0;
	_ =	strace $0x9000004D  }
0x75: {  	s0 =	sadd.s32 @!p0 $0x100000, s0;
	[bflag:$0x2] =	sbarrier.arrive $0xFFFF  }
0x76: {  	[sflag:s0] =	ssyncadd.tile.s32 @!p0 $0x1;
	_ =	shalt  }
.Lfunc_end2:
_tile_overlayer_lowered:
.L_overlay_start_2:
0x77: {  	(tag) =	ssettag $0x2  }
0x78: {  	s0 =	rddreg [dreg:$0x0];
	s2 =	stileid.u32  }
0x79: {  	s1 =	rddreg [dreg:$0x1];
	p0 =	sne.s32 s2, $0x0  }
0x7a: {  	s3 =	rddreg [dreg:$0x2];
	[bflag:$0x3] =	sbarrier.arrive $0xFFFF;
	s2 =	simm.s32 @!p0 $0x1C03  }
0x7b: {  	[timem:s3], [sflag:s2] =	dma.local @!p0 [hbm:s0], s1  }
0x7c: {  	s0 =	simm.s32 @!p0 $0x3  }
0x7d: {  	_ =	swait.ge @!p0 [sflag:s0], s1  }
0x7e: {  	s1 =	ssub.s32 @!p0 $0x0, s1;
	[sflag:s0] =	ssyncset.done @!p0 $0x0  }
0x7f: {  	[sflag:s0] =	ssyncadd.s32 @!p0 s1  }
0x80: {  	[bflag:$0x3] =	sbarrier.arrive $0xFFFF  }
0x81: {  	_ =	shalt  }

// kernel: kernel.21.cloned.1.call-start
scs
__scs_entry_jumppad:
0x0: {  	(pc) =	sbr.rel $0x88, $3  }
0x1: {  	(tag) =	ssettag $0x0;
	lr =	simm.s32 $0x1  }
0x2: {  	[smem:$0x3F99] =	sst lr;
	_ =	strace $0xD0000000  }
0x3: {  	_ = 	snop  }
0x4: {  	_ = 	snop  }
0x5: {  	_ = 	snop  }
0x6: {  	_ = 	snop  }
0x7: {  	_ = 	snop  }
__scs_overlays_trampoline_lowered:
0x8: {  	[smem:$0x3FA8] =	sst s0  }
0x9: {  	[smem:$0x3FA9] =	sst s1  }
0xa: {  	[smem:$0x3FAA] =	sst s2  }
0xb: {  	[smem:$0x3FAB] =	sst s3  }
0xc: {  	[smem:$0x3FAC] =	sst s4  }
0xd: {  	[smem:$0x3FAD] =	sst s5  }
0xe: {  	[smem:$0x3FAE] =	sst s6  }
0xf: {  	[smem:$0x3FAF] =	sst s7  }
0x10: {  	[smem:$0x3FB0] =	sst s8  }
0x11: {  	[smem:$0x3FB1] =	sst s9;
	s0 =	simm.s32 @!p0 $0x0  }
0x12: {  	s1 =	sld [smem:$0x3F97];
	s0 =	simm.s32 @p0 $0x1  }
0x13: {  	[smem:$0x3FB2] =	sst s0;
	s0 =	simm.s32 @!p1 $0x0  }
0x14: {  	s2 =	sld [smem:$0x3F96];
	s0 =	simm.s32 @p1 $0x1  }
0x15: {  	[smem:$0x3FB3] =	sst s0;
	s0 =	simm.s32 @!p2 $0x0  }
0x16: {  	s3 =	sld [smem:$0x3FDB];
	s0 =	simm.s32 @p2 $0x1  }
0x17: {  	s4 =	simm.s32 $0x1BF5;
	[smem:$0x3FB5] =	sst s0  }
0x18: {  	s0 =	sld [smem:$0x3F98];
	_ =	swait.ge [sflag:s4], $0x0  }
0x19: {  	s7 =	sld [smem:$0x3F99]  }
0x1a: {  	s8 =	sadd.s32 $0xFFFFE003, lr  }
0x1b: {  	s9 =	sadd.s32 $0xFFFFFEF7, lr;
	s5 =	simm.s32 $0xFFFFFFFF;
	p2 =	slt.u32 s8, $0xFFFFF086  }
0x1c: {  	p1 =	slt.u32 s9, $0xF7A;
	s5 =	simm.s32 @!p2 $0x0  }
0x1d: {  	s5 =	simm.s32 @p1 $0x1;
	p0 =	seq.s32 s7, s2  }
0x1e: {  	s7 =	smul.u32 @!p0 $0xF7A, s2;
	p2 =	seq.s32 @!p0 s5, $0x0  }
0x1f: {  	s9 =	smul.u32 $0xF7A, s1;
	s8 =	simm.s32 @!p0 $0x1BF5;
	p2 =	por !p2, p0  }
0x20: {  	[sflag:s8] =	ssyncset.s32 @!p0 $0xFFFFF086;
	s6 =	sadd.s32 @!p0 s3, s7;
	s7 =	simm.s32 @!p0 $0x108  }
0x21: {  	s3 =	sadd.s32 s3, s9;
	s6 =	sadd.s32 @!p0 $0x88, s6;
	s7 =	simm.s32 @p2 $0x1082  }
0x22: {  	[simem:s7], [sflag:s8] =	dma.local @!p0 [hbm:s6], $0xF7A  }
0x23: {  	s9 =	sor.u32 $0xD0000000, s2;
	s6 =	simm.s32 $0x108;
	_ =	swait.ge @!p0 [sflag:s8], $0x0  }
0x24: {  	s3 =	sadd.s32 $0x88, s3;
	s6 =	simm.s32 @!p1 $0x1082;
	[sflag:s4] =	ssyncset.s32 $0xFFFFF086  }
0x25: {  	[simem:s6], [sflag:s4] =	dma.local [hbm:s3], $0xF7A  }
0x26: {  	[smem:$0x3F99] =	sst s1;
	(tag) =	ssettag s2;
	_ =	strace s9  }
0x27: {  	s1 =	sld [smem:$0x3FA9]  }
0x28: {  	s2 =	sld [smem:$0x3FAA]  }
0x29: {  	s4 =	sld [smem:$0x3FAC]  }
0x2a: {  	p0 =	seq.s32 s5, $0x0;
	s5 =	sld [smem:$0x3FAD]  }
0x2b: {  	s6 =	sld [smem:$0x3FAE]  }
0x2c: {  	s7 =	sld [smem:$0x3FAF]  }
0x2d: {  	s3 =	simm.s32 $0x108;
	s8 =	sld [smem:$0x3FB0]  }
0x2e: {  	s3 =	simm.s32 @!p0 $0x1082;
	s9 =	sld [smem:$0x3FB1]  }
0x2f: {  	lr =	sadd.s32 s0, s3;
	s0 =	sld [smem:$0x3FA8]  }
0x30: {  	s3 =	sld [smem:$0x3FAB]  }
0x31: {  	[smem:$0x3FB4] =	sst s10  }
0x32: {  	s10 =	sld [smem:$0x3FB2];
	_ =	sdelay $0x3  }
0x33: {  	p0 =	seq.s32 s10, $0x1;
	s10 =	sld [smem:$0x3FB4];
	_ =	sdelay $0x3  }
0x34: {  	[smem:$0x3FB4] =	sst s10  }
0x35: {  	s10 =	sld [smem:$0x3FB3];
	_ =	sdelay $0x3  }
0x36: {  	p1 =	seq.s32 s10, $0x1;
	s10 =	sld [smem:$0x3FB4];
	_ =	sdelay $0x3  }
0x37: {  	[smem:$0x3FB4] =	sst s10  }
0x38: {  	s10 =	sld [smem:$0x3FB5]  }
0x39: {  	_ = 	snop;
	(pc) =	sbr.ind lr, $3  }
0x3a: {  	_ = 	snop  }
0x3b: {  	_ = 	snop  }
0x3c: {  	p2 =	seq.s32 s10, $0x1;
	s10 =	sld [smem:$0x3FB4]  }
0x3d: {  	_ =	shalt  }
0x3e: {  	_ =	shalt  }
0x3f: {  	_ =	shalt  }
0x40: {  	_ =	shalt  }
0x41: {  	_ =	shalt  }
0x42: {  	_ =	shalt  }
0x43: {  	_ =	shalt  }
0x44: {  	_ =	shalt  }
0x45: {  	_ =	shalt  }
0x46: {  	_ =	shalt  }
0x47: {  	_ =	shalt  }
0x48: {  	_ =	shalt  }
0x49: {  	_ =	shalt  }
0x4a: {  	_ =	shalt  }
0x4b: {  	_ =	shalt  }
0x4c: {  	_ =	shalt  }
0x4d: {  	_ =	shalt  }
0x4e: {  	_ =	shalt  }
0x4f: {  	_ =	shalt  }
0x50: {  	_ =	shalt  }
0x51: {  	_ =	shalt  }
0x52: {  	_ =	shalt  }
0x53: {  	_ =	shalt  }
0x54: {  	_ =	shalt  }
0x55: {  	_ =	shalt  }
0x56: {  	_ =	shalt  }
0x57: {  	_ =	shalt  }
0x58: {  	_ =	shalt  }
0x59: {  	_ =	shalt  }
0x5a: {  	_ =	shalt  }
0x5b: {  	_ =	shalt  }
0x5c: {  	_ =	shalt  }
0x5d: {  	_ =	shalt  }
0x5e: {  	_ =	shalt  }
0x5f: {  	_ =	shalt  }
0x60: {  	_ =	shalt  }
0x61: {  	_ =	shalt  }
0x62: {  	_ =	shalt  }
0x63: {  	_ =	shalt  }
0x64: {  	_ =	shalt  }
0x65: {  	_ =	shalt  }
0x66: {  	_ =	shalt  }
0x67: {  	_ =	shalt  }
0x68: {  	_ =	shalt  }
0x69: {  	_ =	shalt  }
0x6a: {  	_ =	shalt  }
0x6b: {  	_ =	shalt  }
0x6c: {  	_ =	shalt  }
0x6d: {  	_ =	shalt  }
0x6e: {  	_ =	shalt  }
0x6f: {  	_ =	shalt  }
0x70: {  	_ =	shalt  }
0x71: {  	_ =	shalt  }
0x72: {  	_ =	shalt  }
0x73: {  	_ =	shalt  }
0x74: {  	_ =	shalt  }
0x75: {  	_ =	shalt  }
0x76: {  	_ =	shalt  }
0x77: {  	_ =	shalt  }
0x78: {  	_ =	shalt  }
0x79: {  	_ =	shalt  }
0x7a: {  	_ =	shalt  }
0x7b: {  	_ =	shalt  }
0x7c: {  	_ =	shalt  }
0x7d: {  	_ =	shalt  }
0x7e: {  	_ =	shalt  }
0x7f: {  	_ =	shalt  }
0x80: {  	_ =	shalt  }
0x81: {  	_ =	shalt  }
0x82: {  	_ =	shalt  }
0x83: {  	_ =	shalt  }
0x84: {  	_ =	shalt  }
0x85: {  	_ =	shalt  }
0x86: {  	_ =	shalt  }
0x87: {  	_ =	shalt  }
.Lfunc_end0:
.L_simem_size_0:
called_computation.3_lowered:
.L_overlay_start_0:
0x88: {  	s2 =	sld [smem:$0x3FD9]  }
0x89: {  	s3 =	sld [smem:$0x3FFE];
	_ =	sdelay $0x1  }
0x8a: {  	s1 =	srdreg.scid  }
0x8b: {  	s0 =	sand.u32 $0x1, s1  }
0x8c: {  	s14 =	sshll.u32 s0, $0xA;
	s2 =	sadd.s32 s3, s2  }
0x8d: {  	s2 =	sadd.s32 s2, s14  }
0x8e: {  	[smem:$0x3FC0] =	sst s2  }
0x8f: {  	_ = 	snop  }
0x90: {  	s2 =	sld [smem:$0x3FD0];
	_ =	sdelay $0x2  }
0x91: {  	s15 =	simm.s32 $0xA;
	s4 =	simm.s32 $0x10  }
0x92: {  	[smem:s4], [sflag:s15] =	dma.local [hbm:s2], $0x1  }
0x93: {  	_ =	swait.eq [sflag:s15], $0x1  }
0x94: {  	[sflag:s15] =	ssyncset.done $0x0  }
0x95: {  	s16 =	sld [smem:$0x10];
	[sflag:s15] =	ssyncadd.s32 $0xFFFFFFFF  }
0x96: {  	s17 =	sld [smem:$0x11];
	(tm) =	ssettm $0x1  }
0x97: {  	s18 =	sld [smem:$0x3FFB];
	_ =	sdelay $0x3  }
0x98: {  	_ =	strace s18  }
0x99: {  	s4 =	sld [smem:$0x3FFC];
	_ =	sdelay $0x3  }
0x9a: {  	_ =	strace s4  }
0x9b: {  	s4 =	sld [smem:$0x3FFD];
	_ =	sdelay $0x3  }
0x9c: {  	_ =	strace s4  }
0x9d: {  	_ =	strace $0x8FFFFFFF  }
0x9e: {  	s19 =	sld [smem:$0x3FDB];
	_ =	sdelay $0x1  }
0x9f: {  	s5 =	simm.s32 $_scs_section_size  }
0xa0: {  	s6 =	simm.s32 $_size__tile_overlayer_lowered;
	s7 =	simm.s32 $_tile_overlayer_lowered  }
0xa1: {  	s22 =	simm.s32 $0x1BFF;
	s21 =	sshll.u32 s7, $0x1;
	s4 =	sadd.s32 s5, s19  }
0xa2: {  	s8 =	simm.s32 $0x0;
	s20 =	sshll.u32 s6, $0x1;
	s6 =	sadd.s32 s21, s4  }
0xa3: {  	[timem:s8], [sflag:s22] =	dma.local [hbm:s6], s20  }
0xa4: {  	_ =	swait.ge [sflag:s22], s20  }
0xa5: {  	s5 =	ssub.s32 $0x0, s20;
	[sflag:s22] =	ssyncset.done $0x0  }
0xa6: {  	[sflag:s22] =	ssyncadd.s32 s5;
	_ =	sdelay $0x1  }
0xa7: {  	s23 =	simm.s32 $0x1B8B  }
0xa8: {  	_ =	swait.ge [sflag:s23], $0x1  }
0xa9: {  	[sflag:s23] =	ssyncset.done $0x0  }
0xaa: {  	s25 =	simm.s32 $0x1B8E;
	s24 =	sld [smem:$0x3FFE];
	[sflag:s23] =	ssyncadd.s32 $0xFFFFFFFF  }
0xab: {  	s26 =	simm.s32 $execute0_lowered;
	[smem:$0x3FD2] =	sst s25  }
0xac: {  	s6 =	sshll.u32 s26, $0x1;
	_ =	strace $0x8000004F;
	[dreg:$0x1] =	wrdreg $0xFFFFFFFF  }
0xad: {  	s28 =	simm.s32 $_size_execute0_lowered;
	s4 =	sadd.s32 s4, s6;
	[dreg:$0x0] =	wrdreg $0x0  }
0xae: {  	s6 =	sshll.u32 s28, $0x1;
	[dreg:$0x2] =	wrdreg s4  }
0xaf: {  	[dreg:$0x3] =	wrdreg s6  }
0xb0: {  	[dreg:$0x4] =	wrdreg $0xC0  }
0xb1: {  	_ =	task [dreg:s8], $0x5FFFF  }
0xb2: {  	[dreg:$0x1] =	wrdreg $0xFFFFFFFF  }
0xb3: {  	[dreg:$0x0] =	wrdreg $0x60  }
0xb4: {  	[dreg:$0x2] =	wrdreg s24  }
0xb5: {  	[dreg:$0x3] =	wrdreg s17  }
0xb6: {  	[dreg:$0x4] =	wrdreg s16  }
0xb7: {  	[dreg:$0x5] =	wrdreg $0xC0000  }
0xb8: {  	[dreg:$0x6] =	wrdreg $0x70000  }
0xb9: {  	[dreg:$0x7] =	wrdreg $0x9  }
0xba: {  	_ =	task.clear_ibuf [dreg:s8], $0x8FFFF;
	_ =	strace $0x9000004F  }
0xbb: {  	s29 =	simm.s32 $0x9;
	_ =	strace $0x80000051  }
0xbc: {  	_ =	swait.ge [sflag:s29], $0x1  }
0xbd: {  	[sflag:s29] =	ssyncadd.s32 $0xFFFFFFFF  }
0xbe: {  	_ =	strace $0x90000051  }
0xbf: {  	_ =	sfence  }
0xc0: {  	s30 =	sld [smem:$0x0];
	_ =	sdelay $0x2  }
0xc1: {  	s31 =	sshll.u32 s1, $0xD;
	s1 =	sshrl.u32 s1, $0x2  }
0xc2: {  	s3 =	sand.u32 $0x4000, s31;
	s1 =	sadd.s32 s1, s30  }
0xc3: {  	s0 =	sor.u32 s3, s0;
	s1 =	sshll.u32 s1, $0x11  }
0xc4: {  	s0 =	sor.u32 s1, s0  }
0xc5: {  	s0 =	sadd.s32 $0x8F2B, s0  }
0xc6: {  	[sflag:s0] =	ssyncadd.remote.s32 $0x1  }
0xc7: {  	_ =	sfence.sel $0xFFFF  }
0xc8: {  	[dreg:$0x0] =	wrdreg $0xFFFFFFFF;
	(pc) =	sbr.abs _section_cstart, $3  }
0xc9: {  	[dreg:$0x1] =	wrdreg $0xFFFFFFFF  }
0xca: {  	_ =	task.clear_ibuf [dreg:s8], $0x2FFFF;
	_ =	strace $0x9FFFFFFF  }
0xcb: {  	(tm) =	ssettm $0x7FFFFFFF  }
tec
execute0_lowered:
.L_overlay_start_1:
0x0: {  	(tag) =	ssettag $0x1  }
0x1: {  	s6 =	rddreg [dreg:$0x0]  }
0x2: {  	s1 =	rddreg [dreg:$0x1]  }
0x3: {  	s15 =	rddreg [dreg:$0x2]  }
0x4: {  	s2 =	srdreg.scid;
	s3 =	rddreg [dreg:$0x3]  }
0x5: {  	s0 =	stileid.u32;
	s4 =	rddreg [dreg:$0x4]  }
0x6: {  	s5 =	simm.s32 $0x0;
	s19 =	simm.s32 $0x5000;
	s20 =	simm.s32 $0x2800  }
0x7: {  	s21 =	simm.s32 $0x80;
	s22 =	simm.s32 $0x6000;
	s23 =	simm.s32 $0x1  }
0x8: {  	s24 =	simm.s32 $0x2;
	s25 =	simm.s32 $0x4F00;
	s28 =	simm.s32 $0x0  }
0x9: {  	s7 =	sand.u32 $0x1, s2;
	s11 =	smul.u32 $0x5000, s0;
	s2 =	rddreg [dreg:$0x5]  }
0xa: {  	[smem:$0x7FF] =	sst s5;
	s29 =	smul.u32 $0x14000, s0;
	s30 =	sshll.u32 s0, $0x6  }
0xb: {  	s8 =	sshll.u32 s7, $0x4;
	_ =	strace $0x80000050;
	s10 =	ssub.s32 $0x2, s7  }
0xc: {  	s12 =	smul.u32 $0x50000, s7;
	s7 =	sor.u32 $0x1C03, s30;
	s8 =	sor.u32 s0, s8  }
0xd: {  	s9 =	sshrl.u32 s11, $0x3;
	s26 =	sshrl.u32 s10, $0x1;
	s17 =	sadd.s32 s11, s3  }
0xe: {  	s31 =	sshrl.u32 s29, $0x2;
	s8 =	smul.u32 $0x500, s8;
	s9 =	sadd.s32 s9, s6  }
0xf: {  	s16 =	ssub.s32 s10, s26;
	s13 =	sadd.s32 s31, s4;
	s18 =	sadd.s32 s11, s12  }
0x10: {  	s17 =	sshrl.u32 s17, $0x3;
	s26 =	simm.s32 $0x4F80;
	s10 =	sadd.s32 $0x2000, s13  }
0x11: {  	s12 =	sadd.s32 $0x4000, s13;
	s18 =	sshrl.u32 s18, $0x3;
	s16 =	smax.u32 s16, $0x1  }
0x12: {  	s14 =	sadd.s32 s8, s6;
	s6 =	sadd.s32 $0x2C00, s9;
	s8 =	sadd.s32 s11, s4  }
0x13: {  	s9 =	sadd.s32 $0x1000, s13;
	s11 =	sadd.s32 $0x3000, s13;
	s15 =	sadd.s32 s15, s18  }
0x14: {  	s18 =	simm.s32 $0x3;
	s13 =	sadd.s32 $0x16C00, s14;
	s14 =	sadd.s32 $0xCC00, s14  }
.LBB2_1:
0x15: {  	[spmem:s17], [sflag:s7] =	dma.local [hbm:s6], $0xA00  }
0x16: {  	_ =	swait.ge [sflag:s18], $0xA00  }
0x17: {  	[sflag:s18] =	ssyncset.done $0x0  }
0x18: {  	[sflag:s18] =	ssyncadd.s32 $0xFFFFF600  }
0x19: {  	[tilespmem:s19], [sflag:$0x3] =	stream.linear.gather [hbm4b:s1+s5], $0x1000, $0x38;
	[tilespmem:$0x11000] =	vst v63  }
0x1a: {  	_ =	swait.ge [sflag:s18], $0x1000  }
0x1b: {  	[sflag:s18] =	ssyncset.done $0x0  }
0x1c: {  	[sflag:s18] =	ssyncadd.s32 $0xFFFFF000  }
0x1d: {  	[spmem:s8] =	stream.linear.scatter [tilespmem:s19], [sflag:$0x3], $0x1000, $0x38;
	[tilespmem:$0x11000] =	vst v63  }
0x1e: {  	_ =	swait.ge [sflag:s18], $0x1000  }
0x1f: {  	[sflag:s18] =	ssyncset.done $0x0  }
0x20: {  	[sflag:s18] =	ssyncadd.s32 $0xFFFFF000  }
0x21: {  	[spmem:s9] =	stream.linear.scatter [tilespmem:s19], [sflag:$0x3], $0x1000, $0x38;
	[tilespmem:$0x11000] =	vst v63  }
0x22: {  	_ =	swait.ge [sflag:s18], $0x1000  }
0x23: {  	[sflag:s18] =	ssyncset.done $0x0  }
0x24: {  	[sflag:s18] =	ssyncadd.s32 $0xFFFFF000  }
0x25: {  	[spmem:s10] =	stream.linear.scatter [tilespmem:s19], [sflag:$0x3], $0x1000, $0x38;
	[tilespmem:$0x11000] =	vst v63  }
0x26: {  	_ =	swait.ge [sflag:s18], $0x1000  }
0x27: {  	[sflag:s18] =	ssyncset.done $0x0  }
0x28: {  	[sflag:s18] =	ssyncadd.s32 $0xFFFFF000  }
0x29: {  	[spmem:s11] =	stream.linear.scatter [tilespmem:s19], [sflag:$0x3], $0x1000, $0x38;
	[tilespmem:$0x11000] =	vst v63  }
0x2a: {  	_ =	swait.ge [sflag:s18], $0x1000  }
0x2b: {  	[sflag:s18] =	ssyncset.done $0x0  }
0x2c: {  	[sflag:s18] =	ssyncadd.s32 $0xFFFFF000  }
0x2d: {  	[spmem:s12] =	stream.linear.scatter [tilespmem:s19], [sflag:$0x3], $0x1000, $0x38;
	[tilespmem:$0x11000] =	vst v63  }
0x2e: {  	_ =	swait.ge [sflag:s18], $0x1000  }
0x2f: {  	[sflag:s18] =	ssyncset.done $0x0  }
0x30: {  	[sflag:s18] =	ssyncadd.s32 $0xFFFFF000  }
0x31: {  	[bflag:$0x0] =	sbarrier.arrive $0xFFFF  }
0x32: {  	[tilespmem:s5], [sflag:$0x3] =	stream.linear.gather [hbm4b:s13+s5], $0x2800, $0x38;
	[tilespmem:$0x11000] =	vst v63  }
0x33: {  	_ =	swait.ge [sflag:s18], $0x2800  }
0x34: {  	[sflag:s18] =	ssyncset.done $0x0  }
0x35: {  	[sflag:s18] =	ssyncadd.s32 $0xFFFFD800  }
0x36: {  	[tilespmem:s20], [sflag:$0x3] =	stream.linear.gather [hbm4b:s14+s5], $0x2800, $0x38;
	[tilespmem:$0x11000] =	vst v63  }
0x37: {  	_ =	swait.ge [sflag:s18], $0x2800  }
0x38: {  	[sflag:s18] =	ssyncset.done $0x0  }
0x39: {  	[sflag:s18] =	ssyncadd.s32 $0xFFFFD800  }
0x3a: {  	[tilespmem:s19], [sflag:$0x1] =	stream.indirect.gather [spmem:s3], $0x20, s5, s21, $0xb8;
	[tilespmem:$0x11000] =	vst v63  }
0x3b: {  	_ = 	snop  }
0x3c: {  	[tilespmem:s22], [sflag:$0x2] =	stream.indirect.gather [spmem:s3], $0x20, s21, s21, $0xb8;
	[tilespmem:$0x11000] =	vst v63  }
0x3d: {  	_ =	swait.ge [sflag:s23], $0x1000  }
0x3e: {  	[sflag:s23] =	ssyncset.done $0x0  }
0x3f: {  	s29 =	simm.s32 $0x2800;
	[sflag:s23] =	ssyncadd.s32 $0xFFFFF000  }
0x40: {  	[spmem:s4] =	stream.indirect.scatter.add.f32 [tilespmem:s19], [sflag:$0x3], $0x20, s29, s21, $0xb8;
	[tilespmem:$0x11000] =	vst v63  }
0x41: {  	_ =	swait.ge [sflag:s18], $0x1000  }
0x42: {  	[sflag:s18] =	ssyncset.done $0x0  }
0x43: {  	s29 =	simm.s32 $0x100;
	[sflag:s18] =	ssyncadd.s32 $0xFFFFF000  }
0x44: {  	[tilespmem:s19], [sflag:$0x1] =	stream.indirect.gather [spmem:s3], $0x20, s29, s21, $0xb8;
	[tilespmem:$0x11000] =	vst v63  }
0x45: {  	_ =	swait.ge [sflag:s24], $0x1000  }
0x46: {  	[sflag:s24] =	ssyncset.done $0x0  }
0x47: {  	s29 =	simm.s32 $0x2880;
	[sflag:s24] =	ssyncadd.s32 $0xFFFFF000  }
0x48: {  	[spmem:s4] =	stream.indirect.scatter.add.f32 [tilespmem:s22], [sflag:$0x3], $0x20, s29, s21, $0xb8;
	[tilespmem:$0x11000] =	vst v63  }
0x49: {  	_ =	swait.ge [sflag:s18], $0x1000  }
0x4a: {  	[sflag:s18] =	ssyncset.done $0x0  }
0x4b: {  	s30 =	simm.s32 $0x180;
	s29 =	simm.s32 $0x400;
	[sflag:s18] =	ssyncadd.s32 $0xFFFFF000  }
.LBB2_2:
0x4c: {  	[tilespmem:s22], [sflag:$0x2] =	stream.indirect.gather [spmem:s3], $0x20, s30, s21, $0xb8;
	[tilespmem:$0x11000] =	vst v63  }
0x4d: {  	s30 =	smov.u32 s29  }
0x4e: {  	p0 =	sne.s32 s29, $0x9800;
	s29 =	sadd.s32 $0x400, s29;
	_ =	swait.ge [sflag:s23], $0x1000  }
0x4f: {  	s30 =	sshra.s32 s30, $0x2;
	[sflag:s23] =	ssyncset.done $0x0  }
0x50: {  	s31 =	sadd.s32 $0x2800, s30;
	[sflag:s23] =	ssyncadd.s32 $0xFFFFF000  }
0x51: {  	[spmem:s4] =	stream.indirect.scatter.add.f32 [tilespmem:s19], [sflag:$0x3], $0x20, s31, s21, $0xb8;
	[tilespmem:$0x11000] =	vst v63  }
0x52: {  	_ =	swait.ge [sflag:s18], $0x1000  }
0x53: {  	[sflag:s18] =	ssyncset.done $0x0  }
0x54: {  	s31 =	sadd.s32 $0x100, s30;
	[sflag:s18] =	ssyncadd.s32 $0xFFFFF000  }
0x55: {  	[tilespmem:s19], [sflag:$0x1] =	stream.indirect.gather [spmem:s3], $0x20, s31, s21, $0xb8;
	[tilespmem:$0x11000] =	vst v63  }
0x56: {  	_ =	swait.ge [sflag:s24], $0x1000  }
0x57: {  	[sflag:s24] =	ssyncset.done $0x0  }
.Ltmp0:
0x58: {  	s31 =	sadd.s32 $0x2880, s30;
	[sflag:s24] =	ssyncadd.s32 $0xFFFFF000;
	(pc) =	sbr.rel @p0 .LBB2_2-.Ltmp0, $4  }
0x59: {  	[spmem:s4] =	stream.indirect.scatter.add.f32 [tilespmem:s22], [sflag:$0x3], $0x20, s31, s21, $0xb8;
	[tilespmem:$0x11000] =	vst v63  }
0x5a: {  	_ =	swait.ge [sflag:s18], $0x1000  }
0x5b: {  	[sflag:s18] =	ssyncset.done $0x0  }
0x5c: {  	s30 =	sadd.s32 $0x180, s30;
	[sflag:s18] =	ssyncadd.s32 $0xFFFFF000  }
0x5d: {  	[tilespmem:s22], [sflag:$0x2] =	stream.indirect.gather [spmem:s3], $0x20, s30, s21, $0xb8;
	[tilespmem:$0x11000] =	vst v63  }
0x5e: {  	_ =	swait.ge [sflag:s23], $0x1000  }
0x5f: {  	[sflag:s23] =	ssyncset.done $0x0  }
0x60: {  	[sflag:s23] =	ssyncadd.s32 $0xFFFFF000  }
0x61: {  	[spmem:s4] =	stream.indirect.scatter.add.f32 [tilespmem:s19], [sflag:$0x3], $0x20, s25, s21, $0xb8;
	[tilespmem:$0x11000] =	vst v63  }
0x62: {  	_ =	swait.ge [sflag:s18], $0x1000  }
0x63: {  	[sflag:s18] =	ssyncset.done $0x0  }
0x64: {  	[sflag:s18] =	ssyncadd.s32 $0xFFFFF000  }
0x65: {  	_ =	swait.ge [sflag:s24], $0x1000  }
0x66: {  	[sflag:s24] =	ssyncset.done $0x0  }
0x67: {  	[sflag:s24] =	ssyncadd.s32 $0xFFFFF000  }
0x68: {  	[spmem:s4] =	stream.indirect.scatter.add.f32 [tilespmem:s22], [sflag:$0x3], $0x20, s26, s21, $0xb8;
	[tilespmem:$0x11000] =	vst v63  }
0x69: {  	_ =	swait.ge [sflag:s18], $0x1000  }
0x6a: {  	s28 =	sadd.s32 $0x1, s28;
	[sflag:s18] =	ssyncset.done $0x0  }
0x6b: {  	p0 =	sne.s32 s28, s16;
	[sflag:s18] =	ssyncadd.s32 $0xFFFFF000  }
.Ltmp1:
0x6c: {  	s29 =	sshrl.u32 s8, $0x3;
	[bflag:$0x0] =	sbarrier.arrive $0xFFFF;
	(pc) =	sbr.rel @p0 .LBB2_1-.Ltmp1, $4  }
0x6d: {  	[hbm:s15], [sflag:s7] =	dma.local [spmem:s29], $0xA00  }
0x6e: {  	_ =	swait.ge [sflag:s18], $0xA00  }
0x6f: {  	[sflag:s18] =	ssyncset.done $0x0  }
0x70: {  	[sflag:s18] =	ssyncadd.s32 $0xFFFFF600  }
0x71: {  	_ =	sfence.sel $0x180000  }
0x72: {  	[bflag:$0x0] =	sbarrier.arrive $0xFFFF  }
0x73: {  	p0 =	sne.s32 s0, $0x0;
	_ =	strace $0x90000050  }
0x74: {  	s0 =	sadd.s32 @!p0 $0x100000, s2;
	[bflag:$0x2] =	sbarrier.arrive $0xFFFF  }
0x75: {  	[sflag:s0] =	ssyncadd.tile.s32 @!p0 $0x1;
	_ =	shalt  }
.Lfunc_end2:
_tile_overlayer_lowered:
.L_overlay_start_2:
0x76: {  	(tag) =	ssettag $0x2  }
0x77: {  	s0 =	rddreg [dreg:$0x0];
	s2 =	stileid.u32  }
0x78: {  	s1 =	rddreg [dreg:$0x1];
	p0 =	sne.s32 s2, $0x0  }
0x79: {  	s3 =	rddreg [dreg:$0x2];
	[bflag:$0x3] =	sbarrier.arrive $0xFFFF;
	s2 =	simm.s32 @!p0 $0x1C03  }
0x7a: {  	[timem:s3], [sflag:s2] =	dma.local @!p0 [hbm:s0], s1  }
0x7b: {  	s0 =	simm.s32 @!p0 $0x3  }
0x7c: {  	_ =	swait.ge @!p0 [sflag:s0], s1  }
0x7d: {  	s1 =	ssub.s32 @!p0 $0x0, s1;
	[sflag:s0] =	ssyncset.done @!p0 $0x0  }
0x7e: {  	[sflag:s0] =	ssyncadd.s32 @!p0 s1  }
0x7f: {  	[bflag:$0x3] =	sbarrier.arrive $0xFFFF  }
0x80: {  	_ =	shalt  }

</sc_bundles>
